<compile_context>
chip_gen: v7x
topology: tpu7x:2x2x1
jax: 0.10.2.dev20260603
libtpu: 0.0.44.dev20260713+nightly
codegen_flags: <defaults>
</compile_context>

<pallas_src>
import functools
import jax
import jax.numpy as jnp
from jax import lax
from jax.experimental import pallas as pl
from jax.experimental.pallas import tpu as pltpu
from jax.experimental.pallas import tpu_sc as plsc

B = 16384
NC = 2
NS = 16
L = 16
NW = NC * NS
BPW = B // NW
TAB_ROWS = 7808
TAB_SPLIT = TAB_ROWS * 128
N_TABLE = 1000000
TAIL = N_TABLE - TAB_SPLIT


@functools.partial(
    pl.kernel,
    out_type=jax.ShapeDtypeStruct((B,), jnp.float32),
    mesh=plsc.VectorSubcoreMesh(core_axis_name="c", subcore_axis_name="s"),
    compiler_params=pltpu.CompilerParams(needs_layout_passes=False),
    scratch_types=[
        pltpu.VMEM((BPW,), jnp.int32),
        pltpu.VMEM((BPW,), jnp.int32),
        pltpu.VMEM((BPW,), jnp.int32),
        pltpu.VMEM((BPW,), jnp.int32),
        pltpu.VMEM((BPW,), jnp.float32),
        pltpu.VMEM((BPW,), jnp.float32),
        pltpu.VMEM((TAIL,), jnp.float32),
        pltpu.VMEM((TAIL,), jnp.float32),
        pltpu.VMEM((BPW,), jnp.float32),
        pltpu.VMEM((3, L), jnp.float32),
        pltpu.SemaphoreType.DMA,
        pltpu.SemaphoreType.DMA,
        pltpu.SemaphoreType.DMA,
    ],
)
def _sc_link_scores(tab_a, tail_a, tab_p, tail_p, src_hbm, dst_hbm,
                    params_hbm, out_hbm, sidx_v, didx_v, sclamp_v, dclamp_v,
                    sval_v, dval_v, ta_v, tp_v, out_v, par_v,
                    sem0, sem1, sem2):
    wid = lax.axis_index("s") * NC + lax.axis_index("c")
    base = wid * BPW
    cp_si = pltpu.async_copy(src_hbm.at[pl.ds(base, BPW)], sidx_v, sem0)
    cp_di = pltpu.async_copy(dst_hbm.at[pl.ds(base, BPW)], didx_v, sem1)
    cp_pr = pltpu.async_copy(params_hbm, par_v, sem2)
    cp_ta = pltpu.async_copy(tail_a, ta_v, sem2)
    cp_tp = pltpu.async_copy(tail_p, tp_v, sem2)
    n_grp = BPW // L
    lim = jnp.full((L,), TAB_SPLIT - 1, jnp.int32)

    cp_si.wait()
    for i in range(n_grp):
        sl = pl.ds(i * L, L)
        sclamp_v[sl] = jnp.minimum(sidx_v[sl], lim)
    cp_sv = pltpu.async_copy(tab_a.at[sclamp_v], sval_v, sem0)

    cp_di.wait()
    for i in range(n_grp):
        sl = pl.ds(i * L, L)
        dclamp_v[sl] = jnp.minimum(didx_v[sl], lim)
    cp_dv = pltpu.async_copy(tab_p.at[dclamp_v], dval_v, sem1)

    cp_pr.wait()
    cp_ta.wait()
    cp_tp.wait()
    w0 = par_v[0, :]
    w1 = par_v[1, :]
    bb = par_v[2, :]

    cp_sv.wait()
    cp_dv.wait()
    for i in range(n_grp):
        sl = pl.ds(i * L, L)
        sidx = sidx_v[sl]
        didx = didx_v[sl]
        s_tail = plsc.load_gather(
            ta_v, [jnp.clip(sidx - TAB_SPLIT, 0, TAIL - 1)])
        d_tail = plsc.load_gather(
            tp_v, [jnp.clip(didx - TAB_SPLIT, 0, TAIL - 1)])
        sval = jnp.where(sidx >= TAB_SPLIT, s_tail, sval_v[sl])
        dval = jnp.where(didx >= TAB_SPLIT, d_tail, dval_v[sl])
        out_v[sl] = sval * w0 + dval * w1 + bb
    pltpu.sync_copy(out_v, out_hbm.at[pl.ds(base, BPW)])


def _flat_main(table):
    t = table[:TAB_SPLIT].reshape(TAB_ROWS, 128)
    t = lax.optimization_barrier(t)
    return t.reshape(-1)


def kernel(author_x, paper_x, src_index, dst_index, W, b):
    params = jnp.broadcast_to(
        jnp.concatenate([W[:, 0], b])[:, None], (3, L))
    return _sc_link_scores(_flat_main(author_x), author_x[TAB_SPLIT:, 0],
                           _flat_main(paper_x), paper_x[TAB_SPLIT:, 0],
                           src_index, dst_index, params)

# --- scband reference (transcript-rebuilt; emitter-appended) ---
"""Pipeline reference for scband-tiny-stitched-partition-hetero-link-block-predictor-39341900431685 (READ-ONLY COPY).

The authoritative reference and input builder live on the scoring server;
editing this copy changes nothing except your own understanding.
"""

import jax, jax.numpy as jnp
import numpy as np

N_AUTHOR = 1000000
N_PAPER = 1000000
B = 16384


def setup_inputs(seed: int = 0) -> dict:
    key = jax.random.key(seed)
    k1, k2, k3, k4, k5, k6 = jax.random.split(key, 6)
    author_x = jax.random.normal(k1, (N_AUTHOR, 1), dtype=jnp.float32)
    paper_x = jax.random.normal(k2, (N_PAPER, 1), dtype=jnp.float32)
    src_index = jax.random.randint(k3, (B,), 0, N_AUTHOR, dtype=jnp.int32)
    dst_index = jax.random.randint(k4, (B,), 0, N_PAPER, dtype=jnp.int32)
    # nn.Linear(2, 1): weight stored transposed here as (2, 1) for x @ W
    W = jax.random.normal(k5, (2, 1), dtype=jnp.float32) * 0.5
    b = jax.random.normal(k6, (1,), dtype=jnp.float32) * 0.1
    return {
        "author_x": author_x,
        "paper_x": paper_x,
        "src_index": src_index,
        "dst_index": dst_index,
        "W": W,
        "b": b,
    }


def reference(author_x, paper_x, src_index, dst_index, W, b):
    # gather src/dst node features (embedding lookup)
    src_x = jnp.take(author_x, src_index, axis=0)  # [B, 1]
    dst_x = jnp.take(paper_x, dst_index, axis=0)   # [B, 1]
    feats = jnp.concatenate([src_x, dst_x], axis=-1)  # [B, 2]
    scores = feats @ W + b  # [B, 1]
    return scores.squeeze(-1)  # [B]

if __name__ == "__main__":
    import jax
    _d = setup_inputs()
    print(jax.jit(kernel)(*tuple(_d.values())))

</pallas_src>

<mosaic_0001>
#map = affine_map<(d0, d1) -> (0)>
#map1 = affine_map<(d0, d1) -> (0, 0)>
module attributes {stable_mosaic.version = 14 : i64} {
  func.func @_sc_link_scores(%arg0: i32, %arg1: i32, %arg2: memref<999424xf32, #tpu.memory_space<hbm>>, %arg3: memref<576xf32, #tpu.memory_space<hbm>>, %arg4: memref<999424xf32, #tpu.memory_space<hbm>>, %arg5: memref<576xf32, #tpu.memory_space<hbm>>, %arg6: memref<16384xi32, #tpu.memory_space<hbm>>, %arg7: memref<16384xi32, #tpu.memory_space<hbm>>, %arg8: memref<3x16xf32, #tpu.memory_space<hbm>>, %arg9: memref<16384xf32, #tpu.memory_space<hbm>>, %arg10: memref<512xi32, #tpu.memory_space<vmem>>, %arg11: memref<512xi32, #tpu.memory_space<vmem>>, %arg12: memref<512xi32, #tpu.memory_space<vmem>>, %arg13: memref<512xi32, #tpu.memory_space<vmem>>, %arg14: memref<512xf32, #tpu.memory_space<vmem>>, %arg15: memref<512xf32, #tpu.memory_space<vmem>>, %arg16: memref<576xf32, #tpu.memory_space<vmem>>, %arg17: memref<576xf32, #tpu.memory_space<vmem>>, %arg18: memref<512xf32, #tpu.memory_space<vmem>>, %arg19: memref<3x16xf32, #tpu.memory_space<vmem>>, %arg20: memref<!tpu.dma_semaphore, #tpu.memory_space<semaphore_mem>>, %arg21: memref<!tpu.dma_semaphore, #tpu.memory_space<semaphore_mem>>, %arg22: memref<!tpu.dma_semaphore, #tpu.memory_space<semaphore_mem>>) attributes {dimension_semantics = [#tpu.dimension_semantics<core_parallel>, #tpu.dimension_semantics<subcore_parallel>], iteration_bounds = array<i64: 2, 16>, scalar_prefetch = 0 : i64, scratch_operands = 13 : i64, tpu.core_type = #tpu.core_type<sc_vector_subcore>, window_params = [{transform_indices = #map}, {transform_indices = #map}, {transform_indices = #map}, {transform_indices = #map}, {transform_indices = #map}, {transform_indices = #map}, {transform_indices = #map1}, {transform_indices = #map}]} {
    %mul3A = arith.constant 2 : i32
    %mul3A_0 = arith.muli %arg1, %mul3A : i32
    %add3A = arith.addi %mul3A_0, %arg0 : i32
    %mul3A_1 = arith.constant 512 : i32
    %mul3A_2 = arith.muli %add3A, %mul3A_1 : i32
    %dma_start3A = tpu.memref_slice %arg6[%mul3A_2] : memref<16384xi32, #tpu.memory_space<hbm>> -> memref<512xi32, #tpu.memory_space<hbm>>
    %dma_start3A_3 = tpu.memref_slice %arg6[%mul3A_2] : memref<16384xi32, #tpu.memory_space<hbm>> -> memref<512xi32, #tpu.memory_space<hbm>>
    tpu.enqueue_dma source(%dma_start3A_3 : memref<512xi32, #tpu.memory_space<hbm>>) target(%arg10 : memref<512xi32, #tpu.memory_space<vmem>>) target_semaphore(%arg20 : memref<!tpu.dma_semaphore, #tpu.memory_space<semaphore_mem>>)
    %dma_start3A_4 = tpu.memref_slice %arg7[%mul3A_2] : memref<16384xi32, #tpu.memory_space<hbm>> -> memref<512xi32, #tpu.memory_space<hbm>>
    %dma_start3A_5 = tpu.memref_slice %arg7[%mul3A_2] : memref<16384xi32, #tpu.memory_space<hbm>> -> memref<512xi32, #tpu.memory_space<hbm>>
    tpu.enqueue_dma source(%dma_start3A_5 : memref<512xi32, #tpu.memory_space<hbm>>) target(%arg11 : memref<512xi32, #tpu.memory_space<vmem>>) target_semaphore(%arg21 : memref<!tpu.dma_semaphore, #tpu.memory_space<semaphore_mem>>)
    tpu.enqueue_dma source(%arg8 : memref<3x16xf32, #tpu.memory_space<hbm>>) target(%arg19 : memref<3x16xf32, #tpu.memory_space<vmem>>) target_semaphore(%arg22 : memref<!tpu.dma_semaphore, #tpu.memory_space<semaphore_mem>>)
    tpu.enqueue_dma source(%arg3 : memref<576xf32, #tpu.memory_space<hbm>>) target(%arg16 : memref<576xf32, #tpu.memory_space<vmem>>) target_semaphore(%arg22 : memref<!tpu.dma_semaphore, #tpu.memory_space<semaphore_mem>>)
    tpu.enqueue_dma source(%arg5 : memref<576xf32, #tpu.memory_space<hbm>>) target(%arg17 : memref<576xf32, #tpu.memory_space<vmem>>) target_semaphore(%arg22 : memref<!tpu.dma_semaphore, #tpu.memory_space<semaphore_mem>>)
    %broadcast_in_dim3A = arith.constant 999423 : i32
    %broadcast_in_dim3A_6 = vector.broadcast %broadcast_in_dim3A : i32 to vector<16xi32>
    %dma_wait3A = tpu.memref_slice %arg6[%mul3A_2] : memref<16384xi32, #tpu.memory_space<hbm>> -> memref<512xi32, #tpu.memory_space<hbm>>
    %dma_wait3A_7 = tpu.memref_slice %arg6[%mul3A_2] : memref<16384xi32, #tpu.memory_space<hbm>> -> memref<512xi32, #tpu.memory_space<hbm>>
    tpu.wait_dma2 semaphore(%arg20 : memref<!tpu.dma_semaphore, #tpu.memory_space<semaphore_mem>>) src(%dma_wait3A_7 : memref<512xi32, #tpu.memory_space<hbm>>) dst(%arg10 : memref<512xi32, #tpu.memory_space<vmem>>)
    %get3A = arith.constant 0 : index
    %get3A_8 = tpu.vector_load %arg10[%get3A] {strides = array<i32>} : memref<512xi32, #tpu.memory_space<vmem>>, vector<16xi32>,
    %min3A = arith.minsi %get3A_8, %broadcast_in_dim3A_6 : vector<16xi32>
    %swap3A = arith.constant 0 : index
    %swap3A_9 = tpu.vector_load %arg12[%swap3A] {strides = array<i32>} : memref<512xi32, #tpu.memory_space<vmem>>, vector<16xi32>,
    tpu.vector_store %arg12[%swap3A], %min3A {strides = array<i32>} : memref<512xi32, #tpu.memory_space<vmem>>, vector<16xi32>,
    %get3A_10 = arith.constant 16 : index
    %get3A_11 = tpu.vector_load %arg10[%get3A_10] {strides = array<i32>} : memref<512xi32, #tpu.memory_space<vmem>>, vector<16xi32>,
    %min3A_12 = arith.minsi %get3A_11, %broadcast_in_dim3A_6 : vector<16xi32>
    %swap3A_13 = arith.constant 16 : index
    %swap3A_14 = tpu.vector_load %arg12[%swap3A_13] {strides = array<i32>} : memref<512xi32, #tpu.memory_space<vmem>>, vector<16xi32>,
    tpu.vector_store %arg12[%swap3A_13], %min3A_12 {strides = array<i32>} : memref<512xi32, #tpu.memory_space<vmem>>, vector<16xi32>,
    %get3A_15 = arith.constant 32 : index
    %get3A_16 = tpu.vector_load %arg10[%get3A_15] {strides = array<i32>} : memref<512xi32, #tpu.memory_space<vmem>>, vector<16xi32>,
    %min3A_17 = arith.minsi %get3A_16, %broadcast_in_dim3A_6 : vector<16xi32>
    %swap3A_18 = arith.constant 32 : index
    %swap3A_19 = tpu.vector_load %arg12[%swap3A_18] {strides = array<i32>} : memref<512xi32, #tpu.memory_space<vmem>>, vector<16xi32>,
    tpu.vector_store %arg12[%swap3A_18], %min3A_17 {strides = array<i32>} : memref<512xi32, #tpu.memory_space<vmem>>, vector<16xi32>,
    %get3A_20 = arith.constant 48 : index
    %get3A_21 = tpu.vector_load %arg10[%get3A_20] {strides = array<i32>} : memref<512xi32, #tpu.memory_space<vmem>>, vector<16xi32>,
    %min3A_22 = arith.minsi %get3A_21, %broadcast_in_dim3A_6 : vector<16xi32>
    %swap3A_23 = arith.constant 48 : index
    %swap3A_24 = tpu.vector_load %arg12[%swap3A_23] {strides = array<i32>} : memref<512xi32, #tpu.memory_space<vmem>>, vector<16xi32>,
    tpu.vector_store %arg12[%swap3A_23], %min3A_22 {strides = array<i32>} : memref<512xi32, #tpu.memory_space<vmem>>, vector<16xi32>,
    %get3A_25 = arith.constant 64 : index
    %get3A_26 = tpu.vector_load %arg10[%get3A_25] {strides = array<i32>} : memref<512xi32, #tpu.memory_space<vmem>>, vector<16xi32>,
    %min3A_27 = arith.minsi %get3A_26, %broadcast_in_dim3A_6 : vector<16xi32>
    %swap3A_28 = arith.constant 64 : index
    %swap3A_29 = tpu.vector_load %arg12[%swap3A_28] {strides = array<i32>} : memref<512xi32, #tpu.memory_space<vmem>>, vector<16xi32>,
    tpu.vector_store %arg12[%swap3A_28], %min3A_27 {strides = array<i32>} : memref<512xi32, #tpu.memory_space<vmem>>, vector<16xi32>,
    %get3A_30 = arith.constant 80 : index
    %get3A_31 = tpu.vector_load %arg10[%get3A_30] {strides = array<i32>} : memref<512xi32, #tpu.memory_space<vmem>>, vector<16xi32>,
    %min3A_32 = arith.minsi %get3A_31, %broadcast_in_dim3A_6 : vector<16xi32>
    %swap3A_33 = arith.constant 80 : index
    %swap3A_34 = tpu.vector_load %arg12[%swap3A_33] {strides = array<i32>} : memref<512xi32, #tpu.memory_space<vmem>>, vector<16xi32>,
    tpu.vector_store %arg12[%swap3A_33], %min3A_32 {strides = array<i32>} : memref<512xi32, #tpu.memory_space<vmem>>, vector<16xi32>,
    %get3A_35 = arith.constant 96 : index
    %get3A_36 = tpu.vector_load %arg10[%get3A_35] {strides = array<i32>} : memref<512xi32, #tpu.memory_space<vmem>>, vector<16xi32>,
    %min3A_37 = arith.minsi %get3A_36, %broadcast_in_dim3A_6 : vector<16xi32>
    %swap3A_38 = arith.constant 96 : index
    %swap3A_39 = tpu.vector_load %arg12[%swap3A_38] {strides = array<i32>} : memref<512xi32, #tpu.memory_space<vmem>>, vector<16xi32>,
    tpu.vector_store %arg12[%swap3A_38], %min3A_37 {strides = array<i32>} : memref<512xi32, #tpu.memory_space<vmem>>, vector<16xi32>,
    %get3A_40 = arith.constant 112 : index
    %get3A_41 = tpu.vector_load %arg10[%get3A_40] {strides = array<i32>} : memref<512xi32, #tpu.memory_space<vmem>>, vector<16xi32>,
    %min3A_42 = arith.minsi %get3A_41, %broadcast_in_dim3A_6 : vector<16xi32>
    %swap3A_43 = arith.constant 112 : index
    %swap3A_44 = tpu.vector_load %arg12[%swap3A_43] {strides = array<i32>} : memref<512xi32, #tpu.memory_space<vmem>>, vector<16xi32>,
    tpu.vector_store %arg12[%swap3A_43], %min3A_42 {strides = array<i32>} : memref<512xi32, #tpu.memory_space<vmem>>, vector<16xi32>,
    %get3A_45 = arith.constant 128 : index
    %get3A_46 = tpu.vector_load %arg10[%get3A_45] {strides = array<i32>} : memref<512xi32, #tpu.memory_space<vmem>>, vector<16xi32>,
    %min3A_47 = arith.minsi %get3A_46, %broadcast_in_dim3A_6 : vector<16xi32>
    %swap3A_48 = arith.constant 128 : index
    %swap3A_49 = tpu.vector_load %arg12[%swap3A_48] {strides = array<i32>} : memref<512xi32, #tpu.memory_space<vmem>>, vector<16xi32>,
    tpu.vector_store %arg12[%swap3A_48], %min3A_47 {strides = array<i32>} : memref<512xi32, #tpu.memory_space<vmem>>, vector<16xi32>,
    %get3A_50 = arith.constant 144 : index
    %get3A_51 = tpu.vector_load %arg10[%get3A_50] {strides = array<i32>} : memref<512xi32, #tpu.memory_space<vmem>>, vector<16xi32>,
    %min3A_52 = arith.minsi %get3A_51, %broadcast_in_dim3A_6 : vector<16xi32>
    %swap3A_53 = arith.constant 144 : index
    %swap3A_54 = tpu.vector_load %arg12[%swap3A_53] {strides = array<i32>} : memref<512xi32, #tpu.memory_space<vmem>>, vector<16xi32>,
    tpu.vector_store %arg12[%swap3A_53], %min3A_52 {strides = array<i32>} : memref<512xi32, #tpu.memory_space<vmem>>, vector<16xi32>,
    %get3A_55 = arith.constant 160 : index
    %get3A_56 = tpu.vector_load %arg10[%get3A_55] {strides = array<i32>} : memref<512xi32, #tpu.memory_space<vmem>>, vector<16xi32>,
    %min3A_57 = arith.minsi %get3A_56, %broadcast_in_dim3A_6 : vector<16xi32>
    %swap3A_58 = arith.constant 160 : index
    %swap3A_59 = tpu.vector_load %arg12[%swap3A_58] {strides = array<i32>} : memref<512xi32, #tpu.memory_space<vmem>>, vector<16xi32>,
    tpu.vector_store %arg12[%swap3A_58], %min3A_57 {strides = array<i32>} : memref<512xi32, #tpu.memory_space<vmem>>, vector<16xi32>,
    %get3A_60 = arith.constant 176 : index
    %get3A_61 = tpu.vector_load %arg10[%get3A_60] {strides = array<i32>} : memref<512xi32, #tpu.memory_space<vmem>>, vector<16xi32>,
    %min3A_62 = arith.minsi %get3A_61, %broadcast_in_dim3A_6 : vector<16xi32>
    %swap3A_63 = arith.constant 176 : index
    %swap3A_64 = tpu.vector_load %arg12[%swap3A_63] {strides = array<i32>} : memref<512xi32, #tpu.memory_space<vmem>>, vector<16xi32>,
    tpu.vector_store %arg12[%swap3A_63], %min3A_62 {strides = array<i32>} : memref<512xi32, #tpu.memory_space<vmem>>, vector<16xi32>,
    %get3A_65 = arith.constant 192 : index
    %get3A_66 = tpu.vector_load %arg10[%get3A_65] {strides = array<i32>} : memref<512xi32, #tpu.memory_space<vmem>>, vector<16xi32>,
    %min3A_67 = arith.minsi %get3A_66, %broadcast_in_dim3A_6 : vector<16xi32>
    %swap3A_68 = arith.constant 192 : index
    %swap3A_69 = tpu.vector_load %arg12[%swap3A_68] {strides = array<i32>} : memref<512xi32, #tpu.memory_space<vmem>>, vector<16xi32>,
    tpu.vector_store %arg12[%swap3A_68], %min3A_67 {strides = array<i32>} : memref<512xi32, #tpu.memory_space<vmem>>, vector<16xi32>,
    %get3A_70 = arith.constant 208 : index
    %get3A_71 = tpu.vector_load %arg10[%get3A_70] {strides = array<i32>} : memref<512xi32, #tpu.memory_space<vmem>>, vector<16xi32>,
    %min3A_72 = arith.minsi %get3A_71, %broadcast_in_dim3A_6 : vector<16xi32>
    %swap3A_73 = arith.constant 208 : index
    %swap3A_74 = tpu.vector_load %arg12[%swap3A_73] {strides = array<i32>} : memref<512xi32, #tpu.memory_space<vmem>>, vector<16xi32>,
    tpu.vector_store %arg12[%swap3A_73], %min3A_72 {strides = array<i32>} : memref<512xi32, #tpu.memory_space<vmem>>, vector<16xi32>,
    %get3A_75 = arith.constant 224 : index
    %get3A_76 = tpu.vector_load %arg10[%get3A_75] {strides = array<i32>} : memref<512xi32, #tpu.memory_space<vmem>>, vector<16xi32>,
    %min3A_77 = arith.minsi %get3A_76, %broadcast_in_dim3A_6 : vector<16xi32>
    %swap3A_78 = arith.constant 224 : index
    %swap3A_79 = tpu.vector_load %arg12[%swap3A_78] {strides = array<i32>} : memref<512xi32, #tpu.memory_space<vmem>>, vector<16xi32>,
    tpu.vector_store %arg12[%swap3A_78], %min3A_77 {strides = array<i32>} : memref<512xi32, #tpu.memory_space<vmem>>, vector<16xi32>,
    %get3A_80 = arith.constant 240 : index
    %get3A_81 = tpu.vector_load %arg10[%get3A_80] {strides = array<i32>} : memref<512xi32, #tpu.memory_space<vmem>>, vector<16xi32>,
    %min3A_82 = arith.minsi %get3A_81, %broadcast_in_dim3A_6 : vector<16xi32>
    %swap3A_83 = arith.constant 240 : index
    %swap3A_84 = tpu.vector_load %arg12[%swap3A_83] {strides = array<i32>} : memref<512xi32, #tpu.memory_space<vmem>>, vector<16xi32>,
    tpu.vector_store %arg12[%swap3A_83], %min3A_82 {strides = array<i32>} : memref<512xi32, #tpu.memory_space<vmem>>, vector<16xi32>,
    %get3A_85 = arith.constant 256 : index
    %get3A_86 = tpu.vector_load %arg10[%get3A_85] {strides = array<i32>} : memref<512xi32, #tpu.memory_space<vmem>>, vector<16xi32>,
    %min3A_87 = arith.minsi %get3A_86, %broadcast_in_dim3A_6 : vector<16xi32>
    %swap3A_88 = arith.constant 256 : index
    %swap3A_89 = tpu.vector_load %arg12[%swap3A_88] {strides = array<i32>} : memref<512xi32, #tpu.memory_space<vmem>>, vector<16xi32>,
    tpu.vector_store %arg12[%swap3A_88], %min3A_87 {strides = array<i32>} : memref<512xi32, #tpu.memory_space<vmem>>, vector<16xi32>,
    %get3A_90 = arith.constant 272 : index
    %get3A_91 = tpu.vector_load %arg10[%get3A_90] {strides = array<i32>} : memref<512xi32, #tpu.memory_space<vmem>>, vector<16xi32>,
    %min3A_92 = arith.minsi %get3A_91, %broadcast_in_dim3A_6 : vector<16xi32>
    %swap3A_93 = arith.constant 272 : index
    %swap3A_94 = tpu.vector_load %arg12[%swap3A_93] {strides = array<i32>} : memref<512xi32, #tpu.memory_space<vmem>>, vector<16xi32>,
    tpu.vector_store %arg12[%swap3A_93], %min3A_92 {strides = array<i32>} : memref<512xi32, #tpu.memory_space<vmem>>, vector<16xi32>,
    %get3A_95 = arith.constant 288 : index
    %get3A_96 = tpu.vector_load %arg10[%get3A_95] {strides = array<i32>} : memref<512xi32, #tpu.memory_space<vmem>>, vector<16xi32>,
    %min3A_97 = arith.minsi %get3A_96, %broadcast_in_dim3A_6 : vector<16xi32>
    %swap3A_98 = arith.constant 288 : index
    %swap3A_99 = tpu.vector_load %arg12[%swap3A_98] {strides = array<i32>} : memref<512xi32, #tpu.memory_space<vmem>>, vector<16xi32>,
    tpu.vector_store %arg12[%swap3A_98], %min3A_97 {strides = array<i32>} : memref<512xi32, #tpu.memory_space<vmem>>, vector<16xi32>,
    %get3A_100 = arith.constant 304 : index
    %get3A_101 = tpu.vector_load %arg10[%get3A_100] {strides = array<i32>} : memref<512xi32, #tpu.memory_space<vmem>>, vector<16xi32>,
    %min3A_102 = arith.minsi %get3A_101, %broadcast_in_dim3A_6 : vector<16xi32>
    %swap3A_103 = arith.constant 304 : index
    %swap3A_104 = tpu.vector_load %arg12[%swap3A_103] {strides = array<i32>} : memref<512xi32, #tpu.memory_space<vmem>>, vector<16xi32>,
    tpu.vector_store %arg12[%swap3A_103], %min3A_102 {strides = array<i32>} : memref<512xi32, #tpu.memory_space<vmem>>, vector<16xi32>,
    %get3A_105 = arith.constant 320 : index
    %get3A_106 = tpu.vector_load %arg10[%get3A_105] {strides = array<i32>} : memref<512xi32, #tpu.memory_space<vmem>>, vector<16xi32>,
    %min3A_107 = arith.minsi %get3A_106, %broadcast_in_dim3A_6 : vector<16xi32>
    %swap3A_108 = arith.constant 320 : index
    %swap3A_109 = tpu.vector_load %arg12[%swap3A_108] {strides = array<i32>} : memref<512xi32, #tpu.memory_space<vmem>>, vector<16xi32>,
    tpu.vector_store %arg12[%swap3A_108], %min3A_107 {strides = array<i32>} : memref<512xi32, #tpu.memory_space<vmem>>, vector<16xi32>,
    %get3A_110 = arith.constant 336 : index
    %get3A_111 = tpu.vector_load %arg10[%get3A_110] {strides = array<i32>} : memref<512xi32, #tpu.memory_space<vmem>>, vector<16xi32>,
    %min3A_112 = arith.minsi %get3A_111, %broadcast_in_dim3A_6 : vector<16xi32>
    %swap3A_113 = arith.constant 336 : index
    %swap3A_114 = tpu.vector_load %arg12[%swap3A_113] {strides = array<i32>} : memref<512xi32, #tpu.memory_space<vmem>>, vector<16xi32>,
    tpu.vector_store %arg12[%swap3A_113], %min3A_112 {strides = array<i32>} : memref<512xi32, #tpu.memory_space<vmem>>, vector<16xi32>,
    %get3A_115 = arith.constant 352 : index
    %get3A_116 = tpu.vector_load %arg10[%get3A_115] {strides = array<i32>} : memref<512xi32, #tpu.memory_space<vmem>>, vector<16xi32>,
    %min3A_117 = arith.minsi %get3A_116, %broadcast_in_dim3A_6 : vector<16xi32>
    %swap3A_118 = arith.constant 352 : index
    %swap3A_119 = tpu.vector_load %arg12[%swap3A_118] {strides = array<i32>} : memref<512xi32, #tpu.memory_space<vmem>>, vector<16xi32>,
    tpu.vector_store %arg12[%swap3A_118], %min3A_117 {strides = array<i32>} : memref<512xi32, #tpu.memory_space<vmem>>, vector<16xi32>,
    %get3A_120 = arith.constant 368 : index
    %get3A_121 = tpu.vector_load %arg10[%get3A_120] {strides = array<i32>} : memref<512xi32, #tpu.memory_space<vmem>>, vector<16xi32>,
    %min3A_122 = arith.minsi %get3A_121, %broadcast_in_dim3A_6 : vector<16xi32>
    %swap3A_123 = arith.constant 368 : index
    %swap3A_124 = tpu.vector_load %arg12[%swap3A_123] {strides = array<i32>} : memref<512xi32, #tpu.memory_space<vmem>>, vector<16xi32>,
    tpu.vector_store %arg12[%swap3A_123], %min3A_122 {strides = array<i32>} : memref<512xi32, #tpu.memory_space<vmem>>, vector<16xi32>,
    %get3A_125 = arith.constant 384 : index
    %get3A_126 = tpu.vector_load %arg10[%get3A_125] {strides = array<i32>} : memref<512xi32, #tpu.memory_space<vmem>>, vector<16xi32>,
    %min3A_127 = arith.minsi %get3A_126, %broadcast_in_dim3A_6 : vector<16xi32>
    %swap3A_128 = arith.constant 384 : index
    %swap3A_129 = tpu.vector_load %arg12[%swap3A_128] {strides = array<i32>} : memref<512xi32, #tpu.memory_space<vmem>>, vector<16xi32>,
    tpu.vector_store %arg12[%swap3A_128], %min3A_127 {strides = array<i32>} : memref<512xi32, #tpu.memory_space<vmem>>, vector<16xi32>,
    %get3A_130 = arith.constant 400 : index
    %get3A_131 = tpu.vector_load %arg10[%get3A_130] {strides = array<i32>} : memref<512xi32, #tpu.memory_space<vmem>>, vector<16xi32>,
    %min3A_132 = arith.minsi %get3A_131, %broadcast_in_dim3A_6 : vector<16xi32>
    %swap3A_133 = arith.constant 400 : index
    %swap3A_134 = tpu.vector_load %arg12[%swap3A_133] {strides = array<i32>} : memref<512xi32, #tpu.memory_space<vmem>>, vector<16xi32>,
    tpu.vector_store %arg12[%swap3A_133], %min3A_132 {strides = array<i32>} : memref<512xi32, #tpu.memory_space<vmem>>, vector<16xi32>,
    %get3A_135 = arith.constant 416 : index
    %get3A_136 = tpu.vector_load %arg10[%get3A_135] {strides = array<i32>} : memref<512xi32, #tpu.memory_space<vmem>>, vector<16xi32>,
    %min3A_137 = arith.minsi %get3A_136, %broadcast_in_dim3A_6 : vector<16xi32>
    %swap3A_138 = arith.constant 416 : index
    %swap3A_139 = tpu.vector_load %arg12[%swap3A_138] {strides = array<i32>} : memref<512xi32, #tpu.memory_space<vmem>>, vector<16xi32>,
    tpu.vector_store %arg12[%swap3A_138], %min3A_137 {strides = array<i32>} : memref<512xi32, #tpu.memory_space<vmem>>, vector<16xi32>,
    %get3A_140 = arith.constant 432 : index
    %get3A_141 = tpu.vector_load %arg10[%get3A_140] {strides = array<i32>} : memref<512xi32, #tpu.memory_space<vmem>>, vector<16xi32>,
    %min3A_142 = arith.minsi %get3A_141, %broadcast_in_dim3A_6 : vector<16xi32>
    %swap3A_143 = arith.constant 432 : index
    %swap3A_144 = tpu.vector_load %arg12[%swap3A_143] {strides = array<i32>} : memref<512xi32, #tpu.memory_space<vmem>>, vector<16xi32>,
    tpu.vector_store %arg12[%swap3A_143], %min3A_142 {strides = array<i32>} : memref<512xi32, #tpu.memory_space<vmem>>, vector<16xi32>,
    %get3A_145 = arith.constant 448 : index
    %get3A_146 = tpu.vector_load %arg10[%get3A_145] {strides = array<i32>} : memref<512xi32, #tpu.memory_space<vmem>>, vector<16xi32>,
    %min3A_147 = arith.minsi %get3A_146, %broadcast_in_dim3A_6 : vector<16xi32>
    %swap3A_148 = arith.constant 448 : index
    %swap3A_149 = tpu.vector_load %arg12[%swap3A_148] {strides = array<i32>} : memref<512xi32, #tpu.memory_space<vmem>>, vector<16xi32>,
    tpu.vector_store %arg12[%swap3A_148], %min3A_147 {strides = array<i32>} : memref<512xi32, #tpu.memory_space<vmem>>, vector<16xi32>,
    %get3A_150 = arith.constant 464 : index
    %get3A_151 = tpu.vector_load %arg10[%get3A_150] {strides = array<i32>} : memref<512xi32, #tpu.memory_space<vmem>>, vector<16xi32>,
    %min3A_152 = arith.minsi %get3A_151, %broadcast_in_dim3A_6 : vector<16xi32>
    %swap3A_153 = arith.constant 464 : index
    %swap3A_154 = tpu.vector_load %arg12[%swap3A_153] {strides = array<i32>} : memref<512xi32, #tpu.memory_space<vmem>>, vector<16xi32>,
    tpu.vector_store %arg12[%swap3A_153], %min3A_152 {strides = array<i32>} : memref<512xi32, #tpu.memory_space<vmem>>, vector<16xi32>,
    %get3A_155 = arith.constant 480 : index
    %get3A_156 = tpu.vector_load %arg10[%get3A_155] {strides = array<i32>} : memref<512xi32, #tpu.memory_space<vmem>>, vector<16xi32>,
    %min3A_157 = arith.minsi %get3A_156, %broadcast_in_dim3A_6 : vector<16xi32>
    %swap3A_158 = arith.constant 480 : index
    %swap3A_159 = tpu.vector_load %arg12[%swap3A_158] {strides = array<i32>} : memref<512xi32, #tpu.memory_space<vmem>>, vector<16xi32>,
    tpu.vector_store %arg12[%swap3A_158], %min3A_157 {strides = array<i32>} : memref<512xi32, #tpu.memory_space<vmem>>, vector<16xi32>,
    %get3A_160 = arith.constant 496 : index
    %get3A_161 = tpu.vector_load %arg10[%get3A_160] {strides = array<i32>} : memref<512xi32, #tpu.memory_space<vmem>>, vector<16xi32>,
    %min3A_162 = arith.minsi %get3A_161, %broadcast_in_dim3A_6 : vector<16xi32>
    %swap3A_163 = arith.constant 496 : index
    %swap3A_164 = tpu.vector_load %arg12[%swap3A_163] {strides = array<i32>} : memref<512xi32, #tpu.memory_space<vmem>>, vector<16xi32>,
    tpu.vector_store %arg12[%swap3A_163], %min3A_162 {strides = array<i32>} : memref<512xi32, #tpu.memory_space<vmem>>, vector<16xi32>,
    %dma_start3A_165 = arith.constant 0 : i32
    %dma_start3A_166 = tpu.memref_slice %arg2[%dma_start3A_165] : memref<999424xf32, #tpu.memory_space<hbm>> -> memref<999424xf32, #tpu.memory_space<hbm>>
    tpu.enqueue_indirect_dma source(%dma_start3A_166 : memref<999424xf32, #tpu.memory_space<hbm>>) target(%arg14 : memref<512xf32, #tpu.memory_space<vmem>>) offsets(%arg12 : memref<512xi32, #tpu.memory_space<vmem>>) semaphore(%arg20 : memref<!tpu.dma_semaphore, #tpu.memory_space<semaphore_mem>>)
    %dma_wait3A_167 = tpu.memref_slice %arg7[%mul3A_2] : memref<16384xi32, #tpu.memory_space<hbm>> -> memref<512xi32, #tpu.memory_space<hbm>>
    %dma_wait3A_168 = tpu.memref_slice %arg7[%mul3A_2] : memref<16384xi32, #tpu.memory_space<hbm>> -> memref<512xi32, #tpu.memory_space<hbm>>
    tpu.wait_dma2 semaphore(%arg21 : memref<!tpu.dma_semaphore, #tpu.memory_space<semaphore_mem>>) src(%dma_wait3A_168 : memref<512xi32, #tpu.memory_space<hbm>>) dst(%arg11 : memref<512xi32, #tpu.memory_space<vmem>>)
    %get3A_169 = arith.constant 0 : index
    %get3A_170 = tpu.vector_load %arg11[%get3A_169] {strides = array<i32>} : memref<512xi32, #tpu.memory_space<vmem>>, vector<16xi32>,
    %min3A_171 = arith.minsi %get3A_170, %broadcast_in_dim3A_6 : vector<16xi32>
    %swap3A_172 = arith.constant 0 : index
    %swap3A_173 = tpu.vector_load %arg13[%swap3A_172] {strides = array<i32>} : memref<512xi32, #tpu.memory_space<vmem>>, vector<16xi32>,
    tpu.vector_store %arg13[%swap3A_172], %min3A_171 {strides = array<i32>} : memref<512xi32, #tpu.memory_space<vmem>>, vector<16xi32>,
    %get3A_174 = arith.constant 16 : index
    %get3A_175 = tpu.vector_load %arg11[%get3A_174] {strides = array<i32>} : memref<512xi32, #tpu.memory_space<vmem>>, vector<16xi32>,
    %min3A_176 = arith.minsi %get3A_175, %broadcast_in_dim3A_6 : vector<16xi32>
    %swap3A_177 = arith.constant 16 : index
    %swap3A_178 = tpu.vector_load %arg13[%swap3A_177] {strides = array<i32>} : memref<512xi32, #tpu.memory_space<vmem>>, vector<16xi32>,
    tpu.vector_store %arg13[%swap3A_177], %min3A_176 {strides = array<i32>} : memref<512xi32, #tpu.memory_space<vmem>>, vector<16xi32>,
    %get3A_179 = arith.constant 32 : index
    %get3A_180 = tpu.vector_load %arg11[%get3A_179] {strides = array<i32>} : memref<512xi32, #tpu.memory_space<vmem>>, vector<16xi32>,
    %min3A_181 = arith.minsi %get3A_180, %broadcast_in_dim3A_6 : vector<16xi32>
    %swap3A_182 = arith.constant 32 : index
    %swap3A_183 = tpu.vector_load %arg13[%swap3A_182] {strides = array<i32>} : memref<512xi32, #tpu.memory_space<vmem>>, vector<16xi32>,
    tpu.vector_store %arg13[%swap3A_182], %min3A_181 {strides = array<i32>} : memref<512xi32, #tpu.memory_space<vmem>>, vector<16xi32>,
    %get3A_184 = arith.constant 48 : index
    %get3A_185 = tpu.vector_load %arg11[%get3A_184] {strides = array<i32>} : memref<512xi32, #tpu.memory_space<vmem>>, vector<16xi32>,
    %min3A_186 = arith.minsi %get3A_185, %broadcast_in_dim3A_6 : vector<16xi32>
    %swap3A_187 = arith.constant 48 : index
    %swap3A_188 = tpu.vector_load %arg13[%swap3A_187] {strides = array<i32>} : memref<512xi32, #tpu.memory_space<vmem>>, vector<16xi32>,
    tpu.vector_store %arg13[%swap3A_187], %min3A_186 {strides = array<i32>} : memref<512xi32, #tpu.memory_space<vmem>>, vector<16xi32>,
    %get3A_189 = arith.constant 64 : index
    %get3A_190 = tpu.vector_load %arg11[%get3A_189] {strides = array<i32>} : memref<512xi32, #tpu.memory_space<vmem>>, vector<16xi32>,
    %min3A_191 = arith.minsi %get3A_190, %broadcast_in_dim3A_6 : vector<16xi32>
    %swap3A_192 = arith.constant 64 : index
    %swap3A_193 = tpu.vector_load %arg13[%swap3A_192] {strides = array<i32>} : memref<512xi32, #tpu.memory_space<vmem>>, vector<16xi32>,
    tpu.vector_store %arg13[%swap3A_192], %min3A_191 {strides = array<i32>} : memref<512xi32, #tpu.memory_space<vmem>>, vector<16xi32>,
    %get3A_194 = arith.constant 80 : index
    %get3A_195 = tpu.vector_load %arg11[%get3A_194] {strides = array<i32>} : memref<512xi32, #tpu.memory_space<vmem>>, vector<16xi32>,
    %min3A_196 = arith.minsi %get3A_195, %broadcast_in_dim3A_6 : vector<16xi32>
    %swap3A_197 = arith.constant 80 : index
    %swap3A_198 = tpu.vector_load %arg13[%swap3A_197] {strides = array<i32>} : memref<512xi32, #tpu.memory_space<vmem>>, vector<16xi32>,
    tpu.vector_store %arg13[%swap3A_197], %min3A_196 {strides = array<i32>} : memref<512xi32, #tpu.memory_space<vmem>>, vector<16xi32>,
    %get3A_199 = arith.constant 96 : index
    %get3A_200 = tpu.vector_load %arg11[%get3A_199] {strides = array<i32>} : memref<512xi32, #tpu.memory_space<vmem>>, vector<16xi32>,
    %min3A_201 = arith.minsi %get3A_200, %broadcast_in_dim3A_6 : vector<16xi32>
    %swap3A_202 = arith.constant 96 : index
    %swap3A_203 = tpu.vector_load %arg13[%swap3A_202] {strides = array<i32>} : memref<512xi32, #tpu.memory_space<vmem>>, vector<16xi32>,
    tpu.vector_store %arg13[%swap3A_202], %min3A_201 {strides = array<i32>} : memref<512xi32, #tpu.memory_space<vmem>>, vector<16xi32>,
    %get3A_204 = arith.constant 112 : index
    %get3A_205 = tpu.vector_load %arg11[%get3A_204] {strides = array<i32>} : memref<512xi32, #tpu.memory_space<vmem>>, vector<16xi32>,
    %min3A_206 = arith.minsi %get3A_205, %broadcast_in_dim3A_6 : vector<16xi32>
    %swap3A_207 = arith.constant 112 : index
    %swap3A_208 = tpu.vector_load %arg13[%swap3A_207] {strides = array<i32>} : memref<512xi32, #tpu.memory_space<vmem>>, vector<16xi32>,
    tpu.vector_store %arg13[%swap3A_207], %min3A_206 {strides = array<i32>} : memref<512xi32, #tpu.memory_space<vmem>>, vector<16xi32>,
    %get3A_209 = arith.constant 128 : index
    %get3A_210 = tpu.vector_load %arg11[%get3A_209] {strides = array<i32>} : memref<512xi32, #tpu.memory_space<vmem>>, vector<16xi32>,
    %min3A_211 = arith.minsi %get3A_210, %broadcast_in_dim3A_6 : vector<16xi32>
    %swap3A_212 = arith.constant 128 : index
    %swap3A_213 = tpu.vector_load %arg13[%swap3A_212] {strides = array<i32>} : memref<512xi32, #tpu.memory_space<vmem>>, vector<16xi32>,
    tpu.vector_store %arg13[%swap3A_212], %min3A_211 {strides = array<i32>} : memref<512xi32, #tpu.memory_space<vmem>>, vector<16xi32>,
    %get3A_214 = arith.constant 144 : index
    %get3A_215 = tpu.vector_load %arg11[%get3A_214] {strides = array<i32>} : memref<512xi32, #tpu.memory_space<vmem>>, vector<16xi32>,
    %min3A_216 = arith.minsi %get3A_215, %broadcast_in_dim3A_6 : vector<16xi32>
    %swap3A_217 = arith.constant 144 : index
    %swap3A_218 = tpu.vector_load %arg13[%swap3A_217] {strides = array<i32>} : memref<512xi32, #tpu.memory_space<vmem>>, vector<16xi32>,
    tpu.vector_store %arg13[%swap3A_217], %min3A_216 {strides = array<i32>} : memref<512xi32, #tpu.memory_space<vmem>>, vector<16xi32>,
    %get3A_219 = arith.constant 160 : index
    %get3A_220 = tpu.vector_load %arg11[%get3A_219] {strides = array<i32>} : memref<512xi32, #tpu.memory_space<vmem>>, vector<16xi32>,
    %min3A_221 = arith.minsi %get3A_220, %broadcast_in_dim3A_6 : vector<16xi32>
    %swap3A_222 = arith.constant 160 : index
    %swap3A_223 = tpu.vector_load %arg13[%swap3A_222] {strides = array<i32>} : memref<512xi32, #tpu.memory_space<vmem>>, vector<16xi32>,
    tpu.vector_store %arg13[%swap3A_222], %min3A_221 {strides = array<i32>} : memref<512xi32, #tpu.memory_space<vmem>>, vector<16xi32>,
    %get3A_224 = arith.constant 176 : index
    %get3A_225 = tpu.vector_load %arg11[%get3A_224] {strides = array<i32>} : memref<512xi32, #tpu.memory_space<vmem>>, vector<16xi32>,
    %min3A_226 = arith.minsi %get3A_225, %broadcast_in_dim3A_6 : vector<16xi32>
    %swap3A_227 = arith.constant 176 : index
    %swap3A_228 = tpu.vector_load %arg13[%swap3A_227] {strides = array<i32>} : memref<512xi32, #tpu.memory_space<vmem>>, vector<16xi32>,
    tpu.vector_store %arg13[%swap3A_227], %min3A_226 {strides = array<i32>} : memref<512xi32, #tpu.memory_space<vmem>>, vector<16xi32>,
    %get3A_229 = arith.constant 192 : index
    %get3A_230 = tpu.vector_load %arg11[%get3A_229] {strides = array<i32>} : memref<512xi32, #tpu.memory_space<vmem>>, vector<16xi32>,
    %min3A_231 = arith.minsi %get3A_230, %broadcast_in_dim3A_6 : vector<16xi32>
    %swap3A_232 = arith.constant 192 : index
    %swap3A_233 = tpu.vector_load %arg13[%swap3A_232] {strides = array<i32>} : memref<512xi32, #tpu.memory_space<vmem>>, vector<16xi32>,
    tpu.vector_store %arg13[%swap3A_232], %min3A_231 {strides = array<i32>} : memref<512xi32, #tpu.memory_space<vmem>>, vector<16xi32>,
    %get3A_234 = arith.constant 208 : index
    %get3A_235 = tpu.vector_load %arg11[%get3A_234] {strides = array<i32>} : memref<512xi32, #tpu.memory_space<vmem>>, vector<16xi32>,
    %min3A_236 = arith.minsi %get3A_235, %broadcast_in_dim3A_6 : vector<16xi32>
    %swap3A_237 = arith.constant 208 : index
    %swap3A_238 = tpu.vector_load %arg13[%swap3A_237] {strides = array<i32>} : memref<512xi32, #tpu.memory_space<vmem>>, vector<16xi32>,
    tpu.vector_store %arg13[%swap3A_237], %min3A_236 {strides = array<i32>} : memref<512xi32, #tpu.memory_space<vmem>>, vector<16xi32>,
    %get3A_239 = arith.constant 224 : index
    %get3A_240 = tpu.vector_load %arg11[%get3A_239] {strides = array<i32>} : memref<512xi32, #tpu.memory_space<vmem>>, vector<16xi32>,
    %min3A_241 = arith.minsi %get3A_240, %broadcast_in_dim3A_6 : vector<16xi32>
    %swap3A_242 = arith.constant 224 : index
    %swap3A_243 = tpu.vector_load %arg13[%swap3A_242] {strides = array<i32>} : memref<512xi32, #tpu.memory_space<vmem>>, vector<16xi32>,
    tpu.vector_store %arg13[%swap3A_242], %min3A_241 {strides = array<i32>} : memref<512xi32, #tpu.memory_space<vmem>>, vector<16xi32>,
    %get3A_244 = arith.constant 240 : index
    %get3A_245 = tpu.vector_load %arg11[%get3A_244] {strides = array<i32>} : memref<512xi32, #tpu.memory_space<vmem>>, vector<16xi32>,
    %min3A_246 = arith.minsi %get3A_245, %broadcast_in_dim3A_6 : vector<16xi32>
    %swap3A_247 = arith.constant 240 : index
    %swap3A_248 = tpu.vector_load %arg13[%swap3A_247] {strides = array<i32>} : memref<512xi32, #tpu.memory_space<vmem>>, vector<16xi32>,
    tpu.vector_store %arg13[%swap3A_247], %min3A_246 {strides = array<i32>} : memref<512xi32, #tpu.memory_space<vmem>>, vector<16xi32>,
    %get3A_249 = arith.constant 256 : index
    %get3A_250 = tpu.vector_load %arg11[%get3A_249] {strides = array<i32>} : memref<512xi32, #tpu.memory_space<vmem>>, vector<16xi32>,
    %min3A_251 = arith.minsi %get3A_250, %broadcast_in_dim3A_6 : vector<16xi32>
    %swap3A_252 = arith.constant 256 : index
    %swap3A_253 = tpu.vector_load %arg13[%swap3A_252] {strides = array<i32>} : memref<512xi32, #tpu.memory_space<vmem>>, vector<16xi32>,
    tpu.vector_store %arg13[%swap3A_252], %min3A_251 {strides = array<i32>} : memref<512xi32, #tpu.memory_space<vmem>>, vector<16xi32>,
    %get3A_254 = arith.constant 272 : index
    %get3A_255 = tpu.vector_load %arg11[%get3A_254] {strides = array<i32>} : memref<512xi32, #tpu.memory_space<vmem>>, vector<16xi32>,
    %min3A_256 = arith.minsi %get3A_255, %broadcast_in_dim3A_6 : vector<16xi32>
    %swap3A_257 = arith.constant 272 : index
    %swap3A_258 = tpu.vector_load %arg13[%swap3A_257] {strides = array<i32>} : memref<512xi32, #tpu.memory_space<vmem>>, vector<16xi32>,
    tpu.vector_store %arg13[%swap3A_257], %min3A_256 {strides = array<i32>} : memref<512xi32, #tpu.memory_space<vmem>>, vector<16xi32>,
    %get3A_259 = arith.constant 288 : index
    %get3A_260 = tpu.vector_load %arg11[%get3A_259] {strides = array<i32>} : memref<512xi32, #tpu.memory_space<vmem>>, vector<16xi32>,
    %min3A_261 = arith.minsi %get3A_260, %broadcast_in_dim3A_6 : vector<16xi32>
    %swap3A_262 = arith.constant 288 : index
    %swap3A_263 = tpu.vector_load %arg13[%swap3A_262] {strides = array<i32>} : memref<512xi32, #tpu.memory_space<vmem>>, vector<16xi32>,
    tpu.vector_store %arg13[%swap3A_262], %min3A_261 {strides = array<i32>} : memref<512xi32, #tpu.memory_space<vmem>>, vector<16xi32>,
    %get3A_264 = arith.constant 304 : index
    %get3A_265 = tpu.vector_load %arg11[%get3A_264] {strides = array<i32>} : memref<512xi32, #tpu.memory_space<vmem>>, vector<16xi32>,
    %min3A_266 = arith.minsi %get3A_265, %broadcast_in_dim3A_6 : vector<16xi32>
    %swap3A_267 = arith.constant 304 : index
    %swap3A_268 = tpu.vector_load %arg13[%swap3A_267] {strides = array<i32>} : memref<512xi32, #tpu.memory_space<vmem>>, vector<16xi32>,
    tpu.vector_store %arg13[%swap3A_267], %min3A_266 {strides = array<i32>} : memref<512xi32, #tpu.memory_space<vmem>>, vector<16xi32>,
    %get3A_269 = arith.constant 320 : index
    %get3A_270 = tpu.vector_load %arg11[%get3A_269] {strides = array<i32>} : memref<512xi32, #tpu.memory_space<vmem>>, vector<16xi32>,
    %min3A_271 = arith.minsi %get3A_270, %broadcast_in_dim3A_6 : vector<16xi32>
    %swap3A_272 = arith.constant 320 : index
    %swap3A_273 = tpu.vector_load %arg13[%swap3A_272] {strides = array<i32>} : memref<512xi32, #tpu.memory_space<vmem>>, vector<16xi32>,
    tpu.vector_store %arg13[%swap3A_272], %min3A_271 {strides = array<i32>} : memref<512xi32, #tpu.memory_space<vmem>>, vector<16xi32>,
    %get3A_274 = arith.constant 336 : index
    %get3A_275 = tpu.vector_load %arg11[%get3A_274] {strides = array<i32>} : memref<512xi32, #tpu.memory_space<vmem>>, vector<16xi32>,
    %min3A_276 = arith.minsi %get3A_275, %broadcast_in_dim3A_6 : vector<16xi32>
    %swap3A_277 = arith.constant 336 : index
    %swap3A_278 = tpu.vector_load %arg13[%swap3A_277] {strides = array<i32>} : memref<512xi32, #tpu.memory_space<vmem>>, vector<16xi32>,
    tpu.vector_store %arg13[%swap3A_277], %min3A_276 {strides = array<i32>} : memref<512xi32, #tpu.memory_space<vmem>>, vector<16xi32>,
    %get3A_279 = arith.constant 352 : index
    %get3A_280 = tpu.vector_load %arg11[%get3A_279] {strides = array<i32>} : memref<512xi32, #tpu.memory_space<vmem>>, vector<16xi32>,
    %min3A_281 = arith.minsi %get3A_280, %broadcast_in_dim3A_6 : vector<16xi32>
    %swap3A_282 = arith.constant 352 : index
    %swap3A_283 = tpu.vector_load %arg13[%swap3A_282] {strides = array<i32>} : memref<512xi32, #tpu.memory_space<vmem>>, vector<16xi32>,
    tpu.vector_store %arg13[%swap3A_282], %min3A_281 {strides = array<i32>} : memref<512xi32, #tpu.memory_space<vmem>>, vector<16xi32>,
    %get3A_284 = arith.constant 368 : index
    %get3A_285 = tpu.vector_load %arg11[%get3A_284] {strides = array<i32>} : memref<512xi32, #tpu.memory_space<vmem>>, vector<16xi32>,
    %min3A_286 = arith.minsi %get3A_285, %broadcast_in_dim3A_6 : vector<16xi32>
    %swap3A_287 = arith.constant 368 : index
    %swap3A_288 = tpu.vector_load %arg13[%swap3A_287] {strides = array<i32>} : memref<512xi32, #tpu.memory_space<vmem>>, vector<16xi32>,
    tpu.vector_store %arg13[%swap3A_287], %min3A_286 {strides = array<i32>} : memref<512xi32, #tpu.memory_space<vmem>>, vector<16xi32>,
    %get3A_289 = arith.constant 384 : index
    %get3A_290 = tpu.vector_load %arg11[%get3A_289] {strides = array<i32>} : memref<512xi32, #tpu.memory_space<vmem>>, vector<16xi32>,
    %min3A_291 = arith.minsi %get3A_290, %broadcast_in_dim3A_6 : vector<16xi32>
    %swap3A_292 = arith.constant 384 : index
    %swap3A_293 = tpu.vector_load %arg13[%swap3A_292] {strides = array<i32>} : memref<512xi32, #tpu.memory_space<vmem>>, vector<16xi32>,
    tpu.vector_store %arg13[%swap3A_292], %min3A_291 {strides = array<i32>} : memref<512xi32, #tpu.memory_space<vmem>>, vector<16xi32>,
    %get3A_294 = arith.constant 400 : index
    %get3A_295 = tpu.vector_load %arg11[%get3A_294] {strides = array<i32>} : memref<512xi32, #tpu.memory_space<vmem>>, vector<16xi32>,
    %min3A_296 = arith.minsi %get3A_295, %broadcast_in_dim3A_6 : vector<16xi32>
    %swap3A_297 = arith.constant 400 : index
    %swap3A_298 = tpu.vector_load %arg13[%swap3A_297] {strides = array<i32>} : memref<512xi32, #tpu.memory_space<vmem>>, vector<16xi32>,
    tpu.vector_store %arg13[%swap3A_297], %min3A_296 {strides = array<i32>} : memref<512xi32, #tpu.memory_space<vmem>>, vector<16xi32>,
    %get3A_299 = arith.constant 416 : index
    %get3A_300 = tpu.vector_load %arg11[%get3A_299] {strides = array<i32>} : memref<512xi32, #tpu.memory_space<vmem>>, vector<16xi32>,
    %min3A_301 = arith.minsi %get3A_300, %broadcast_in_dim3A_6 : vector<16xi32>
    %swap3A_302 = arith.constant 416 : index
    %swap3A_303 = tpu.vector_load %arg13[%swap3A_302] {strides = array<i32>} : memref<512xi32, #tpu.memory_space<vmem>>, vector<16xi32>,
    tpu.vector_store %arg13[%swap3A_302], %min3A_301 {strides = array<i32>} : memref<512xi32, #tpu.memory_space<vmem>>, vector<16xi32>,
    %get3A_304 = arith.constant 432 : index
    %get3A_305 = tpu.vector_load %arg11[%get3A_304] {strides = array<i32>} : memref<512xi32, #tpu.memory_space<vmem>>, vector<16xi32>,
    %min3A_306 = arith.minsi %get3A_305, %broadcast_in_dim3A_6 : vector<16xi32>
    %swap3A_307 = arith.constant 432 : index
    %swap3A_308 = tpu.vector_load %arg13[%swap3A_307] {strides = array<i32>} : memref<512xi32, #tpu.memory_space<vmem>>, vector<16xi32>,
    tpu.vector_store %arg13[%swap3A_307], %min3A_306 {strides = array<i32>} : memref<512xi32, #tpu.memory_space<vmem>>, vector<16xi32>,
    %get3A_309 = arith.constant 448 : index
    %get3A_310 = tpu.vector_load %arg11[%get3A_309] {strides = array<i32>} : memref<512xi32, #tpu.memory_space<vmem>>, vector<16xi32>,
    %min3A_311 = arith.minsi %get3A_310, %broadcast_in_dim3A_6 : vector<16xi32>
    %swap3A_312 = arith.constant 448 : index
    %swap3A_313 = tpu.vector_load %arg13[%swap3A_312] {strides = array<i32>} : memref<512xi32, #tpu.memory_space<vmem>>, vector<16xi32>,
    tpu.vector_store %arg13[%swap3A_312], %min3A_311 {strides = array<i32>} : memref<512xi32, #tpu.memory_space<vmem>>, vector<16xi32>,
    %get3A_314 = arith.constant 464 : index
    %get3A_315 = tpu.vector_load %arg11[%get3A_314] {strides = array<i32>} : memref<512xi32, #tpu.memory_space<vmem>>, vector<16xi32>,
    %min3A_316 = arith.minsi %get3A_315, %broadcast_in_dim3A_6 : vector<16xi32>
    %swap3A_317 = arith.constant 464 : index
    %swap3A_318 = tpu.vector_load %arg13[%swap3A_317] {strides = array<i32>} : memref<512xi32, #tpu.memory_space<vmem>>, vector<16xi32>,
    tpu.vector_store %arg13[%swap3A_317], %min3A_316 {strides = array<i32>} : memref<512xi32, #tpu.memory_space<vmem>>, vector<16xi32>,
    %get3A_319 = arith.constant 480 : index
    %get3A_320 = tpu.vector_load %arg11[%get3A_319] {strides = array<i32>} : memref<512xi32, #tpu.memory_space<vmem>>, vector<16xi32>,
    %min3A_321 = arith.minsi %get3A_320, %broadcast_in_dim3A_6 : vector<16xi32>
    %swap3A_322 = arith.constant 480 : index
    %swap3A_323 = tpu.vector_load %arg13[%swap3A_322] {strides = array<i32>} : memref<512xi32, #tpu.memory_space<vmem>>, vector<16xi32>,
    tpu.vector_store %arg13[%swap3A_322], %min3A_321 {strides = array<i32>} : memref<512xi32, #tpu.memory_space<vmem>>, vector<16xi32>,
    %get3A_324 = arith.constant 496 : index
    %get3A_325 = tpu.vector_load %arg11[%get3A_324] {strides = array<i32>} : memref<512xi32, #tpu.memory_space<vmem>>, vector<16xi32>,
    %min3A_326 = arith.minsi %get3A_325, %broadcast_in_dim3A_6 : vector<16xi32>
    %swap3A_327 = arith.constant 496 : index
    %swap3A_328 = tpu.vector_load %arg13[%swap3A_327] {strides = array<i32>} : memref<512xi32, #tpu.memory_space<vmem>>, vector<16xi32>,
    tpu.vector_store %arg13[%swap3A_327], %min3A_326 {strides = array<i32>} : memref<512xi32, #tpu.memory_space<vmem>>, vector<16xi32>,
    %dma_start3A_329 = arith.constant 0 : i32
    %dma_start3A_330 = tpu.memref_slice %arg4[%dma_start3A_329] : memref<999424xf32, #tpu.memory_space<hbm>> -> memref<999424xf32, #tpu.memory_space<hbm>>
    tpu.enqueue_indirect_dma source(%dma_start3A_330 : memref<999424xf32, #tpu.memory_space<hbm>>) target(%arg15 : memref<512xf32, #tpu.memory_space<vmem>>) offsets(%arg13 : memref<512xi32, #tpu.memory_space<vmem>>) semaphore(%arg21 : memref<!tpu.dma_semaphore, #tpu.memory_space<semaphore_mem>>)
    tpu.wait_dma2 semaphore(%arg22 : memref<!tpu.dma_semaphore, #tpu.memory_space<semaphore_mem>>) src(%arg8 : memref<3x16xf32, #tpu.memory_space<hbm>>) dst(%arg19 : memref<3x16xf32, #tpu.memory_space<vmem>>)
    tpu.wait_dma2 semaphore(%arg22 : memref<!tpu.dma_semaphore, #tpu.memory_space<semaphore_mem>>) src(%arg3 : memref<576xf32, #tpu.memory_space<hbm>>) dst(%arg16 : memref<576xf32, #tpu.memory_space<vmem>>)
    tpu.wait_dma2 semaphore(%arg22 : memref<!tpu.dma_semaphore, #tpu.memory_space<semaphore_mem>>) src(%arg5 : memref<576xf32, #tpu.memory_space<hbm>>) dst(%arg17 : memref<576xf32, #tpu.memory_space<vmem>>)
    %get3A_331 = arith.constant 0 : i32
    %get3A_332 = arith.index_cast %get3A_331 : i32 to index
    %get3A_333 = arith.constant 0 : index
    %get3A_334 = tpu.vector_load %arg19[%get3A_332, %get3A_333] {strides = array<i32>} : memref<3x16xf32, #tpu.memory_space<vmem>>, vector<16xf32>,
    %get3A_335 = arith.constant 1 : i32
    %get3A_336 = arith.index_cast %get3A_335 : i32 to index
    %get3A_337 = arith.constant 0 : index
    %get3A_338 = tpu.vector_load %arg19[%get3A_336, %get3A_337] {strides = array<i32>} : memref<3x16xf32, #tpu.memory_space<vmem>>, vector<16xf32>,
    %get3A_339 = arith.constant 2 : i32
    %get3A_340 = arith.index_cast %get3A_339 : i32 to index
    %get3A_341 = arith.constant 0 : index
    %get3A_342 = tpu.vector_load %arg19[%get3A_340, %get3A_341] {strides = array<i32>} : memref<3x16xf32, #tpu.memory_space<vmem>>, vector<16xf32>,
    %dma_wait3A_343 = arith.constant 0 : i32
    %dma_wait3A_344 = tpu.memref_slice %arg2[%dma_wait3A_343] : memref<999424xf32, #tpu.memory_space<hbm>> -> memref<999424xf32, #tpu.memory_space<hbm>>
    tpu.wait_indirect_dma semaphore(%arg20 : memref<!tpu.dma_semaphore, #tpu.memory_space<semaphore_mem>>) src(%dma_wait3A_344 : memref<999424xf32, #tpu.memory_space<hbm>>) dst(%arg14 : memref<512xf32, #tpu.memory_space<vmem>>)
    %dma_wait3A_345 = arith.constant 0 : i32
    %dma_wait3A_346 = tpu.memref_slice %arg4[%dma_wait3A_345] : memref<999424xf32, #tpu.memory_space<hbm>> -> memref<999424xf32, #tpu.memory_space<hbm>>
    tpu.wait_indirect_dma semaphore(%arg21 : memref<!tpu.dma_semaphore, #tpu.memory_space<semaphore_mem>>) src(%dma_wait3A_346 : memref<999424xf32, #tpu.memory_space<hbm>>) dst(%arg15 : memref<512xf32, #tpu.memory_space<vmem>>)
    %get3A_347 = arith.constant 0 : index
    %get3A_348 = tpu.vector_load %arg10[%get3A_347] {strides = array<i32>} : memref<512xi32, #tpu.memory_space<vmem>>, vector<16xi32>,
    %get3A_349 = arith.constant 0 : index
    %get3A_350 = tpu.vector_load %arg11[%get3A_349] {strides = array<i32>} : memref<512xi32, #tpu.memory_space<vmem>>, vector<16xi32>,
    %sub3A = arith.constant 999424 : i32
    %sub3A_351 = vector.broadcast %sub3A : i32 to vector<16xi32>
    %sub3A_352 = arith.subi %get3A_348, %sub3A_351 : vector<16xi32>
    %jit3A = arith.constant 0 : i32
    %jit3A_353 = arith.constant 575 : i32
    %max3A = vector.broadcast %jit3A : i32 to vector<16xi32>
    %max3A_354 = arith.maxsi %max3A, %sub3A_352 : vector<16xi32>
    %min3A_355 = vector.broadcast %jit3A_353 : i32 to vector<16xi32>
    %min3A_356 = arith.minsi %min3A_355, %max3A_354 : vector<16xi32>
    %gather3A = tpu.vector_load_idx %arg16[%min3A_356] : memref<576xf32, #tpu.memory_space<vmem>>[vector<16xi32>], vector<16xf32>,
    %sub3A_357 = arith.constant 999424 : i32
    %sub3A_358 = vector.broadcast %sub3A_357 : i32 to vector<16xi32>
    %sub3A_359 = arith.subi %get3A_350, %sub3A_358 : vector<16xi32>
    %jit3A_360 = arith.constant 0 : i32
    %jit3A_361 = arith.constant 575 : i32
    %max3A_362 = vector.broadcast %jit3A_360 : i32 to vector<16xi32>
    %max3A_363 = arith.maxsi %max3A_362, %sub3A_359 : vector<16xi32>
    %min3A_364 = vector.broadcast %jit3A_361 : i32 to vector<16xi32>
    %min3A_365 = arith.minsi %min3A_364, %max3A_363 : vector<16xi32>
    %gather3A_366 = tpu.vector_load_idx %arg17[%min3A_365] : memref<576xf32, #tpu.memory_space<vmem>>[vector<16xi32>], vector<16xf32>,
    %ge3A = arith.constant 999424 : i32
    %ge3A_367 = vector.broadcast %ge3A : i32 to vector<16xi32>
    %ge3A_368 = arith.cmpi sge, %get3A_348, %ge3A_367 : vector<16xi32>
    %get3A_369 = arith.constant 0 : index
    %get3A_370 = tpu.vector_load %arg14[%get3A_369] {strides = array<i32>} : memref<512xf32, #tpu.memory_space<vmem>>, vector<16xf32>,
    %select_n3A = arith.select %ge3A_368, %gather3A, %get3A_370 : vector<16xi1>, vector<16xf32>
    %ge3A_371 = arith.constant 999424 : i32
    %ge3A_372 = vector.broadcast %ge3A_371 : i32 to vector<16xi32>
    %ge3A_373 = arith.cmpi sge, %get3A_350, %ge3A_372 : vector<16xi32>
    %get3A_374 = arith.constant 0 : index
    %get3A_375 = tpu.vector_load %arg15[%get3A_374] {strides = array<i32>} : memref<512xf32, #tpu.memory_space<vmem>>, vector<16xf32>,
    %select_n3A_376 = arith.select %ge3A_373, %gather3A_366, %get3A_375 : vector<16xi1>, vector<16xf32>
    %mul3A_377 = arith.mulf %select_n3A, %get3A_334 : vector<16xf32>
    %mul3A_378 = arith.mulf %select_n3A_376, %get3A_338 : vector<16xf32>
    %add3A_379 = arith.addf %mul3A_377, %mul3A_378 : vector<16xf32>
    %add3A_380 = arith.addf %add3A_379, %get3A_342 : vector<16xf32>
    %swap3A_381 = arith.constant 0 : index
    %swap3A_382 = tpu.vector_load %arg18[%swap3A_381] {strides = array<i32>} : memref<512xf32, #tpu.memory_space<vmem>>, vector<16xf32>,
    tpu.vector_store %arg18[%swap3A_381], %add3A_380 {strides = array<i32>} : memref<512xf32, #tpu.memory_space<vmem>>, vector<16xf32>,
    %get3A_383 = arith.constant 16 : index
    %get3A_384 = tpu.vector_load %arg10[%get3A_383] {strides = array<i32>} : memref<512xi32, #tpu.memory_space<vmem>>, vector<16xi32>,
    %get3A_385 = arith.constant 16 : index
    %get3A_386 = tpu.vector_load %arg11[%get3A_385] {strides = array<i32>} : memref<512xi32, #tpu.memory_space<vmem>>, vector<16xi32>,
    %sub3A_387 = arith.constant 999424 : i32
    %sub3A_388 = vector.broadcast %sub3A_387 : i32 to vector<16xi32>
    %sub3A_389 = arith.subi %get3A_384, %sub3A_388 : vector<16xi32>
    %jit3A_390 = arith.constant 0 : i32
    %jit3A_391 = arith.constant 575 : i32
    %max3A_392 = vector.broadcast %jit3A_390 : i32 to vector<16xi32>
    %max3A_393 = arith.maxsi %max3A_392, %sub3A_389 : vector<16xi32>
    %min3A_394 = vector.broadcast %jit3A_391 : i32 to vector<16xi32>
    %min3A_395 = arith.minsi %min3A_394, %max3A_393 : vector<16xi32>
    %gather3A_396 = tpu.vector_load_idx %arg16[%min3A_395] : memref<576xf32, #tpu.memory_space<vmem>>[vector<16xi32>], vector<16xf32>,
    %sub3A_397 = arith.constant 999424 : i32
    %sub3A_398 = vector.broadcast %sub3A_397 : i32 to vector<16xi32>
    %sub3A_399 = arith.subi %get3A_386, %sub3A_398 : vector<16xi32>
    %jit3A_400 = arith.constant 0 : i32
    %jit3A_401 = arith.constant 575 : i32
    %max3A_402 = vector.broadcast %jit3A_400 : i32 to vector<16xi32>
    %max3A_403 = arith.maxsi %max3A_402, %sub3A_399 : vector<16xi32>
    %min3A_404 = vector.broadcast %jit3A_401 : i32 to vector<16xi32>
    %min3A_405 = arith.minsi %min3A_404, %max3A_403 : vector<16xi32>
    %gather3A_406 = tpu.vector_load_idx %arg17[%min3A_405] : memref<576xf32, #tpu.memory_space<vmem>>[vector<16xi32>], vector<16xf32>,
    %ge3A_407 = arith.constant 999424 : i32
    %ge3A_408 = vector.broadcast %ge3A_407 : i32 to vector<16xi32>
    %ge3A_409 = arith.cmpi sge, %get3A_384, %ge3A_408 : vector<16xi32>
    %get3A_410 = arith.constant 16 : index
    %get3A_411 = tpu.vector_load %arg14[%get3A_410] {strides = array<i32>} : memref<512xf32, #tpu.memory_space<vmem>>, vector<16xf32>,
    %select_n3A_412 = arith.select %ge3A_409, %gather3A_396, %get3A_411 : vector<16xi1>, vector<16xf32>
    %ge3A_413 = arith.constant 999424 : i32
    %ge3A_414 = vector.broadcast %ge3A_413 : i32 to vector<16xi32>
    %ge3A_415 = arith.cmpi sge, %get3A_386, %ge3A_414 : vector<16xi32>
    %get3A_416 = arith.constant 16 : index
    %get3A_417 = tpu.vector_load %arg15[%get3A_416] {strides = array<i32>} : memref<512xf32, #tpu.memory_space<vmem>>, vector<16xf32>,
    %select_n3A_418 = arith.select %ge3A_415, %gather3A_406, %get3A_417 : vector<16xi1>, vector<16xf32>
    %mul3A_419 = arith.mulf %select_n3A_412, %get3A_334 : vector<16xf32>
    %mul3A_420 = arith.mulf %select_n3A_418, %get3A_338 : vector<16xf32>
    %add3A_421 = arith.addf %mul3A_419, %mul3A_420 : vector<16xf32>
    %add3A_422 = arith.addf %add3A_421, %get3A_342 : vector<16xf32>
    %swap3A_423 = arith.constant 16 : index
    %swap3A_424 = tpu.vector_load %arg18[%swap3A_423] {strides = array<i32>} : memref<512xf32, #tpu.memory_space<vmem>>, vector<16xf32>,
    tpu.vector_store %arg18[%swap3A_423], %add3A_422 {strides = array<i32>} : memref<512xf32, #tpu.memory_space<vmem>>, vector<16xf32>,
    %get3A_425 = arith.constant 32 : index
    %get3A_426 = tpu.vector_load %arg10[%get3A_425] {strides = array<i32>} : memref<512xi32, #tpu.memory_space<vmem>>, vector<16xi32>,
    %get3A_427 = arith.constant 32 : index
    %get3A_428 = tpu.vector_load %arg11[%get3A_427] {strides = array<i32>} : memref<512xi32, #tpu.memory_space<vmem>>, vector<16xi32>,
    %sub3A_429 = arith.constant 999424 : i32
    %sub3A_430 = vector.broadcast %sub3A_429 : i32 to vector<16xi32>
    %sub3A_431 = arith.subi %get3A_426, %sub3A_430 : vector<16xi32>
    %jit3A_432 = arith.constant 0 : i32
    %jit3A_433 = arith.constant 575 : i32
    %max3A_434 = vector.broadcast %jit3A_432 : i32 to vector<16xi32>
    %max3A_435 = arith.maxsi %max3A_434, %sub3A_431 : vector<16xi32>
    %min3A_436 = vector.broadcast %jit3A_433 : i32 to vector<16xi32>
    %min3A_437 = arith.minsi %min3A_436, %max3A_435 : vector<16xi32>
    %gather3A_438 = tpu.vector_load_idx %arg16[%min3A_437] : memref<576xf32, #tpu.memory_space<vmem>>[vector<16xi32>], vector<16xf32>,
    %sub3A_439 = arith.constant 999424 : i32
    %sub3A_440 = vector.broadcast %sub3A_439 : i32 to vector<16xi32>
    %sub3A_441 = arith.subi %get3A_428, %sub3A_440 : vector<16xi32>
    %jit3A_442 = arith.constant 0 : i32
    %jit3A_443 = arith.constant 575 : i32
    %max3A_444 = vector.broadcast %jit3A_442 : i32 to vector<16xi32>
    %max3A_445 = arith.maxsi %max3A_444, %sub3A_441 : vector<16xi32>
    %min3A_446 = vector.broadcast %jit3A_443 : i32 to vector<16xi32>
    %min3A_447 = arith.minsi %min3A_446, %max3A_445 : vector<16xi32>
    %gather3A_448 = tpu.vector_load_idx %arg17[%min3A_447] : memref<576xf32, #tpu.memory_space<vmem>>[vector<16xi32>], vector<16xf32>,
    %ge3A_449 = arith.constant 999424 : i32
    %ge3A_450 = vector.broadcast %ge3A_449 : i32 to vector<16xi32>
    %ge3A_451 = arith.cmpi sge, %get3A_426, %ge3A_450 : vector<16xi32>
    %get3A_452 = arith.constant 32 : index
    %get3A_453 = tpu.vector_load %arg14[%get3A_452] {strides = array<i32>} : memref<512xf32, #tpu.memory_space<vmem>>, vector<16xf32>,
    %select_n3A_454 = arith.select %ge3A_451, %gather3A_438, %get3A_453 : vector<16xi1>, vector<16xf32>
    %ge3A_455 = arith.constant 999424 : i32
    %ge3A_456 = vector.broadcast %ge3A_455 : i32 to vector<16xi32>
    %ge3A_457 = arith.cmpi sge, %get3A_428, %ge3A_456 : vector<16xi32>
    %get3A_458 = arith.constant 32 : index
    %get3A_459 = tpu.vector_load %arg15[%get3A_458] {strides = array<i32>} : memref<512xf32, #tpu.memory_space<vmem>>, vector<16xf32>,
    %select_n3A_460 = arith.select %ge3A_457, %gather3A_448, %get3A_459 : vector<16xi1>, vector<16xf32>
    %mul3A_461 = arith.mulf %select_n3A_454, %get3A_334 : vector<16xf32>
    %mul3A_462 = arith.mulf %select_n3A_460, %get3A_338 : vector<16xf32>
    %add3A_463 = arith.addf %mul3A_461, %mul3A_462 : vector<16xf32>
    %add3A_464 = arith.addf %add3A_463, %get3A_342 : vector<16xf32>
    %swap3A_465 = arith.constant 32 : index
    %swap3A_466 = tpu.vector_load %arg18[%swap3A_465] {strides = array<i32>} : memref<512xf32, #tpu.memory_space<vmem>>, vector<16xf32>,
    tpu.vector_store %arg18[%swap3A_465], %add3A_464 {strides = array<i32>} : memref<512xf32, #tpu.memory_space<vmem>>, vector<16xf32>,
    %get3A_467 = arith.constant 48 : index
    %get3A_468 = tpu.vector_load %arg10[%get3A_467] {strides = array<i32>} : memref<512xi32, #tpu.memory_space<vmem>>, vector<16xi32>,
    %get3A_469 = arith.constant 48 : index
    %get3A_470 = tpu.vector_load %arg11[%get3A_469] {strides = array<i32>} : memref<512xi32, #tpu.memory_space<vmem>>, vector<16xi32>,
    %sub3A_471 = arith.constant 999424 : i32
    %sub3A_472 = vector.broadcast %sub3A_471 : i32 to vector<16xi32>
    %sub3A_473 = arith.subi %get3A_468, %sub3A_472 : vector<16xi32>
    %jit3A_474 = arith.constant 0 : i32
    %jit3A_475 = arith.constant 575 : i32
    %max3A_476 = vector.broadcast %jit3A_474 : i32 to vector<16xi32>
    %max3A_477 = arith.maxsi %max3A_476, %sub3A_473 : vector<16xi32>
    %min3A_478 = vector.broadcast %jit3A_475 : i32 to vector<16xi32>
    %min3A_479 = arith.minsi %min3A_478, %max3A_477 : vector<16xi32>
    %gather3A_480 = tpu.vector_load_idx %arg16[%min3A_479] : memref<576xf32, #tpu.memory_space<vmem>>[vector<16xi32>], vector<16xf32>,
    %sub3A_481 = arith.constant 999424 : i32
    %sub3A_482 = vector.broadcast %sub3A_481 : i32 to vector<16xi32>
    %sub3A_483 = arith.subi %get3A_470, %sub3A_482 : vector<16xi32>
    %jit3A_484 = arith.constant 0 : i32
    %jit3A_485 = arith.constant 575 : i32
    %max3A_486 = vector.broadcast %jit3A_484 : i32 to vector<16xi32>
    %max3A_487 = arith.maxsi %max3A_486, %sub3A_483 : vector<16xi32>
    %min3A_488 = vector.broadcast %jit3A_485 : i32 to vector<16xi32>
    %min3A_489 = arith.minsi %min3A_488, %max3A_487 : vector<16xi32>
    %gather3A_490 = tpu.vector_load_idx %arg17[%min3A_489] : memref<576xf32, #tpu.memory_space<vmem>>[vector<16xi32>], vector<16xf32>,
    %ge3A_491 = arith.constant 999424 : i32
    %ge3A_492 = vector.broadcast %ge3A_491 : i32 to vector<16xi32>
    %ge3A_493 = arith.cmpi sge, %get3A_468, %ge3A_492 : vector<16xi32>
    %get3A_494 = arith.constant 48 : index
    %get3A_495 = tpu.vector_load %arg14[%get3A_494] {strides = array<i32>} : memref<512xf32, #tpu.memory_space<vmem>>, vector<16xf32>,
    %select_n3A_496 = arith.select %ge3A_493, %gather3A_480, %get3A_495 : vector<16xi1>, vector<16xf32>
    %ge3A_497 = arith.constant 999424 : i32
    %ge3A_498 = vector.broadcast %ge3A_497 : i32 to vector<16xi32>
    %ge3A_499 = arith.cmpi sge, %get3A_470, %ge3A_498 : vector<16xi32>
    %get3A_500 = arith.constant 48 : index
    %get3A_501 = tpu.vector_load %arg15[%get3A_500] {strides = array<i32>} : memref<512xf32, #tpu.memory_space<vmem>>, vector<16xf32>,
    %select_n3A_502 = arith.select %ge3A_499, %gather3A_490, %get3A_501 : vector<16xi1>, vector<16xf32>
    %mul3A_503 = arith.mulf %select_n3A_496, %get3A_334 : vector<16xf32>
    %mul3A_504 = arith.mulf %select_n3A_502, %get3A_338 : vector<16xf32>
    %add3A_505 = arith.addf %mul3A_503, %mul3A_504 : vector<16xf32>
    %add3A_506 = arith.addf %add3A_505, %get3A_342 : vector<16xf32>
    %swap3A_507 = arith.constant 48 : index
    %swap3A_508 = tpu.vector_load %arg18[%swap3A_507] {strides = array<i32>} : memref<512xf32, #tpu.memory_space<vmem>>, vector<16xf32>,
    tpu.vector_store %arg18[%swap3A_507], %add3A_506 {strides = array<i32>} : memref<512xf32, #tpu.memory_space<vmem>>, vector<16xf32>,
    %get3A_509 = arith.constant 64 : index
    %get3A_510 = tpu.vector_load %arg10[%get3A_509] {strides = array<i32>} : memref<512xi32, #tpu.memory_space<vmem>>, vector<16xi32>,
    %get3A_511 = arith.constant 64 : index
    %get3A_512 = tpu.vector_load %arg11[%get3A_511] {strides = array<i32>} : memref<512xi32, #tpu.memory_space<vmem>>, vector<16xi32>,
    %sub3A_513 = arith.constant 999424 : i32
    %sub3A_514 = vector.broadcast %sub3A_513 : i32 to vector<16xi32>
    %sub3A_515 = arith.subi %get3A_510, %sub3A_514 : vector<16xi32>
    %jit3A_516 = arith.constant 0 : i32
    %jit3A_517 = arith.constant 575 : i32
    %max3A_518 = vector.broadcast %jit3A_516 : i32 to vector<16xi32>
    %max3A_519 = arith.maxsi %max3A_518, %sub3A_515 : vector<16xi32>
    %min3A_520 = vector.broadcast %jit3A_517 : i32 to vector<16xi32>
    %min3A_521 = arith.minsi %min3A_520, %max3A_519 : vector<16xi32>
    %gather3A_522 = tpu.vector_load_idx %arg16[%min3A_521] : memref<576xf32, #tpu.memory_space<vmem>>[vector<16xi32>], vector<16xf32>,
    %sub3A_523 = arith.constant 999424 : i32
    %sub3A_524 = vector.broadcast %sub3A_523 : i32 to vector<16xi32>
    %sub3A_525 = arith.subi %get3A_512, %sub3A_524 : vector<16xi32>
    %jit3A_526 = arith.constant 0 : i32
    %jit3A_527 = arith.constant 575 : i32
    %max3A_528 = vector.broadcast %jit3A_526 : i32 to vector<16xi32>
    %max3A_529 = arith.maxsi %max3A_528, %sub3A_525 : vector<16xi32>
    %min3A_530 = vector.broadcast %jit3A_527 : i32 to vector<16xi32>
    %min3A_531 = arith.minsi %min3A_530, %max3A_529 : vector<16xi32>
    %gather3A_532 = tpu.vector_load_idx %arg17[%min3A_531] : memref<576xf32, #tpu.memory_space<vmem>>[vector<16xi32>], vector<16xf32>,
    %ge3A_533 = arith.constant 999424 : i32
    %ge3A_534 = vector.broadcast %ge3A_533 : i32 to vector<16xi32>
    %ge3A_535 = arith.cmpi sge, %get3A_510, %ge3A_534 : vector<16xi32>
    %get3A_536 = arith.constant 64 : index
    %get3A_537 = tpu.vector_load %arg14[%get3A_536] {strides = array<i32>} : memref<512xf32, #tpu.memory_space<vmem>>, vector<16xf32>,
    %select_n3A_538 = arith.select %ge3A_535, %gather3A_522, %get3A_537 : vector<16xi1>, vector<16xf32>
    %ge3A_539 = arith.constant 999424 : i32
    %ge3A_540 = vector.broadcast %ge3A_539 : i32 to vector<16xi32>
    %ge3A_541 = arith.cmpi sge, %get3A_512, %ge3A_540 : vector<16xi32>
    %get3A_542 = arith.constant 64 : index
    %get3A_543 = tpu.vector_load %arg15[%get3A_542] {strides = array<i32>} : memref<512xf32, #tpu.memory_space<vmem>>, vector<16xf32>,
    %select_n3A_544 = arith.select %ge3A_541, %gather3A_532, %get3A_543 : vector<16xi1>, vector<16xf32>
    %mul3A_545 = arith.mulf %select_n3A_538, %get3A_334 : vector<16xf32>
    %mul3A_546 = arith.mulf %select_n3A_544, %get3A_338 : vector<16xf32>
    %add3A_547 = arith.addf %mul3A_545, %mul3A_546 : vector<16xf32>
    %add3A_548 = arith.addf %add3A_547, %get3A_342 : vector<16xf32>
    %swap3A_549 = arith.constant 64 : index
    %swap3A_550 = tpu.vector_load %arg18[%swap3A_549] {strides = array<i32>} : memref<512xf32, #tpu.memory_space<vmem>>, vector<16xf32>,
    tpu.vector_store %arg18[%swap3A_549], %add3A_548 {strides = array<i32>} : memref<512xf32, #tpu.memory_space<vmem>>, vector<16xf32>,
    %get3A_551 = arith.constant 80 : index
    %get3A_552 = tpu.vector_load %arg10[%get3A_551] {strides = array<i32>} : memref<512xi32, #tpu.memory_space<vmem>>, vector<16xi32>,
    %get3A_553 = arith.constant 80 : index
    %get3A_554 = tpu.vector_load %arg11[%get3A_553] {strides = array<i32>} : memref<512xi32, #tpu.memory_space<vmem>>, vector<16xi32>,
    %sub3A_555 = arith.constant 999424 : i32
    %sub3A_556 = vector.broadcast %sub3A_555 : i32 to vector<16xi32>
    %sub3A_557 = arith.subi %get3A_552, %sub3A_556 : vector<16xi32>
    %jit3A_558 = arith.constant 0 : i32
    %jit3A_559 = arith.constant 575 : i32
    %max3A_560 = vector.broadcast %jit3A_558 : i32 to vector<16xi32>
    %max3A_561 = arith.maxsi %max3A_560, %sub3A_557 : vector<16xi32>
    %min3A_562 = vector.broadcast %jit3A_559 : i32 to vector<16xi32>
    %min3A_563 = arith.minsi %min3A_562, %max3A_561 : vector<16xi32>
    %gather3A_564 = tpu.vector_load_idx %arg16[%min3A_563] : memref<576xf32, #tpu.memory_space<vmem>>[vector<16xi32>], vector<16xf32>,
    %sub3A_565 = arith.constant 999424 : i32
    %sub3A_566 = vector.broadcast %sub3A_565 : i32 to vector<16xi32>
    %sub3A_567 = arith.subi %get3A_554, %sub3A_566 : vector<16xi32>
    %jit3A_568 = arith.constant 0 : i32
    %jit3A_569 = arith.constant 575 : i32
    %max3A_570 = vector.broadcast %jit3A_568 : i32 to vector<16xi32>
    %max3A_571 = arith.maxsi %max3A_570, %sub3A_567 : vector<16xi32>
    %min3A_572 = vector.broadcast %jit3A_569 : i32 to vector<16xi32>
    %min3A_573 = arith.minsi %min3A_572, %max3A_571 : vector<16xi32>
    %gather3A_574 = tpu.vector_load_idx %arg17[%min3A_573] : memref<576xf32, #tpu.memory_space<vmem>>[vector<16xi32>], vector<16xf32>,
    %ge3A_575 = arith.constant 999424 : i32
    %ge3A_576 = vector.broadcast %ge3A_575 : i32 to vector<16xi32>
    %ge3A_577 = arith.cmpi sge, %get3A_552, %ge3A_576 : vector<16xi32>
    %get3A_578 = arith.constant 80 : index
    %get3A_579 = tpu.vector_load %arg14[%get3A_578] {strides = array<i32>} : memref<512xf32, #tpu.memory_space<vmem>>, vector<16xf32>,
    %select_n3A_580 = arith.select %ge3A_577, %gather3A_564, %get3A_579 : vector<16xi1>, vector<16xf32>
    %ge3A_581 = arith.constant 999424 : i32
    %ge3A_582 = vector.broadcast %ge3A_581 : i32 to vector<16xi32>
    %ge3A_583 = arith.cmpi sge, %get3A_554, %ge3A_582 : vector<16xi32>
    %get3A_584 = arith.constant 80 : index
    %get3A_585 = tpu.vector_load %arg15[%get3A_584] {strides = array<i32>} : memref<512xf32, #tpu.memory_space<vmem>>, vector<16xf32>,
    %select_n3A_586 = arith.select %ge3A_583, %gather3A_574, %get3A_585 : vector<16xi1>, vector<16xf32>
    %mul3A_587 = arith.mulf %select_n3A_580, %get3A_334 : vector<16xf32>
    %mul3A_588 = arith.mulf %select_n3A_586, %get3A_338 : vector<16xf32>
    %add3A_589 = arith.addf %mul3A_587, %mul3A_588 : vector<16xf32>
    %add3A_590 = arith.addf %add3A_589, %get3A_342 : vector<16xf32>
    %swap3A_591 = arith.constant 80 : index
    %swap3A_592 = tpu.vector_load %arg18[%swap3A_591] {strides = array<i32>} : memref<512xf32, #tpu.memory_space<vmem>>, vector<16xf32>,
    tpu.vector_store %arg18[%swap3A_591], %add3A_590 {strides = array<i32>} : memref<512xf32, #tpu.memory_space<vmem>>, vector<16xf32>,
    %get3A_593 = arith.constant 96 : index
    %get3A_594 = tpu.vector_load %arg10[%get3A_593] {strides = array<i32>} : memref<512xi32, #tpu.memory_space<vmem>>, vector<16xi32>,
    %get3A_595 = arith.constant 96 : index
    %get3A_596 = tpu.vector_load %arg11[%get3A_595] {strides = array<i32>} : memref<512xi32, #tpu.memory_space<vmem>>, vector<16xi32>,
    %sub3A_597 = arith.constant 999424 : i32
    %sub3A_598 = vector.broadcast %sub3A_597 : i32 to vector<16xi32>
    %sub3A_599 = arith.subi %get3A_594, %sub3A_598 : vector<16xi32>
    %jit3A_600 = arith.constant 0 : i32
    %jit3A_601 = arith.constant 575 : i32
    %max3A_602 = vector.broadcast %jit3A_600 : i32 to vector<16xi32>
    %max3A_603 = arith.maxsi %max3A_602, %sub3A_599 : vector<16xi32>
    %min3A_604 = vector.broadcast %jit3A_601 : i32 to vector<16xi32>
    %min3A_605 = arith.minsi %min3A_604, %max3A_603 : vector<16xi32>
    %gather3A_606 = tpu.vector_load_idx %arg16[%min3A_605] : memref<576xf32, #tpu.memory_space<vmem>>[vector<16xi32>], vector<16xf32>,
    %sub3A_607 = arith.constant 999424 : i32
    %sub3A_608 = vector.broadcast %sub3A_607 : i32 to vector<16xi32>
    %sub3A_609 = arith.subi %get3A_596, %sub3A_608 : vector<16xi32>
    %jit3A_610 = arith.constant 0 : i32
    %jit3A_611 = arith.constant 575 : i32
    %max3A_612 = vector.broadcast %jit3A_610 : i32 to vector<16xi32>
    %max3A_613 = arith.maxsi %max3A_612, %sub3A_609 : vector<16xi32>
    %min3A_614 = vector.broadcast %jit3A_611 : i32 to vector<16xi32>
    %min3A_615 = arith.minsi %min3A_614, %max3A_613 : vector<16xi32>
    %gather3A_616 = tpu.vector_load_idx %arg17[%min3A_615] : memref<576xf32, #tpu.memory_space<vmem>>[vector<16xi32>], vector<16xf32>,
    %ge3A_617 = arith.constant 999424 : i32
    %ge3A_618 = vector.broadcast %ge3A_617 : i32 to vector<16xi32>
    %ge3A_619 = arith.cmpi sge, %get3A_594, %ge3A_618 : vector<16xi32>
    %get3A_620 = arith.constant 96 : index
    %get3A_621 = tpu.vector_load %arg14[%get3A_620] {strides = array<i32>} : memref<512xf32, #tpu.memory_space<vmem>>, vector<16xf32>,
    %select_n3A_622 = arith.select %ge3A_619, %gather3A_606, %get3A_621 : vector<16xi1>, vector<16xf32>
    %ge3A_623 = arith.constant 999424 : i32
    %ge3A_624 = vector.broadcast %ge3A_623 : i32 to vector<16xi32>
    %ge3A_625 = arith.cmpi sge, %get3A_596, %ge3A_624 : vector<16xi32>
    %get3A_626 = arith.constant 96 : index
    %get3A_627 = tpu.vector_load %arg15[%get3A_626] {strides = array<i32>} : memref<512xf32, #tpu.memory_space<vmem>>, vector<16xf32>,
    %select_n3A_628 = arith.select %ge3A_625, %gather3A_616, %get3A_627 : vector<16xi1>, vector<16xf32>
    %mul3A_629 = arith.mulf %select_n3A_622, %get3A_334 : vector<16xf32>
    %mul3A_630 = arith.mulf %select_n3A_628, %get3A_338 : vector<16xf32>
    %add3A_631 = arith.addf %mul3A_629, %mul3A_630 : vector<16xf32>
    %add3A_632 = arith.addf %add3A_631, %get3A_342 : vector<16xf32>
    %swap3A_633 = arith.constant 96 : index
    %swap3A_634 = tpu.vector_load %arg18[%swap3A_633] {strides = array<i32>} : memref<512xf32, #tpu.memory_space<vmem>>, vector<16xf32>,
    tpu.vector_store %arg18[%swap3A_633], %add3A_632 {strides = array<i32>} : memref<512xf32, #tpu.memory_space<vmem>>, vector<16xf32>,
    %get3A_635 = arith.constant 112 : index
    %get3A_636 = tpu.vector_load %arg10[%get3A_635] {strides = array<i32>} : memref<512xi32, #tpu.memory_space<vmem>>, vector<16xi32>,
    %get3A_637 = arith.constant 112 : index
    %get3A_638 = tpu.vector_load %arg11[%get3A_637] {strides = array<i32>} : memref<512xi32, #tpu.memory_space<vmem>>, vector<16xi32>,
    %sub3A_639 = arith.constant 999424 : i32
    %sub3A_640 = vector.broadcast %sub3A_639 : i32 to vector<16xi32>
    %sub3A_641 = arith.subi %get3A_636, %sub3A_640 : vector<16xi32>
    %jit3A_642 = arith.constant 0 : i32
    %jit3A_643 = arith.constant 575 : i32
    %max3A_644 = vector.broadcast %jit3A_642 : i32 to vector<16xi32>
    %max3A_645 = arith.maxsi %max3A_644, %sub3A_641 : vector<16xi32>
    %min3A_646 = vector.broadcast %jit3A_643 : i32 to vector<16xi32>
    %min3A_647 = arith.minsi %min3A_646, %max3A_645 : vector<16xi32>
    %gather3A_648 = tpu.vector_load_idx %arg16[%min3A_647] : memref<576xf32, #tpu.memory_space<vmem>>[vector<16xi32>], vector<16xf32>,
    %sub3A_649 = arith.constant 999424 : i32
    %sub3A_650 = vector.broadcast %sub3A_649 : i32 to vector<16xi32>
    %sub3A_651 = arith.subi %get3A_638, %sub3A_650 : vector<16xi32>
    %jit3A_652 = arith.constant 0 : i32
    %jit3A_653 = arith.constant 575 : i32
    %max3A_654 = vector.broadcast %jit3A_652 : i32 to vector<16xi32>
    %max3A_655 = arith.maxsi %max3A_654, %sub3A_651 : vector<16xi32>
    %min3A_656 = vector.broadcast %jit3A_653 : i32 to vector<16xi32>
    %min3A_657 = arith.minsi %min3A_656, %max3A_655 : vector<16xi32>
    %gather3A_658 = tpu.vector_load_idx %arg17[%min3A_657] : memref<576xf32, #tpu.memory_space<vmem>>[vector<16xi32>], vector<16xf32>,
    %ge3A_659 = arith.constant 999424 : i32
    %ge3A_660 = vector.broadcast %ge3A_659 : i32 to vector<16xi32>
    %ge3A_661 = arith.cmpi sge, %get3A_636, %ge3A_660 : vector<16xi32>
    %get3A_662 = arith.constant 112 : index
    %get3A_663 = tpu.vector_load %arg14[%get3A_662] {strides = array<i32>} : memref<512xf32, #tpu.memory_space<vmem>>, vector<16xf32>,
    %select_n3A_664 = arith.select %ge3A_661, %gather3A_648, %get3A_663 : vector<16xi1>, vector<16xf32>
    %ge3A_665 = arith.constant 999424 : i32
    %ge3A_666 = vector.broadcast %ge3A_665 : i32 to vector<16xi32>
    %ge3A_667 = arith.cmpi sge, %get3A_638, %ge3A_666 : vector<16xi32>
    %get3A_668 = arith.constant 112 : index
    %get3A_669 = tpu.vector_load %arg15[%get3A_668] {strides = array<i32>} : memref<512xf32, #tpu.memory_space<vmem>>, vector<16xf32>,
    %select_n3A_670 = arith.select %ge3A_667, %gather3A_658, %get3A_669 : vector<16xi1>, vector<16xf32>
    %mul3A_671 = arith.mulf %select_n3A_664, %get3A_334 : vector<16xf32>
    %mul3A_672 = arith.mulf %select_n3A_670, %get3A_338 : vector<16xf32>
    %add3A_673 = arith.addf %mul3A_671, %mul3A_672 : vector<16xf32>
    %add3A_674 = arith.addf %add3A_673, %get3A_342 : vector<16xf32>
    %swap3A_675 = arith.constant 112 : index
    %swap3A_676 = tpu.vector_load %arg18[%swap3A_675] {strides = array<i32>} : memref<512xf32, #tpu.memory_space<vmem>>, vector<16xf32>,
    tpu.vector_store %arg18[%swap3A_675], %add3A_674 {strides = array<i32>} : memref<512xf32, #tpu.memory_space<vmem>>, vector<16xf32>,
    %get3A_677 = arith.constant 128 : index
    %get3A_678 = tpu.vector_load %arg10[%get3A_677] {strides = array<i32>} : memref<512xi32, #tpu.memory_space<vmem>>, vector<16xi32>,
    %get3A_679 = arith.constant 128 : index
    %get3A_680 = tpu.vector_load %arg11[%get3A_679] {strides = array<i32>} : memref<512xi32, #tpu.memory_space<vmem>>, vector<16xi32>,
    %sub3A_681 = arith.constant 999424 : i32
    %sub3A_682 = vector.broadcast %sub3A_681 : i32 to vector<16xi32>
    %sub3A_683 = arith.subi %get3A_678, %sub3A_682 : vector<16xi32>
    %jit3A_684 = arith.constant 0 : i32
    %jit3A_685 = arith.constant 575 : i32
    %max3A_686 = vector.broadcast %jit3A_684 : i32 to vector<16xi32>
    %max3A_687 = arith.maxsi %max3A_686, %sub3A_683 : vector<16xi32>
    %min3A_688 = vector.broadcast %jit3A_685 : i32 to vector<16xi32>
    %min3A_689 = arith.minsi %min3A_688, %max3A_687 : vector<16xi32>
    %gather3A_690 = tpu.vector_load_idx %arg16[%min3A_689] : memref<576xf32, #tpu.memory_space<vmem>>[vector<16xi32>], vector<16xf32>,
    %sub3A_691 = arith.constant 999424 : i32
    %sub3A_692 = vector.broadcast %sub3A_691 : i32 to vector<16xi32>
    %sub3A_693 = arith.subi %get3A_680, %sub3A_692 : vector<16xi32>
    %jit3A_694 = arith.constant 0 : i32
    %jit3A_695 = arith.constant 575 : i32
    %max3A_696 = vector.broadcast %jit3A_694 : i32 to vector<16xi32>
    %max3A_697 = arith.maxsi %max3A_696, %sub3A_693 : vector<16xi32>
    %min3A_698 = vector.broadcast %jit3A_695 : i32 to vector<16xi32>
    %min3A_699 = arith.minsi %min3A_698, %max3A_697 : vector<16xi32>
    %gather3A_700 = tpu.vector_load_idx %arg17[%min3A_699] : memref<576xf32, #tpu.memory_space<vmem>>[vector<16xi32>], vector<16xf32>,
    %ge3A_701 = arith.constant 999424 : i32
    %ge3A_702 = vector.broadcast %ge3A_701 : i32 to vector<16xi32>
    %ge3A_703 = arith.cmpi sge, %get3A_678, %ge3A_702 : vector<16xi32>
    %get3A_704 = arith.constant 128 : index
    %get3A_705 = tpu.vector_load %arg14[%get3A_704] {strides = array<i32>} : memref<512xf32, #tpu.memory_space<vmem>>, vector<16xf32>,
    %select_n3A_706 = arith.select %ge3A_703, %gather3A_690, %get3A_705 : vector<16xi1>, vector<16xf32>
    %ge3A_707 = arith.constant 999424 : i32
    %ge3A_708 = vector.broadcast %ge3A_707 : i32 to vector<16xi32>
    %ge3A_709 = arith.cmpi sge, %get3A_680, %ge3A_708 : vector<16xi32>
    %get3A_710 = arith.constant 128 : index
    %get3A_711 = tpu.vector_load %arg15[%get3A_710] {strides = array<i32>} : memref<512xf32, #tpu.memory_space<vmem>>, vector<16xf32>,
    %select_n3A_712 = arith.select %ge3A_709, %gather3A_700, %get3A_711 : vector<16xi1>, vector<16xf32>
    %mul3A_713 = arith.mulf %select_n3A_706, %get3A_334 : vector<16xf32>
    %mul3A_714 = arith.mulf %select_n3A_712, %get3A_338 : vector<16xf32>
    %add3A_715 = arith.addf %mul3A_713, %mul3A_714 : vector<16xf32>
    %add3A_716 = arith.addf %add3A_715, %get3A_342 : vector<16xf32>
    %swap3A_717 = arith.constant 128 : index
    %swap3A_718 = tpu.vector_load %arg18[%swap3A_717] {strides = array<i32>} : memref<512xf32, #tpu.memory_space<vmem>>, vector<16xf32>,
    tpu.vector_store %arg18[%swap3A_717], %add3A_716 {strides = array<i32>} : memref<512xf32, #tpu.memory_space<vmem>>, vector<16xf32>,
    %get3A_719 = arith.constant 144 : index
    %get3A_720 = tpu.vector_load %arg10[%get3A_719] {strides = array<i32>} : memref<512xi32, #tpu.memory_space<vmem>>, vector<16xi32>,
    %get3A_721 = arith.constant 144 : index
    %get3A_722 = tpu.vector_load %arg11[%get3A_721] {strides = array<i32>} : memref<512xi32, #tpu.memory_space<vmem>>, vector<16xi32>,
    %sub3A_723 = arith.constant 999424 : i32
    %sub3A_724 = vector.broadcast %sub3A_723 : i32 to vector<16xi32>
    %sub3A_725 = arith.subi %get3A_720, %sub3A_724 : vector<16xi32>
    %jit3A_726 = arith.constant 0 : i32
    %jit3A_727 = arith.constant 575 : i32
    %max3A_728 = vector.broadcast %jit3A_726 : i32 to vector<16xi32>
    %max3A_729 = arith.maxsi %max3A_728, %sub3A_725 : vector<16xi32>
    %min3A_730 = vector.broadcast %jit3A_727 : i32 to vector<16xi32>
    %min3A_731 = arith.minsi %min3A_730, %max3A_729 : vector<16xi32>
    %gather3A_732 = tpu.vector_load_idx %arg16[%min3A_731] : memref<576xf32, #tpu.memory_space<vmem>>[vector<16xi32>], vector<16xf32>,
    %sub3A_733 = arith.constant 999424 : i32
    %sub3A_734 = vector.broadcast %sub3A_733 : i32 to vector<16xi32>
    %sub3A_735 = arith.subi %get3A_722, %sub3A_734 : vector<16xi32>
    %jit3A_736 = arith.constant 0 : i32
    %jit3A_737 = arith.constant 575 : i32
    %max3A_738 = vector.broadcast %jit3A_736 : i32 to vector<16xi32>
    %max3A_739 = arith.maxsi %max3A_738, %sub3A_735 : vector<16xi32>
    %min3A_740 = vector.broadcast %jit3A_737 : i32 to vector<16xi32>
    %min3A_741 = arith.minsi %min3A_740, %max3A_739 : vector<16xi32>
    %gather3A_742 = tpu.vector_load_idx %arg17[%min3A_741] : memref<576xf32, #tpu.memory_space<vmem>>[vector<16xi32>], vector<16xf32>,
    %ge3A_743 = arith.constant 999424 : i32
    %ge3A_744 = vector.broadcast %ge3A_743 : i32 to vector<16xi32>
    %ge3A_745 = arith.cmpi sge, %get3A_720, %ge3A_744 : vector<16xi32>
    %get3A_746 = arith.constant 144 : index
    %get3A_747 = tpu.vector_load %arg14[%get3A_746] {strides = array<i32>} : memref<512xf32, #tpu.memory_space<vmem>>, vector<16xf32>,
    %select_n3A_748 = arith.select %ge3A_745, %gather3A_732, %get3A_747 : vector<16xi1>, vector<16xf32>
    %ge3A_749 = arith.constant 999424 : i32
    %ge3A_750 = vector.broadcast %ge3A_749 : i32 to vector<16xi32>
    %ge3A_751 = arith.cmpi sge, %get3A_722, %ge3A_750 : vector<16xi32>
    %get3A_752 = arith.constant 144 : index
    %get3A_753 = tpu.vector_load %arg15[%get3A_752] {strides = array<i32>} : memref<512xf32, #tpu.memory_space<vmem>>, vector<16xf32>,
    %select_n3A_754 = arith.select %ge3A_751, %gather3A_742, %get3A_753 : vector<16xi1>, vector<16xf32>
    %mul3A_755 = arith.mulf %select_n3A_748, %get3A_334 : vector<16xf32>
    %mul3A_756 = arith.mulf %select_n3A_754, %get3A_338 : vector<16xf32>
    %add3A_757 = arith.addf %mul3A_755, %mul3A_756 : vector<16xf32>
    %add3A_758 = arith.addf %add3A_757, %get3A_342 : vector<16xf32>
    %swap3A_759 = arith.constant 144 : index
    %swap3A_760 = tpu.vector_load %arg18[%swap3A_759] {strides = array<i32>} : memref<512xf32, #tpu.memory_space<vmem>>, vector<16xf32>,
    tpu.vector_store %arg18[%swap3A_759], %add3A_758 {strides = array<i32>} : memref<512xf32, #tpu.memory_space<vmem>>, vector<16xf32>,
    %get3A_761 = arith.constant 160 : index
    %get3A_762 = tpu.vector_load %arg10[%get3A_761] {strides = array<i32>} : memref<512xi32, #tpu.memory_space<vmem>>, vector<16xi32>,
    %get3A_763 = arith.constant 160 : index
    %get3A_764 = tpu.vector_load %arg11[%get3A_763] {strides = array<i32>} : memref<512xi32, #tpu.memory_space<vmem>>, vector<16xi32>,
    %sub3A_765 = arith.constant 999424 : i32
    %sub3A_766 = vector.broadcast %sub3A_765 : i32 to vector<16xi32>
    %sub3A_767 = arith.subi %get3A_762, %sub3A_766 : vector<16xi32>
    %jit3A_768 = arith.constant 0 : i32
    %jit3A_769 = arith.constant 575 : i32
    %max3A_770 = vector.broadcast %jit3A_768 : i32 to vector<16xi32>
    %max3A_771 = arith.maxsi %max3A_770, %sub3A_767 : vector<16xi32>
    %min3A_772 = vector.broadcast %jit3A_769 : i32 to vector<16xi32>
    %min3A_773 = arith.minsi %min3A_772, %max3A_771 : vector<16xi32>
    %gather3A_774 = tpu.vector_load_idx %arg16[%min3A_773] : memref<576xf32, #tpu.memory_space<vmem>>[vector<16xi32>], vector<16xf32>,
    %sub3A_775 = arith.constant 999424 : i32
    %sub3A_776 = vector.broadcast %sub3A_775 : i32 to vector<16xi32>
    %sub3A_777 = arith.subi %get3A_764, %sub3A_776 : vector<16xi32>
    %jit3A_778 = arith.constant 0 : i32
    %jit3A_779 = arith.constant 575 : i32
    %max3A_780 = vector.broadcast %jit3A_778 : i32 to vector<16xi32>
    %max3A_781 = arith.maxsi %max3A_780, %sub3A_777 : vector<16xi32>
    %min3A_782 = vector.broadcast %jit3A_779 : i32 to vector<16xi32>
    %min3A_783 = arith.minsi %min3A_782, %max3A_781 : vector<16xi32>
    %gather3A_784 = tpu.vector_load_idx %arg17[%min3A_783] : memref<576xf32, #tpu.memory_space<vmem>>[vector<16xi32>], vector<16xf32>,
    %ge3A_785 = arith.constant 999424 : i32
    %ge3A_786 = vector.broadcast %ge3A_785 : i32 to vector<16xi32>
    %ge3A_787 = arith.cmpi sge, %get3A_762, %ge3A_786 : vector<16xi32>
    %get3A_788 = arith.constant 160 : index
    %get3A_789 = tpu.vector_load %arg14[%get3A_788] {strides = array<i32>} : memref<512xf32, #tpu.memory_space<vmem>>, vector<16xf32>,
    %select_n3A_790 = arith.select %ge3A_787, %gather3A_774, %get3A_789 : vector<16xi1>, vector<16xf32>
    %ge3A_791 = arith.constant 999424 : i32
    %ge3A_792 = vector.broadcast %ge3A_791 : i32 to vector<16xi32>
    %ge3A_793 = arith.cmpi sge, %get3A_764, %ge3A_792 : vector<16xi32>
    %get3A_794 = arith.constant 160 : index
    %get3A_795 = tpu.vector_load %arg15[%get3A_794] {strides = array<i32>} : memref<512xf32, #tpu.memory_space<vmem>>, vector<16xf32>,
    %select_n3A_796 = arith.select %ge3A_793, %gather3A_784, %get3A_795 : vector<16xi1>, vector<16xf32>
    %mul3A_797 = arith.mulf %select_n3A_790, %get3A_334 : vector<16xf32>
    %mul3A_798 = arith.mulf %select_n3A_796, %get3A_338 : vector<16xf32>
    %add3A_799 = arith.addf %mul3A_797, %mul3A_798 : vector<16xf32>
    %add3A_800 = arith.addf %add3A_799, %get3A_342 : vector<16xf32>
    %swap3A_801 = arith.constant 160 : index
    %swap3A_802 = tpu.vector_load %arg18[%swap3A_801] {strides = array<i32>} : memref<512xf32, #tpu.memory_space<vmem>>, vector<16xf32>,
    tpu.vector_store %arg18[%swap3A_801], %add3A_800 {strides = array<i32>} : memref<512xf32, #tpu.memory_space<vmem>>, vector<16xf32>,
    %get3A_803 = arith.constant 176 : index
    %get3A_804 = tpu.vector_load %arg10[%get3A_803] {strides = array<i32>} : memref<512xi32, #tpu.memory_space<vmem>>, vector<16xi32>,
    %get3A_805 = arith.constant 176 : index
    %get3A_806 = tpu.vector_load %arg11[%get3A_805] {strides = array<i32>} : memref<512xi32, #tpu.memory_space<vmem>>, vector<16xi32>,
    %sub3A_807 = arith.constant 999424 : i32
    %sub3A_808 = vector.broadcast %sub3A_807 : i32 to vector<16xi32>
    %sub3A_809 = arith.subi %get3A_804, %sub3A_808 : vector<16xi32>
    %jit3A_810 = arith.constant 0 : i32
    %jit3A_811 = arith.constant 575 : i32
    %max3A_812 = vector.broadcast %jit3A_810 : i32 to vector<16xi32>
    %max3A_813 = arith.maxsi %max3A_812, %sub3A_809 : vector<16xi32>
    %min3A_814 = vector.broadcast %jit3A_811 : i32 to vector<16xi32>
    %min3A_815 = arith.minsi %min3A_814, %max3A_813 : vector<16xi32>
    %gather3A_816 = tpu.vector_load_idx %arg16[%min3A_815] : memref<576xf32, #tpu.memory_space<vmem>>[vector<16xi32>], vector<16xf32>,
    %sub3A_817 = arith.constant 999424 : i32
    %sub3A_818 = vector.broadcast %sub3A_817 : i32 to vector<16xi32>
    %sub3A_819 = arith.subi %get3A_806, %sub3A_818 : vector<16xi32>
    %jit3A_820 = arith.constant 0 : i32
    %jit3A_821 = arith.constant 575 : i32
    %max3A_822 = vector.broadcast %jit3A_820 : i32 to vector<16xi32>
    %max3A_823 = arith.maxsi %max3A_822, %sub3A_819 : vector<16xi32>
    %min3A_824 = vector.broadcast %jit3A_821 : i32 to vector<16xi32>
    %min3A_825 = arith.minsi %min3A_824, %max3A_823 : vector<16xi32>
    %gather3A_826 = tpu.vector_load_idx %arg17[%min3A_825] : memref<576xf32, #tpu.memory_space<vmem>>[vector<16xi32>], vector<16xf32>,
    %ge3A_827 = arith.constant 999424 : i32
    %ge3A_828 = vector.broadcast %ge3A_827 : i32 to vector<16xi32>
    %ge3A_829 = arith.cmpi sge, %get3A_804, %ge3A_828 : vector<16xi32>
    %get3A_830 = arith.constant 176 : index
    %get3A_831 = tpu.vector_load %arg14[%get3A_830] {strides = array<i32>} : memref<512xf32, #tpu.memory_space<vmem>>, vector<16xf32>,
    %select_n3A_832 = arith.select %ge3A_829, %gather3A_816, %get3A_831 : vector<16xi1>, vector<16xf32>
    %ge3A_833 = arith.constant 999424 : i32
    %ge3A_834 = vector.broadcast %ge3A_833 : i32 to vector<16xi32>
    %ge3A_835 = arith.cmpi sge, %get3A_806, %ge3A_834 : vector<16xi32>
    %get3A_836 = arith.constant 176 : index
    %get3A_837 = tpu.vector_load %arg15[%get3A_836] {strides = array<i32>} : memref<512xf32, #tpu.memory_space<vmem>>, vector<16xf32>,
    %select_n3A_838 = arith.select %ge3A_835, %gather3A_826, %get3A_837 : vector<16xi1>, vector<16xf32>
    %mul3A_839 = arith.mulf %select_n3A_832, %get3A_334 : vector<16xf32>
    %mul3A_840 = arith.mulf %select_n3A_838, %get3A_338 : vector<16xf32>
    %add3A_841 = arith.addf %mul3A_839, %mul3A_840 : vector<16xf32>
    %add3A_842 = arith.addf %add3A_841, %get3A_342 : vector<16xf32>
    %swap3A_843 = arith.constant 176 : index
    %swap3A_844 = tpu.vector_load %arg18[%swap3A_843] {strides = array<i32>} : memref<512xf32, #tpu.memory_space<vmem>>, vector<16xf32>,
    tpu.vector_store %arg18[%swap3A_843], %add3A_842 {strides = array<i32>} : memref<512xf32, #tpu.memory_space<vmem>>, vector<16xf32>,
    %get3A_845 = arith.constant 192 : index
    %get3A_846 = tpu.vector_load %arg10[%get3A_845] {strides = array<i32>} : memref<512xi32, #tpu.memory_space<vmem>>, vector<16xi32>,
    %get3A_847 = arith.constant 192 : index
    %get3A_848 = tpu.vector_load %arg11[%get3A_847] {strides = array<i32>} : memref<512xi32, #tpu.memory_space<vmem>>, vector<16xi32>,
    %sub3A_849 = arith.constant 999424 : i32
    %sub3A_850 = vector.broadcast %sub3A_849 : i32 to vector<16xi32>
    %sub3A_851 = arith.subi %get3A_846, %sub3A_850 : vector<16xi32>
    %jit3A_852 = arith.constant 0 : i32
    %jit3A_853 = arith.constant 575 : i32
    %max3A_854 = vector.broadcast %jit3A_852 : i32 to vector<16xi32>
    %max3A_855 = arith.maxsi %max3A_854, %sub3A_851 : vector<16xi32>
    %min3A_856 = vector.broadcast %jit3A_853 : i32 to vector<16xi32>
    %min3A_857 = arith.minsi %min3A_856, %max3A_855 : vector<16xi32>
    %gather3A_858 = tpu.vector_load_idx %arg16[%min3A_857] : memref<576xf32, #tpu.memory_space<vmem>>[vector<16xi32>], vector<16xf32>,
    %sub3A_859 = arith.constant 999424 : i32
    %sub3A_860 = vector.broadcast %sub3A_859 : i32 to vector<16xi32>
    %sub3A_861 = arith.subi %get3A_848, %sub3A_860 : vector<16xi32>
    %jit3A_862 = arith.constant 0 : i32
    %jit3A_863 = arith.constant 575 : i32
    %max3A_864 = vector.broadcast %jit3A_862 : i32 to vector<16xi32>
    %max3A_865 = arith.maxsi %max3A_864, %sub3A_861 : vector<16xi32>
    %min3A_866 = vector.broadcast %jit3A_863 : i32 to vector<16xi32>
    %min3A_867 = arith.minsi %min3A_866, %max3A_865 : vector<16xi32>
    %gather3A_868 = tpu.vector_load_idx %arg17[%min3A_867] : memref<576xf32, #tpu.memory_space<vmem>>[vector<16xi32>], vector<16xf32>,
    %ge3A_869 = arith.constant 999424 : i32
    %ge3A_870 = vector.broadcast %ge3A_869 : i32 to vector<16xi32>
    %ge3A_871 = arith.cmpi sge, %get3A_846, %ge3A_870 : vector<16xi32>
    %get3A_872 = arith.constant 192 : index
    %get3A_873 = tpu.vector_load %arg14[%get3A_872] {strides = array<i32>} : memref<512xf32, #tpu.memory_space<vmem>>, vector<16xf32>,
    %select_n3A_874 = arith.select %ge3A_871, %gather3A_858, %get3A_873 : vector<16xi1>, vector<16xf32>
    %ge3A_875 = arith.constant 999424 : i32
    %ge3A_876 = vector.broadcast %ge3A_875 : i32 to vector<16xi32>
    %ge3A_877 = arith.cmpi sge, %get3A_848, %ge3A_876 : vector<16xi32>
    %get3A_878 = arith.constant 192 : index
    %get3A_879 = tpu.vector_load %arg15[%get3A_878] {strides = array<i32>} : memref<512xf32, #tpu.memory_space<vmem>>, vector<16xf32>,
    %select_n3A_880 = arith.select %ge3A_877, %gather3A_868, %get3A_879 : vector<16xi1>, vector<16xf32>
    %mul3A_881 = arith.mulf %select_n3A_874, %get3A_334 : vector<16xf32>
    %mul3A_882 = arith.mulf %select_n3A_880, %get3A_338 : vector<16xf32>
    %add3A_883 = arith.addf %mul3A_881, %mul3A_882 : vector<16xf32>
    %add3A_884 = arith.addf %add3A_883, %get3A_342 : vector<16xf32>
    %swap3A_885 = arith.constant 192 : index
    %swap3A_886 = tpu.vector_load %arg18[%swap3A_885] {strides = array<i32>} : memref<512xf32, #tpu.memory_space<vmem>>, vector<16xf32>,
    tpu.vector_store %arg18[%swap3A_885], %add3A_884 {strides = array<i32>} : memref<512xf32, #tpu.memory_space<vmem>>, vector<16xf32>,
    %get3A_887 = arith.constant 208 : index
    %get3A_888 = tpu.vector_load %arg10[%get3A_887] {strides = array<i32>} : memref<512xi32, #tpu.memory_space<vmem>>, vector<16xi32>,
    %get3A_889 = arith.constant 208 : index
    %get3A_890 = tpu.vector_load %arg11[%get3A_889] {strides = array<i32>} : memref<512xi32, #tpu.memory_space<vmem>>, vector<16xi32>,
    %sub3A_891 = arith.constant 999424 : i32
    %sub3A_892 = vector.broadcast %sub3A_891 : i32 to vector<16xi32>
    %sub3A_893 = arith.subi %get3A_888, %sub3A_892 : vector<16xi32>
    %jit3A_894 = arith.constant 0 : i32
    %jit3A_895 = arith.constant 575 : i32
    %max3A_896 = vector.broadcast %jit3A_894 : i32 to vector<16xi32>
    %max3A_897 = arith.maxsi %max3A_896, %sub3A_893 : vector<16xi32>
    %min3A_898 = vector.broadcast %jit3A_895 : i32 to vector<16xi32>
    %min3A_899 = arith.minsi %min3A_898, %max3A_897 : vector<16xi32>
    %gather3A_900 = tpu.vector_load_idx %arg16[%min3A_899] : memref<576xf32, #tpu.memory_space<vmem>>[vector<16xi32>], vector<16xf32>,
    %sub3A_901 = arith.constant 999424 : i32
    %sub3A_902 = vector.broadcast %sub3A_901 : i32 to vector<16xi32>
    %sub3A_903 = arith.subi %get3A_890, %sub3A_902 : vector<16xi32>
    %jit3A_904 = arith.constant 0 : i32
    %jit3A_905 = arith.constant 575 : i32
    %max3A_906 = vector.broadcast %jit3A_904 : i32 to vector<16xi32>
    %max3A_907 = arith.maxsi %max3A_906, %sub3A_903 : vector<16xi32>
    %min3A_908 = vector.broadcast %jit3A_905 : i32 to vector<16xi32>
    %min3A_909 = arith.minsi %min3A_908, %max3A_907 : vector<16xi32>
    %gather3A_910 = tpu.vector_load_idx %arg17[%min3A_909] : memref<576xf32, #tpu.memory_space<vmem>>[vector<16xi32>], vector<16xf32>,
    %ge3A_911 = arith.constant 999424 : i32
    %ge3A_912 = vector.broadcast %ge3A_911 : i32 to vector<16xi32>
    %ge3A_913 = arith.cmpi sge, %get3A_888, %ge3A_912 : vector<16xi32>
    %get3A_914 = arith.constant 208 : index
    %get3A_915 = tpu.vector_load %arg14[%get3A_914] {strides = array<i32>} : memref<512xf32, #tpu.memory_space<vmem>>, vector<16xf32>,
    %select_n3A_916 = arith.select %ge3A_913, %gather3A_900, %get3A_915 : vector<16xi1>, vector<16xf32>
    %ge3A_917 = arith.constant 999424 : i32
    %ge3A_918 = vector.broadcast %ge3A_917 : i32 to vector<16xi32>
    %ge3A_919 = arith.cmpi sge, %get3A_890, %ge3A_918 : vector<16xi32>
    %get3A_920 = arith.constant 208 : index
    %get3A_921 = tpu.vector_load %arg15[%get3A_920] {strides = array<i32>} : memref<512xf32, #tpu.memory_space<vmem>>, vector<16xf32>,
    %select_n3A_922 = arith.select %ge3A_919, %gather3A_910, %get3A_921 : vector<16xi1>, vector<16xf32>
    %mul3A_923 = arith.mulf %select_n3A_916, %get3A_334 : vector<16xf32>
    %mul3A_924 = arith.mulf %select_n3A_922, %get3A_338 : vector<16xf32>
    %add3A_925 = arith.addf %mul3A_923, %mul3A_924 : vector<16xf32>
    %add3A_926 = arith.addf %add3A_925, %get3A_342 : vector<16xf32>
    %swap3A_927 = arith.constant 208 : index
    %swap3A_928 = tpu.vector_load %arg18[%swap3A_927] {strides = array<i32>} : memref<512xf32, #tpu.memory_space<vmem>>, vector<16xf32>,
    tpu.vector_store %arg18[%swap3A_927], %add3A_926 {strides = array<i32>} : memref<512xf32, #tpu.memory_space<vmem>>, vector<16xf32>,
    %get3A_929 = arith.constant 224 : index
    %get3A_930 = tpu.vector_load %arg10[%get3A_929] {strides = array<i32>} : memref<512xi32, #tpu.memory_space<vmem>>, vector<16xi32>,
    %get3A_931 = arith.constant 224 : index
    %get3A_932 = tpu.vector_load %arg11[%get3A_931] {strides = array<i32>} : memref<512xi32, #tpu.memory_space<vmem>>, vector<16xi32>,
    %sub3A_933 = arith.constant 999424 : i32
    %sub3A_934 = vector.broadcast %sub3A_933 : i32 to vector<16xi32>
    %sub3A_935 = arith.subi %get3A_930, %sub3A_934 : vector<16xi32>
    %jit3A_936 = arith.constant 0 : i32
    %jit3A_937 = arith.constant 575 : i32
    %max3A_938 = vector.broadcast %jit3A_936 : i32 to vector<16xi32>
    %max3A_939 = arith.maxsi %max3A_938, %sub3A_935 : vector<16xi32>
    %min3A_940 = vector.broadcast %jit3A_937 : i32 to vector<16xi32>
    %min3A_941 = arith.minsi %min3A_940, %max3A_939 : vector<16xi32>
    %gather3A_942 = tpu.vector_load_idx %arg16[%min3A_941] : memref<576xf32, #tpu.memory_space<vmem>>[vector<16xi32>], vector<16xf32>,
    %sub3A_943 = arith.constant 999424 : i32
    %sub3A_944 = vector.broadcast %sub3A_943 : i32 to vector<16xi32>
    %sub3A_945 = arith.subi %get3A_932, %sub3A_944 : vector<16xi32>
    %jit3A_946 = arith.constant 0 : i32
    %jit3A_947 = arith.constant 575 : i32
    %max3A_948 = vector.broadcast %jit3A_946 : i32 to vector<16xi32>
    %max3A_949 = arith.maxsi %max3A_948, %sub3A_945 : vector<16xi32>
    %min3A_950 = vector.broadcast %jit3A_947 : i32 to vector<16xi32>
    %min3A_951 = arith.minsi %min3A_950, %max3A_949 : vector<16xi32>
    %gather3A_952 = tpu.vector_load_idx %arg17[%min3A_951] : memref<576xf32, #tpu.memory_space<vmem>>[vector<16xi32>], vector<16xf32>,
    %ge3A_953 = arith.constant 999424 : i32
    %ge3A_954 = vector.broadcast %ge3A_953 : i32 to vector<16xi32>
    %ge3A_955 = arith.cmpi sge, %get3A_930, %ge3A_954 : vector<16xi32>
    %get3A_956 = arith.constant 224 : index
    %get3A_957 = tpu.vector_load %arg14[%get3A_956] {strides = array<i32>} : memref<512xf32, #tpu.memory_space<vmem>>, vector<16xf32>,
    %select_n3A_958 = arith.select %ge3A_955, %gather3A_942, %get3A_957 : vector<16xi1>, vector<16xf32>
    %ge3A_959 = arith.constant 999424 : i32
    %ge3A_960 = vector.broadcast %ge3A_959 : i32 to vector<16xi32>
    %ge3A_961 = arith.cmpi sge, %get3A_932, %ge3A_960 : vector<16xi32>
    %get3A_962 = arith.constant 224 : index
    %get3A_963 = tpu.vector_load %arg15[%get3A_962] {strides = array<i32>} : memref<512xf32, #tpu.memory_space<vmem>>, vector<16xf32>,
    %select_n3A_964 = arith.select %ge3A_961, %gather3A_952, %get3A_963 : vector<16xi1>, vector<16xf32>
    %mul3A_965 = arith.mulf %select_n3A_958, %get3A_334 : vector<16xf32>
    %mul3A_966 = arith.mulf %select_n3A_964, %get3A_338 : vector<16xf32>
    %add3A_967 = arith.addf %mul3A_965, %mul3A_966 : vector<16xf32>
    %add3A_968 = arith.addf %add3A_967, %get3A_342 : vector<16xf32>
    %swap3A_969 = arith.constant 224 : index
    %swap3A_970 = tpu.vector_load %arg18[%swap3A_969] {strides = array<i32>} : memref<512xf32, #tpu.memory_space<vmem>>, vector<16xf32>,
    tpu.vector_store %arg18[%swap3A_969], %add3A_968 {strides = array<i32>} : memref<512xf32, #tpu.memory_space<vmem>>, vector<16xf32>,
    %get3A_971 = arith.constant 240 : index
    %get3A_972 = tpu.vector_load %arg10[%get3A_971] {strides = array<i32>} : memref<512xi32, #tpu.memory_space<vmem>>, vector<16xi32>,
    %get3A_973 = arith.constant 240 : index
    %get3A_974 = tpu.vector_load %arg11[%get3A_973] {strides = array<i32>} : memref<512xi32, #tpu.memory_space<vmem>>, vector<16xi32>,
    %sub3A_975 = arith.constant 999424 : i32
    %sub3A_976 = vector.broadcast %sub3A_975 : i32 to vector<16xi32>
    %sub3A_977 = arith.subi %get3A_972, %sub3A_976 : vector<16xi32>
    %jit3A_978 = arith.constant 0 : i32
    %jit3A_979 = arith.constant 575 : i32
    %max3A_980 = vector.broadcast %jit3A_978 : i32 to vector<16xi32>
    %max3A_981 = arith.maxsi %max3A_980, %sub3A_977 : vector<16xi32>
    %min3A_982 = vector.broadcast %jit3A_979 : i32 to vector<16xi32>
    %min3A_983 = arith.minsi %min3A_982, %max3A_981 : vector<16xi32>
    %gather3A_984 = tpu.vector_load_idx %arg16[%min3A_983] : memref<576xf32, #tpu.memory_space<vmem>>[vector<16xi32>], vector<16xf32>,
    %sub3A_985 = arith.constant 999424 : i32
    %sub3A_986 = vector.broadcast %sub3A_985 : i32 to vector<16xi32>
    %sub3A_987 = arith.subi %get3A_974, %sub3A_986 : vector<16xi32>
    %jit3A_988 = arith.constant 0 : i32
    %jit3A_989 = arith.constant 575 : i32
    %max3A_990 = vector.broadcast %jit3A_988 : i32 to vector<16xi32>
    %max3A_991 = arith.maxsi %max3A_990, %sub3A_987 : vector<16xi32>
    %min3A_992 = vector.broadcast %jit3A_989 : i32 to vector<16xi32>
    %min3A_993 = arith.minsi %min3A_992, %max3A_991 : vector<16xi32>
    %gather3A_994 = tpu.vector_load_idx %arg17[%min3A_993] : memref<576xf32, #tpu.memory_space<vmem>>[vector<16xi32>], vector<16xf32>,
    %ge3A_995 = arith.constant 999424 : i32
    %ge3A_996 = vector.broadcast %ge3A_995 : i32 to vector<16xi32>
    %ge3A_997 = arith.cmpi sge, %get3A_972, %ge3A_996 : vector<16xi32>
    %get3A_998 = arith.constant 240 : index
    %get3A_999 = tpu.vector_load %arg14[%get3A_998] {strides = array<i32>} : memref<512xf32, #tpu.memory_space<vmem>>, vector<16xf32>,
    %select_n3A_1000 = arith.select %ge3A_997, %gather3A_984, %get3A_999 : vector<16xi1>, vector<16xf32>
    %ge3A_1001 = arith.constant 999424 : i32
    %ge3A_1002 = vector.broadcast %ge3A_1001 : i32 to vector<16xi32>
    %ge3A_1003 = arith.cmpi sge, %get3A_974, %ge3A_1002 : vector<16xi32>
    %get3A_1004 = arith.constant 240 : index
    %get3A_1005 = tpu.vector_load %arg15[%get3A_1004] {strides = array<i32>} : memref<512xf32, #tpu.memory_space<vmem>>, vector<16xf32>,
    %select_n3A_1006 = arith.select %ge3A_1003, %gather3A_994, %get3A_1005 : vector<16xi1>, vector<16xf32>
    %mul3A_1007 = arith.mulf %select_n3A_1000, %get3A_334 : vector<16xf32>
    %mul3A_1008 = arith.mulf %select_n3A_1006, %get3A_338 : vector<16xf32>
    %add3A_1009 = arith.addf %mul3A_1007, %mul3A_1008 : vector<16xf32>
    %add3A_1010 = arith.addf %add3A_1009, %get3A_342 : vector<16xf32>
    %swap3A_1011 = arith.constant 240 : index
    %swap3A_1012 = tpu.vector_load %arg18[%swap3A_1011] {strides = array<i32>} : memref<512xf32, #tpu.memory_space<vmem>>, vector<16xf32>,
    tpu.vector_store %arg18[%swap3A_1011], %add3A_1010 {strides = array<i32>} : memref<512xf32, #tpu.memory_space<vmem>>, vector<16xf32>,
    %get3A_1013 = arith.constant 256 : index
    %get3A_1014 = tpu.vector_load %arg10[%get3A_1013] {strides = array<i32>} : memref<512xi32, #tpu.memory_space<vmem>>, vector<16xi32>,
    %get3A_1015 = arith.constant 256 : index
    %get3A_1016 = tpu.vector_load %arg11[%get3A_1015] {strides = array<i32>} : memref<512xi32, #tpu.memory_space<vmem>>, vector<16xi32>,
    %sub3A_1017 = arith.constant 999424 : i32
    %sub3A_1018 = vector.broadcast %sub3A_1017 : i32 to vector<16xi32>
    %sub3A_1019 = arith.subi %get3A_1014, %sub3A_1018 : vector<16xi32>
    %jit3A_1020 = arith.constant 0 : i32
    %jit3A_1021 = arith.constant 575 : i32
    %max3A_1022 = vector.broadcast %jit3A_1020 : i32 to vector<16xi32>
    %max3A_1023 = arith.maxsi %max3A_1022, %sub3A_1019 : vector<16xi32>
    %min3A_1024 = vector.broadcast %jit3A_1021 : i32 to vector<16xi32>
    %min3A_1025 = arith.minsi %min3A_1024, %max3A_1023 : vector<16xi32>
    %gather3A_1026 = tpu.vector_load_idx %arg16[%min3A_1025] : memref<576xf32, #tpu.memory_space<vmem>>[vector<16xi32>], vector<16xf32>,
    %sub3A_1027 = arith.constant 999424 : i32
    %sub3A_1028 = vector.broadcast %sub3A_1027 : i32 to vector<16xi32>
    %sub3A_1029 = arith.subi %get3A_1016, %sub3A_1028 : vector<16xi32>
    %jit3A_1030 = arith.constant 0 : i32
    %jit3A_1031 = arith.constant 575 : i32
    %max3A_1032 = vector.broadcast %jit3A_1030 : i32 to vector<16xi32>
    %max3A_1033 = arith.maxsi %max3A_1032, %sub3A_1029 : vector<16xi32>
    %min3A_1034 = vector.broadcast %jit3A_1031 : i32 to vector<16xi32>
    %min3A_1035 = arith.minsi %min3A_1034, %max3A_1033 : vector<16xi32>
    %gather3A_1036 = tpu.vector_load_idx %arg17[%min3A_1035] : memref<576xf32, #tpu.memory_space<vmem>>[vector<16xi32>], vector<16xf32>,
    %ge3A_1037 = arith.constant 999424 : i32
    %ge3A_1038 = vector.broadcast %ge3A_1037 : i32 to vector<16xi32>
    %ge3A_1039 = arith.cmpi sge, %get3A_1014, %ge3A_1038 : vector<16xi32>
    %get3A_1040 = arith.constant 256 : index
    %get3A_1041 = tpu.vector_load %arg14[%get3A_1040] {strides = array<i32>} : memref<512xf32, #tpu.memory_space<vmem>>, vector<16xf32>,
    %select_n3A_1042 = arith.select %ge3A_1039, %gather3A_1026, %get3A_1041 : vector<16xi1>, vector<16xf32>
    %ge3A_1043 = arith.constant 999424 : i32
    %ge3A_1044 = vector.broadcast %ge3A_1043 : i32 to vector<16xi32>
    %ge3A_1045 = arith.cmpi sge, %get3A_1016, %ge3A_1044 : vector<16xi32>
    %get3A_1046 = arith.constant 256 : index
    %get3A_1047 = tpu.vector_load %arg15[%get3A_1046] {strides = array<i32>} : memref<512xf32, #tpu.memory_space<vmem>>, vector<16xf32>,
    %select_n3A_1048 = arith.select %ge3A_1045, %gather3A_1036, %get3A_1047 : vector<16xi1>, vector<16xf32>
    %mul3A_1049 = arith.mulf %select_n3A_1042, %get3A_334 : vector<16xf32>
    %mul3A_1050 = arith.mulf %select_n3A_1048, %get3A_338 : vector<16xf32>
    %add3A_1051 = arith.addf %mul3A_1049, %mul3A_1050 : vector<16xf32>
    %add3A_1052 = arith.addf %add3A_1051, %get3A_342 : vector<16xf32>
    %swap3A_1053 = arith.constant 256 : index
    %swap3A_1054 = tpu.vector_load %arg18[%swap3A_1053] {strides = array<i32>} : memref<512xf32, #tpu.memory_space<vmem>>, vector<16xf32>,
    tpu.vector_store %arg18[%swap3A_1053], %add3A_1052 {strides = array<i32>} : memref<512xf32, #tpu.memory_space<vmem>>, vector<16xf32>,
    %get3A_1055 = arith.constant 272 : index
    %get3A_1056 = tpu.vector_load %arg10[%get3A_1055] {strides = array<i32>} : memref<512xi32, #tpu.memory_space<vmem>>, vector<16xi32>,
    %get3A_1057 = arith.constant 272 : index
    %get3A_1058 = tpu.vector_load %arg11[%get3A_1057] {strides = array<i32>} : memref<512xi32, #tpu.memory_space<vmem>>, vector<16xi32>,
    %sub3A_1059 = arith.constant 999424 : i32
    %sub3A_1060 = vector.broadcast %sub3A_1059 : i32 to vector<16xi32>
    %sub3A_1061 = arith.subi %get3A_1056, %sub3A_1060 : vector<16xi32>
    %jit3A_1062 = arith.constant 0 : i32
    %jit3A_1063 = arith.constant 575 : i32
    %max3A_1064 = vector.broadcast %jit3A_1062 : i32 to vector<16xi32>
    %max3A_1065 = arith.maxsi %max3A_1064, %sub3A_1061 : vector<16xi32>
    %min3A_1066 = vector.broadcast %jit3A_1063 : i32 to vector<16xi32>
    %min3A_1067 = arith.minsi %min3A_1066, %max3A_1065 : vector<16xi32>
    %gather3A_1068 = tpu.vector_load_idx %arg16[%min3A_1067] : memref<576xf32, #tpu.memory_space<vmem>>[vector<16xi32>], vector<16xf32>,
    %sub3A_1069 = arith.constant 999424 : i32
    %sub3A_1070 = vector.broadcast %sub3A_1069 : i32 to vector<16xi32>
    %sub3A_1071 = arith.subi %get3A_1058, %sub3A_1070 : vector<16xi32>
    %jit3A_1072 = arith.constant 0 : i32
    %jit3A_1073 = arith.constant 575 : i32
    %max3A_1074 = vector.broadcast %jit3A_1072 : i32 to vector<16xi32>
    %max3A_1075 = arith.maxsi %max3A_1074, %sub3A_1071 : vector<16xi32>
    %min3A_1076 = vector.broadcast %jit3A_1073 : i32 to vector<16xi32>
    %min3A_1077 = arith.minsi %min3A_1076, %max3A_1075 : vector<16xi32>
    %gather3A_1078 = tpu.vector_load_idx %arg17[%min3A_1077] : memref<576xf32, #tpu.memory_space<vmem>>[vector<16xi32>], vector<16xf32>,
    %ge3A_1079 = arith.constant 999424 : i32
    %ge3A_1080 = vector.broadcast %ge3A_1079 : i32 to vector<16xi32>
    %ge3A_1081 = arith.cmpi sge, %get3A_1056, %ge3A_1080 : vector<16xi32>
    %get3A_1082 = arith.constant 272 : index
    %get3A_1083 = tpu.vector_load %arg14[%get3A_1082] {strides = array<i32>} : memref<512xf32, #tpu.memory_space<vmem>>, vector<16xf32>,
    %select_n3A_1084 = arith.select %ge3A_1081, %gather3A_1068, %get3A_1083 : vector<16xi1>, vector<16xf32>
    %ge3A_1085 = arith.constant 999424 : i32
    %ge3A_1086 = vector.broadcast %ge3A_1085 : i32 to vector<16xi32>
    %ge3A_1087 = arith.cmpi sge, %get3A_1058, %ge3A_1086 : vector<16xi32>
    %get3A_1088 = arith.constant 272 : index
    %get3A_1089 = tpu.vector_load %arg15[%get3A_1088] {strides = array<i32>} : memref<512xf32, #tpu.memory_space<vmem>>, vector<16xf32>,
    %select_n3A_1090 = arith.select %ge3A_1087, %gather3A_1078, %get3A_1089 : vector<16xi1>, vector<16xf32>
    %mul3A_1091 = arith.mulf %select_n3A_1084, %get3A_334 : vector<16xf32>
    %mul3A_1092 = arith.mulf %select_n3A_1090, %get3A_338 : vector<16xf32>
    %add3A_1093 = arith.addf %mul3A_1091, %mul3A_1092 : vector<16xf32>
    %add3A_1094 = arith.addf %add3A_1093, %get3A_342 : vector<16xf32>
    %swap3A_1095 = arith.constant 272 : index
    %swap3A_1096 = tpu.vector_load %arg18[%swap3A_1095] {strides = array<i32>} : memref<512xf32, #tpu.memory_space<vmem>>, vector<16xf32>,
    tpu.vector_store %arg18[%swap3A_1095], %add3A_1094 {strides = array<i32>} : memref<512xf32, #tpu.memory_space<vmem>>, vector<16xf32>,
    %get3A_1097 = arith.constant 288 : index
    %get3A_1098 = tpu.vector_load %arg10[%get3A_1097] {strides = array<i32>} : memref<512xi32, #tpu.memory_space<vmem>>, vector<16xi32>,
    %get3A_1099 = arith.constant 288 : index
    %get3A_1100 = tpu.vector_load %arg11[%get3A_1099] {strides = array<i32>} : memref<512xi32, #tpu.memory_space<vmem>>, vector<16xi32>,
    %sub3A_1101 = arith.constant 999424 : i32
    %sub3A_1102 = vector.broadcast %sub3A_1101 : i32 to vector<16xi32>
    %sub3A_1103 = arith.subi %get3A_1098, %sub3A_1102 : vector<16xi32>
    %jit3A_1104 = arith.constant 0 : i32
    %jit3A_1105 = arith.constant 575 : i32
    %max3A_1106 = vector.broadcast %jit3A_1104 : i32 to vector<16xi32>
    %max3A_1107 = arith.maxsi %max3A_1106, %sub3A_1103 : vector<16xi32>
    %min3A_1108 = vector.broadcast %jit3A_1105 : i32 to vector<16xi32>
    %min3A_1109 = arith.minsi %min3A_1108, %max3A_1107 : vector<16xi32>
    %gather3A_1110 = tpu.vector_load_idx %arg16[%min3A_1109] : memref<576xf32, #tpu.memory_space<vmem>>[vector<16xi32>], vector<16xf32>,
    %sub3A_1111 = arith.constant 999424 : i32
    %sub3A_1112 = vector.broadcast %sub3A_1111 : i32 to vector<16xi32>
    %sub3A_1113 = arith.subi %get3A_1100, %sub3A_1112 : vector<16xi32>
    %jit3A_1114 = arith.constant 0 : i32
    %jit3A_1115 = arith.constant 575 : i32
    %max3A_1116 = vector.broadcast %jit3A_1114 : i32 to vector<16xi32>
    %max3A_1117 = arith.maxsi %max3A_1116, %sub3A_1113 : vector<16xi32>
    %min3A_1118 = vector.broadcast %jit3A_1115 : i32 to vector<16xi32>
    %min3A_1119 = arith.minsi %min3A_1118, %max3A_1117 : vector<16xi32>
    %gather3A_1120 = tpu.vector_load_idx %arg17[%min3A_1119] : memref<576xf32, #tpu.memory_space<vmem>>[vector<16xi32>], vector<16xf32>,
    %ge3A_1121 = arith.constant 999424 : i32
    %ge3A_1122 = vector.broadcast %ge3A_1121 : i32 to vector<16xi32>
    %ge3A_1123 = arith.cmpi sge, %get3A_1098, %ge3A_1122 : vector<16xi32>
    %get3A_1124 = arith.constant 288 : index
    %get3A_1125 = tpu.vector_load %arg14[%get3A_1124] {strides = array<i32>} : memref<512xf32, #tpu.memory_space<vmem>>, vector<16xf32>,
    %select_n3A_1126 = arith.select %ge3A_1123, %gather3A_1110, %get3A_1125 : vector<16xi1>, vector<16xf32>
    %ge3A_1127 = arith.constant 999424 : i32
    %ge3A_1128 = vector.broadcast %ge3A_1127 : i32 to vector<16xi32>
    %ge3A_1129 = arith.cmpi sge, %get3A_1100, %ge3A_1128 : vector<16xi32>
    %get3A_1130 = arith.constant 288 : index
    %get3A_1131 = tpu.vector_load %arg15[%get3A_1130] {strides = array<i32>} : memref<512xf32, #tpu.memory_space<vmem>>, vector<16xf32>,
    %select_n3A_1132 = arith.select %ge3A_1129, %gather3A_1120, %get3A_1131 : vector<16xi1>, vector<16xf32>
    %mul3A_1133 = arith.mulf %select_n3A_1126, %get3A_334 : vector<16xf32>
    %mul3A_1134 = arith.mulf %select_n3A_1132, %get3A_338 : vector<16xf32>
    %add3A_1135 = arith.addf %mul3A_1133, %mul3A_1134 : vector<16xf32>
    %add3A_1136 = arith.addf %add3A_1135, %get3A_342 : vector<16xf32>
    %swap3A_1137 = arith.constant 288 : index
    %swap3A_1138 = tpu.vector_load %arg18[%swap3A_1137] {strides = array<i32>} : memref<512xf32, #tpu.memory_space<vmem>>, vector<16xf32>,
    tpu.vector_store %arg18[%swap3A_1137], %add3A_1136 {strides = array<i32>} : memref<512xf32, #tpu.memory_space<vmem>>, vector<16xf32>,
    %get3A_1139 = arith.constant 304 : index
    %get3A_1140 = tpu.vector_load %arg10[%get3A_1139] {strides = array<i32>} : memref<512xi32, #tpu.memory_space<vmem>>, vector<16xi32>,
    %get3A_1141 = arith.constant 304 : index
    %get3A_1142 = tpu.vector_load %arg11[%get3A_1141] {strides = array<i32>} : memref<512xi32, #tpu.memory_space<vmem>>, vector<16xi32>,
    %sub3A_1143 = arith.constant 999424 : i32
    %sub3A_1144 = vector.broadcast %sub3A_1143 : i32 to vector<16xi32>
    %sub3A_1145 = arith.subi %get3A_1140, %sub3A_1144 : vector<16xi32>
    %jit3A_1146 = arith.constant 0 : i32
    %jit3A_1147 = arith.constant 575 : i32
    %max3A_1148 = vector.broadcast %jit3A_1146 : i32 to vector<16xi32>
    %max3A_1149 = arith.maxsi %max3A_1148, %sub3A_1145 : vector<16xi32>
    %min3A_1150 = vector.broadcast %jit3A_1147 : i32 to vector<16xi32>
    %min3A_1151 = arith.minsi %min3A_1150, %max3A_1149 : vector<16xi32>
    %gather3A_1152 = tpu.vector_load_idx %arg16[%min3A_1151] : memref<576xf32, #tpu.memory_space<vmem>>[vector<16xi32>], vector<16xf32>,
    %sub3A_1153 = arith.constant 999424 : i32
    %sub3A_1154 = vector.broadcast %sub3A_1153 : i32 to vector<16xi32>
    %sub3A_1155 = arith.subi %get3A_1142, %sub3A_1154 : vector<16xi32>
    %jit3A_1156 = arith.constant 0 : i32
    %jit3A_1157 = arith.constant 575 : i32
    %max3A_1158 = vector.broadcast %jit3A_1156 : i32 to vector<16xi32>
    %max3A_1159 = arith.maxsi %max3A_1158, %sub3A_1155 : vector<16xi32>
    %min3A_1160 = vector.broadcast %jit3A_1157 : i32 to vector<16xi32>
    %min3A_1161 = arith.minsi %min3A_1160, %max3A_1159 : vector<16xi32>
    %gather3A_1162 = tpu.vector_load_idx %arg17[%min3A_1161] : memref<576xf32, #tpu.memory_space<vmem>>[vector<16xi32>], vector<16xf32>,
    %ge3A_1163 = arith.constant 999424 : i32
    %ge3A_1164 = vector.broadcast %ge3A_1163 : i32 to vector<16xi32>
    %ge3A_1165 = arith.cmpi sge, %get3A_1140, %ge3A_1164 : vector<16xi32>
    %get3A_1166 = arith.constant 304 : index
    %get3A_1167 = tpu.vector_load %arg14[%get3A_1166] {strides = array<i32>} : memref<512xf32, #tpu.memory_space<vmem>>, vector<16xf32>,
    %select_n3A_1168 = arith.select %ge3A_1165, %gather3A_1152, %get3A_1167 : vector<16xi1>, vector<16xf32>
    %ge3A_1169 = arith.constant 999424 : i32
    %ge3A_1170 = vector.broadcast %ge3A_1169 : i32 to vector<16xi32>
    %ge3A_1171 = arith.cmpi sge, %get3A_1142, %ge3A_1170 : vector<16xi32>
    %get3A_1172 = arith.constant 304 : index
    %get3A_1173 = tpu.vector_load %arg15[%get3A_1172] {strides = array<i32>} : memref<512xf32, #tpu.memory_space<vmem>>, vector<16xf32>,
    %select_n3A_1174 = arith.select %ge3A_1171, %gather3A_1162, %get3A_1173 : vector<16xi1>, vector<16xf32>
    %mul3A_1175 = arith.mulf %select_n3A_1168, %get3A_334 : vector<16xf32>
    %mul3A_1176 = arith.mulf %select_n3A_1174, %get3A_338 : vector<16xf32>
    %add3A_1177 = arith.addf %mul3A_1175, %mul3A_1176 : vector<16xf32>
    %add3A_1178 = arith.addf %add3A_1177, %get3A_342 : vector<16xf32>
    %swap3A_1179 = arith.constant 304 : index
    %swap3A_1180 = tpu.vector_load %arg18[%swap3A_1179] {strides = array<i32>} : memref<512xf32, #tpu.memory_space<vmem>>, vector<16xf32>,
    tpu.vector_store %arg18[%swap3A_1179], %add3A_1178 {strides = array<i32>} : memref<512xf32, #tpu.memory_space<vmem>>, vector<16xf32>,
    %get3A_1181 = arith.constant 320 : index
    %get3A_1182 = tpu.vector_load %arg10[%get3A_1181] {strides = array<i32>} : memref<512xi32, #tpu.memory_space<vmem>>, vector<16xi32>,
    %get3A_1183 = arith.constant 320 : index
    %get3A_1184 = tpu.vector_load %arg11[%get3A_1183] {strides = array<i32>} : memref<512xi32, #tpu.memory_space<vmem>>, vector<16xi32>,
    %sub3A_1185 = arith.constant 999424 : i32
    %sub3A_1186 = vector.broadcast %sub3A_1185 : i32 to vector<16xi32>
    %sub3A_1187 = arith.subi %get3A_1182, %sub3A_1186 : vector<16xi32>
    %jit3A_1188 = arith.constant 0 : i32
    %jit3A_1189 = arith.constant 575 : i32
    %max3A_1190 = vector.broadcast %jit3A_1188 : i32 to vector<16xi32>
    %max3A_1191 = arith.maxsi %max3A_1190, %sub3A_1187 : vector<16xi32>
    %min3A_1192 = vector.broadcast %jit3A_1189 : i32 to vector<16xi32>
    %min3A_1193 = arith.minsi %min3A_1192, %max3A_1191 : vector<16xi32>
    %gather3A_1194 = tpu.vector_load_idx %arg16[%min3A_1193] : memref<576xf32, #tpu.memory_space<vmem>>[vector<16xi32>], vector<16xf32>,
    %sub3A_1195 = arith.constant 999424 : i32
    %sub3A_1196 = vector.broadcast %sub3A_1195 : i32 to vector<16xi32>
    %sub3A_1197 = arith.subi %get3A_1184, %sub3A_1196 : vector<16xi32>
    %jit3A_1198 = arith.constant 0 : i32
    %jit3A_1199 = arith.constant 575 : i32
    %max3A_1200 = vector.broadcast %jit3A_1198 : i32 to vector<16xi32>
    %max3A_1201 = arith.maxsi %max3A_1200, %sub3A_1197 : vector<16xi32>
    %min3A_1202 = vector.broadcast %jit3A_1199 : i32 to vector<16xi32>
    %min3A_1203 = arith.minsi %min3A_1202, %max3A_1201 : vector<16xi32>
    %gather3A_1204 = tpu.vector_load_idx %arg17[%min3A_1203] : memref<576xf32, #tpu.memory_space<vmem>>[vector<16xi32>], vector<16xf32>,
    %ge3A_1205 = arith.constant 999424 : i32
    %ge3A_1206 = vector.broadcast %ge3A_1205 : i32 to vector<16xi32>
    %ge3A_1207 = arith.cmpi sge, %get3A_1182, %ge3A_1206 : vector<16xi32>
    %get3A_1208 = arith.constant 320 : index
    %get3A_1209 = tpu.vector_load %arg14[%get3A_1208] {strides = array<i32>} : memref<512xf32, #tpu.memory_space<vmem>>, vector<16xf32>,
    %select_n3A_1210 = arith.select %ge3A_1207, %gather3A_1194, %get3A_1209 : vector<16xi1>, vector<16xf32>
    %ge3A_1211 = arith.constant 999424 : i32
    %ge3A_1212 = vector.broadcast %ge3A_1211 : i32 to vector<16xi32>
    %ge3A_1213 = arith.cmpi sge, %get3A_1184, %ge3A_1212 : vector<16xi32>
    %get3A_1214 = arith.constant 320 : index
    %get3A_1215 = tpu.vector_load %arg15[%get3A_1214] {strides = array<i32>} : memref<512xf32, #tpu.memory_space<vmem>>, vector<16xf32>,
    %select_n3A_1216 = arith.select %ge3A_1213, %gather3A_1204, %get3A_1215 : vector<16xi1>, vector<16xf32>
    %mul3A_1217 = arith.mulf %select_n3A_1210, %get3A_334 : vector<16xf32>
    %mul3A_1218 = arith.mulf %select_n3A_1216, %get3A_338 : vector<16xf32>
    %add3A_1219 = arith.addf %mul3A_1217, %mul3A_1218 : vector<16xf32>
    %add3A_1220 = arith.addf %add3A_1219, %get3A_342 : vector<16xf32>
    %swap3A_1221 = arith.constant 320 : index
    %swap3A_1222 = tpu.vector_load %arg18[%swap3A_1221] {strides = array<i32>} : memref<512xf32, #tpu.memory_space<vmem>>, vector<16xf32>,
    tpu.vector_store %arg18[%swap3A_1221], %add3A_1220 {strides = array<i32>} : memref<512xf32, #tpu.memory_space<vmem>>, vector<16xf32>,
    %get3A_1223 = arith.constant 336 : index
    %get3A_1224 = tpu.vector_load %arg10[%get3A_1223] {strides = array<i32>} : memref<512xi32, #tpu.memory_space<vmem>>, vector<16xi32>,
    %get3A_1225 = arith.constant 336 : index
    %get3A_1226 = tpu.vector_load %arg11[%get3A_1225] {strides = array<i32>} : memref<512xi32, #tpu.memory_space<vmem>>, vector<16xi32>,
    %sub3A_1227 = arith.constant 999424 : i32
    %sub3A_1228 = vector.broadcast %sub3A_1227 : i32 to vector<16xi32>
    %sub3A_1229 = arith.subi %get3A_1224, %sub3A_1228 : vector<16xi32>
    %jit3A_1230 = arith.constant 0 : i32
    %jit3A_1231 = arith.constant 575 : i32
    %max3A_1232 = vector.broadcast %jit3A_1230 : i32 to vector<16xi32>
    %max3A_1233 = arith.maxsi %max3A_1232, %sub3A_1229 : vector<16xi32>
    %min3A_1234 = vector.broadcast %jit3A_1231 : i32 to vector<16xi32>
    %min3A_1235 = arith.minsi %min3A_1234, %max3A_1233 : vector<16xi32>
    %gather3A_1236 = tpu.vector_load_idx %arg16[%min3A_1235] : memref<576xf32, #tpu.memory_space<vmem>>[vector<16xi32>], vector<16xf32>,
    %sub3A_1237 = arith.constant 999424 : i32
    %sub3A_1238 = vector.broadcast %sub3A_1237 : i32 to vector<16xi32>
    %sub3A_1239 = arith.subi %get3A_1226, %sub3A_1238 : vector<16xi32>
    %jit3A_1240 = arith.constant 0 : i32
    %jit3A_1241 = arith.constant 575 : i32
    %max3A_1242 = vector.broadcast %jit3A_1240 : i32 to vector<16xi32>
    %max3A_1243 = arith.maxsi %max3A_1242, %sub3A_1239 : vector<16xi32>
    %min3A_1244 = vector.broadcast %jit3A_1241 : i32 to vector<16xi32>
    %min3A_1245 = arith.minsi %min3A_1244, %max3A_1243 : vector<16xi32>
    %gather3A_1246 = tpu.vector_load_idx %arg17[%min3A_1245] : memref<576xf32, #tpu.memory_space<vmem>>[vector<16xi32>], vector<16xf32>,
    %ge3A_1247 = arith.constant 999424 : i32
    %ge3A_1248 = vector.broadcast %ge3A_1247 : i32 to vector<16xi32>
    %ge3A_1249 = arith.cmpi sge, %get3A_1224, %ge3A_1248 : vector<16xi32>
    %get3A_1250 = arith.constant 336 : index
    %get3A_1251 = tpu.vector_load %arg14[%get3A_1250] {strides = array<i32>} : memref<512xf32, #tpu.memory_space<vmem>>, vector<16xf32>,
    %select_n3A_1252 = arith.select %ge3A_1249, %gather3A_1236, %get3A_1251 : vector<16xi1>, vector<16xf32>
    %ge3A_1253 = arith.constant 999424 : i32
    %ge3A_1254 = vector.broadcast %ge3A_1253 : i32 to vector<16xi32>
    %ge3A_1255 = arith.cmpi sge, %get3A_1226, %ge3A_1254 : vector<16xi32>
    %get3A_1256 = arith.constant 336 : index
    %get3A_1257 = tpu.vector_load %arg15[%get3A_1256] {strides = array<i32>} : memref<512xf32, #tpu.memory_space<vmem>>, vector<16xf32>,
    %select_n3A_1258 = arith.select %ge3A_1255, %gather3A_1246, %get3A_1257 : vector<16xi1>, vector<16xf32>
    %mul3A_1259 = arith.mulf %select_n3A_1252, %get3A_334 : vector<16xf32>
    %mul3A_1260 = arith.mulf %select_n3A_1258, %get3A_338 : vector<16xf32>
    %add3A_1261 = arith.addf %mul3A_1259, %mul3A_1260 : vector<16xf32>
    %add3A_1262 = arith.addf %add3A_1261, %get3A_342 : vector<16xf32>
    %swap3A_1263 = arith.constant 336 : index
    %swap3A_1264 = tpu.vector_load %arg18[%swap3A_1263] {strides = array<i32>} : memref<512xf32, #tpu.memory_space<vmem>>, vector<16xf32>,
    tpu.vector_store %arg18[%swap3A_1263], %add3A_1262 {strides = array<i32>} : memref<512xf32, #tpu.memory_space<vmem>>, vector<16xf32>,
    %get3A_1265 = arith.constant 352 : index
    %get3A_1266 = tpu.vector_load %arg10[%get3A_1265] {strides = array<i32>} : memref<512xi32, #tpu.memory_space<vmem>>, vector<16xi32>,
    %get3A_1267 = arith.constant 352 : index
    %get3A_1268 = tpu.vector_load %arg11[%get3A_1267] {strides = array<i32>} : memref<512xi32, #tpu.memory_space<vmem>>, vector<16xi32>,
    %sub3A_1269 = arith.constant 999424 : i32
    %sub3A_1270 = vector.broadcast %sub3A_1269 : i32 to vector<16xi32>
    %sub3A_1271 = arith.subi %get3A_1266, %sub3A_1270 : vector<16xi32>
    %jit3A_1272 = arith.constant 0 : i32
    %jit3A_1273 = arith.constant 575 : i32
    %max3A_1274 = vector.broadcast %jit3A_1272 : i32 to vector<16xi32>
    %max3A_1275 = arith.maxsi %max3A_1274, %sub3A_1271 : vector<16xi32>
    %min3A_1276 = vector.broadcast %jit3A_1273 : i32 to vector<16xi32>
    %min3A_1277 = arith.minsi %min3A_1276, %max3A_1275 : vector<16xi32>
    %gather3A_1278 = tpu.vector_load_idx %arg16[%min3A_1277] : memref<576xf32, #tpu.memory_space<vmem>>[vector<16xi32>], vector<16xf32>,
    %sub3A_1279 = arith.constant 999424 : i32
    %sub3A_1280 = vector.broadcast %sub3A_1279 : i32 to vector<16xi32>
    %sub3A_1281 = arith.subi %get3A_1268, %sub3A_1280 : vector<16xi32>
    %jit3A_1282 = arith.constant 0 : i32
    %jit3A_1283 = arith.constant 575 : i32
    %max3A_1284 = vector.broadcast %jit3A_1282 : i32 to vector<16xi32>
    %max3A_1285 = arith.maxsi %max3A_1284, %sub3A_1281 : vector<16xi32>
    %min3A_1286 = vector.broadcast %jit3A_1283 : i32 to vector<16xi32>
    %min3A_1287 = arith.minsi %min3A_1286, %max3A_1285 : vector<16xi32>
    %gather3A_1288 = tpu.vector_load_idx %arg17[%min3A_1287] : memref<576xf32, #tpu.memory_space<vmem>>[vector<16xi32>], vector<16xf32>,
    %ge3A_1289 = arith.constant 999424 : i32
    %ge3A_1290 = vector.broadcast %ge3A_1289 : i32 to vector<16xi32>
    %ge3A_1291 = arith.cmpi sge, %get3A_1266, %ge3A_1290 : vector<16xi32>
    %get3A_1292 = arith.constant 352 : index
    %get3A_1293 = tpu.vector_load %arg14[%get3A_1292] {strides = array<i32>} : memref<512xf32, #tpu.memory_space<vmem>>, vector<16xf32>,
    %select_n3A_1294 = arith.select %ge3A_1291, %gather3A_1278, %get3A_1293 : vector<16xi1>, vector<16xf32>
    %ge3A_1295 = arith.constant 999424 : i32
    %ge3A_1296 = vector.broadcast %ge3A_1295 : i32 to vector<16xi32>
    %ge3A_1297 = arith.cmpi sge, %get3A_1268, %ge3A_1296 : vector<16xi32>
    %get3A_1298 = arith.constant 352 : index
    %get3A_1299 = tpu.vector_load %arg15[%get3A_1298] {strides = array<i32>} : memref<512xf32, #tpu.memory_space<vmem>>, vector<16xf32>,
    %select_n3A_1300 = arith.select %ge3A_1297, %gather3A_1288, %get3A_1299 : vector<16xi1>, vector<16xf32>
    %mul3A_1301 = arith.mulf %select_n3A_1294, %get3A_334 : vector<16xf32>
    %mul3A_1302 = arith.mulf %select_n3A_1300, %get3A_338 : vector<16xf32>
    %add3A_1303 = arith.addf %mul3A_1301, %mul3A_1302 : vector<16xf32>
    %add3A_1304 = arith.addf %add3A_1303, %get3A_342 : vector<16xf32>
    %swap3A_1305 = arith.constant 352 : index
    %swap3A_1306 = tpu.vector_load %arg18[%swap3A_1305] {strides = array<i32>} : memref<512xf32, #tpu.memory_space<vmem>>, vector<16xf32>,
    tpu.vector_store %arg18[%swap3A_1305], %add3A_1304 {strides = array<i32>} : memref<512xf32, #tpu.memory_space<vmem>>, vector<16xf32>,
    %get3A_1307 = arith.constant 368 : index
    %get3A_1308 = tpu.vector_load %arg10[%get3A_1307] {strides = array<i32>} : memref<512xi32, #tpu.memory_space<vmem>>, vector<16xi32>,
    %get3A_1309 = arith.constant 368 : index
    %get3A_1310 = tpu.vector_load %arg11[%get3A_1309] {strides = array<i32>} : memref<512xi32, #tpu.memory_space<vmem>>, vector<16xi32>,
    %sub3A_1311 = arith.constant 999424 : i32
    %sub3A_1312 = vector.broadcast %sub3A_1311 : i32 to vector<16xi32>
    %sub3A_1313 = arith.subi %get3A_1308, %sub3A_1312 : vector<16xi32>
    %jit3A_1314 = arith.constant 0 : i32
    %jit3A_1315 = arith.constant 575 : i32
    %max3A_1316 = vector.broadcast %jit3A_1314 : i32 to vector<16xi32>
    %max3A_1317 = arith.maxsi %max3A_1316, %sub3A_1313 : vector<16xi32>
    %min3A_1318 = vector.broadcast %jit3A_1315 : i32 to vector<16xi32>
    %min3A_1319 = arith.minsi %min3A_1318, %max3A_1317 : vector<16xi32>
    %gather3A_1320 = tpu.vector_load_idx %arg16[%min3A_1319] : memref<576xf32, #tpu.memory_space<vmem>>[vector<16xi32>], vector<16xf32>,
    %sub3A_1321 = arith.constant 999424 : i32
    %sub3A_1322 = vector.broadcast %sub3A_1321 : i32 to vector<16xi32>
    %sub3A_1323 = arith.subi %get3A_1310, %sub3A_1322 : vector<16xi32>
    %jit3A_1324 = arith.constant 0 : i32
    %jit3A_1325 = arith.constant 575 : i32
    %max3A_1326 = vector.broadcast %jit3A_1324 : i32 to vector<16xi32>
    %max3A_1327 = arith.maxsi %max3A_1326, %sub3A_1323 : vector<16xi32>
    %min3A_1328 = vector.broadcast %jit3A_1325 : i32 to vector<16xi32>
    %min3A_1329 = arith.minsi %min3A_1328, %max3A_1327 : vector<16xi32>
    %gather3A_1330 = tpu.vector_load_idx %arg17[%min3A_1329] : memref<576xf32, #tpu.memory_space<vmem>>[vector<16xi32>], vector<16xf32>,
    %ge3A_1331 = arith.constant 999424 : i32
    %ge3A_1332 = vector.broadcast %ge3A_1331 : i32 to vector<16xi32>
    %ge3A_1333 = arith.cmpi sge, %get3A_1308, %ge3A_1332 : vector<16xi32>
    %get3A_1334 = arith.constant 368 : index
    %get3A_1335 = tpu.vector_load %arg14[%get3A_1334] {strides = array<i32>} : memref<512xf32, #tpu.memory_space<vmem>>, vector<16xf32>,
    %select_n3A_1336 = arith.select %ge3A_1333, %gather3A_1320, %get3A_1335 : vector<16xi1>, vector<16xf32>
    %ge3A_1337 = arith.constant 999424 : i32
    %ge3A_1338 = vector.broadcast %ge3A_1337 : i32 to vector<16xi32>
    %ge3A_1339 = arith.cmpi sge, %get3A_1310, %ge3A_1338 : vector<16xi32>
    %get3A_1340 = arith.constant 368 : index
    %get3A_1341 = tpu.vector_load %arg15[%get3A_1340] {strides = array<i32>} : memref<512xf32, #tpu.memory_space<vmem>>, vector<16xf32>,
    %select_n3A_1342 = arith.select %ge3A_1339, %gather3A_1330, %get3A_1341 : vector<16xi1>, vector<16xf32>
    %mul3A_1343 = arith.mulf %select_n3A_1336, %get3A_334 : vector<16xf32>
    %mul3A_1344 = arith.mulf %select_n3A_1342, %get3A_338 : vector<16xf32>
    %add3A_1345 = arith.addf %mul3A_1343, %mul3A_1344 : vector<16xf32>
    %add3A_1346 = arith.addf %add3A_1345, %get3A_342 : vector<16xf32>
    %swap3A_1347 = arith.constant 368 : index
    %swap3A_1348 = tpu.vector_load %arg18[%swap3A_1347] {strides = array<i32>} : memref<512xf32, #tpu.memory_space<vmem>>, vector<16xf32>,
    tpu.vector_store %arg18[%swap3A_1347], %add3A_1346 {strides = array<i32>} : memref<512xf32, #tpu.memory_space<vmem>>, vector<16xf32>,
    %get3A_1349 = arith.constant 384 : index
    %get3A_1350 = tpu.vector_load %arg10[%get3A_1349] {strides = array<i32>} : memref<512xi32, #tpu.memory_space<vmem>>, vector<16xi32>,
    %get3A_1351 = arith.constant 384 : index
    %get3A_1352 = tpu.vector_load %arg11[%get3A_1351] {strides = array<i32>} : memref<512xi32, #tpu.memory_space<vmem>>, vector<16xi32>,
    %sub3A_1353 = arith.constant 999424 : i32
    %sub3A_1354 = vector.broadcast %sub3A_1353 : i32 to vector<16xi32>
    %sub3A_1355 = arith.subi %get3A_1350, %sub3A_1354 : vector<16xi32>
    %jit3A_1356 = arith.constant 0 : i32
    %jit3A_1357 = arith.constant 575 : i32
    %max3A_1358 = vector.broadcast %jit3A_1356 : i32 to vector<16xi32>
    %max3A_1359 = arith.maxsi %max3A_1358, %sub3A_1355 : vector<16xi32>
    %min3A_1360 = vector.broadcast %jit3A_1357 : i32 to vector<16xi32>
    %min3A_1361 = arith.minsi %min3A_1360, %max3A_1359 : vector<16xi32>
    %gather3A_1362 = tpu.vector_load_idx %arg16[%min3A_1361] : memref<576xf32, #tpu.memory_space<vmem>>[vector<16xi32>], vector<16xf32>,
    %sub3A_1363 = arith.constant 999424 : i32
    %sub3A_1364 = vector.broadcast %sub3A_1363 : i32 to vector<16xi32>
    %sub3A_1365 = arith.subi %get3A_1352, %sub3A_1364 : vector<16xi32>
    %jit3A_1366 = arith.constant 0 : i32
    %jit3A_1367 = arith.constant 575 : i32
    %max3A_1368 = vector.broadcast %jit3A_1366 : i32 to vector<16xi32>
    %max3A_1369 = arith.maxsi %max3A_1368, %sub3A_1365 : vector<16xi32>
    %min3A_1370 = vector.broadcast %jit3A_1367 : i32 to vector<16xi32>
    %min3A_1371 = arith.minsi %min3A_1370, %max3A_1369 : vector<16xi32>
    %gather3A_1372 = tpu.vector_load_idx %arg17[%min3A_1371] : memref<576xf32, #tpu.memory_space<vmem>>[vector<16xi32>], vector<16xf32>,
    %ge3A_1373 = arith.constant 999424 : i32
    %ge3A_1374 = vector.broadcast %ge3A_1373 : i32 to vector<16xi32>
    %ge3A_1375 = arith.cmpi sge, %get3A_1350, %ge3A_1374 : vector<16xi32>
    %get3A_1376 = arith.constant 384 : index
    %get3A_1377 = tpu.vector_load %arg14[%get3A_1376] {strides = array<i32>} : memref<512xf32, #tpu.memory_space<vmem>>, vector<16xf32>,
    %select_n3A_1378 = arith.select %ge3A_1375, %gather3A_1362, %get3A_1377 : vector<16xi1>, vector<16xf32>
    %ge3A_1379 = arith.constant 999424 : i32
    %ge3A_1380 = vector.broadcast %ge3A_1379 : i32 to vector<16xi32>
    %ge3A_1381 = arith.cmpi sge, %get3A_1352, %ge3A_1380 : vector<16xi32>
    %get3A_1382 = arith.constant 384 : index
    %get3A_1383 = tpu.vector_load %arg15[%get3A_1382] {strides = array<i32>} : memref<512xf32, #tpu.memory_space<vmem>>, vector<16xf32>,
    %select_n3A_1384 = arith.select %ge3A_1381, %gather3A_1372, %get3A_1383 : vector<16xi1>, vector<16xf32>
    %mul3A_1385 = arith.mulf %select_n3A_1378, %get3A_334 : vector<16xf32>
    %mul3A_1386 = arith.mulf %select_n3A_1384, %get3A_338 : vector<16xf32>
    %add3A_1387 = arith.addf %mul3A_1385, %mul3A_1386 : vector<16xf32>
    %add3A_1388 = arith.addf %add3A_1387, %get3A_342 : vector<16xf32>
    %swap3A_1389 = arith.constant 384 : index
    %swap3A_1390 = tpu.vector_load %arg18[%swap3A_1389] {strides = array<i32>} : memref<512xf32, #tpu.memory_space<vmem>>, vector<16xf32>,
    tpu.vector_store %arg18[%swap3A_1389], %add3A_1388 {strides = array<i32>} : memref<512xf32, #tpu.memory_space<vmem>>, vector<16xf32>,
    %get3A_1391 = arith.constant 400 : index
    %get3A_1392 = tpu.vector_load %arg10[%get3A_1391] {strides = array<i32>} : memref<512xi32, #tpu.memory_space<vmem>>, vector<16xi32>,
    %get3A_1393 = arith.constant 400 : index
    %get3A_1394 = tpu.vector_load %arg11[%get3A_1393] {strides = array<i32>} : memref<512xi32, #tpu.memory_space<vmem>>, vector<16xi32>,
    %sub3A_1395 = arith.constant 999424 : i32
    %sub3A_1396 = vector.broadcast %sub3A_1395 : i32 to vector<16xi32>
    %sub3A_1397 = arith.subi %get3A_1392, %sub3A_1396 : vector<16xi32>
    %jit3A_1398 = arith.constant 0 : i32
    %jit3A_1399 = arith.constant 575 : i32
    %max3A_1400 = vector.broadcast %jit3A_1398 : i32 to vector<16xi32>
    %max3A_1401 = arith.maxsi %max3A_1400, %sub3A_1397 : vector<16xi32>
    %min3A_1402 = vector.broadcast %jit3A_1399 : i32 to vector<16xi32>
    %min3A_1403 = arith.minsi %min3A_1402, %max3A_1401 : vector<16xi32>
    %gather3A_1404 = tpu.vector_load_idx %arg16[%min3A_1403] : memref<576xf32, #tpu.memory_space<vmem>>[vector<16xi32>], vector<16xf32>,
    %sub3A_1405 = arith.constant 999424 : i32
    %sub3A_1406 = vector.broadcast %sub3A_1405 : i32 to vector<16xi32>
    %sub3A_1407 = arith.subi %get3A_1394, %sub3A_1406 : vector<16xi32>
    %jit3A_1408 = arith.constant 0 : i32
    %jit3A_1409 = arith.constant 575 : i32
    %max3A_1410 = vector.broadcast %jit3A_1408 : i32 to vector<16xi32>
    %max3A_1411 = arith.maxsi %max3A_1410, %sub3A_1407 : vector<16xi32>
    %min3A_1412 = vector.broadcast %jit3A_1409 : i32 to vector<16xi32>
    %min3A_1413 = arith.minsi %min3A_1412, %max3A_1411 : vector<16xi32>
    %gather3A_1414 = tpu.vector_load_idx %arg17[%min3A_1413] : memref<576xf32, #tpu.memory_space<vmem>>[vector<16xi32>], vector<16xf32>,
    %ge3A_1415 = arith.constant 999424 : i32
    %ge3A_1416 = vector.broadcast %ge3A_1415 : i32 to vector<16xi32>
    %ge3A_1417 = arith.cmpi sge, %get3A_1392, %ge3A_1416 : vector<16xi32>
    %get3A_1418 = arith.constant 400 : index
    %get3A_1419 = tpu.vector_load %arg14[%get3A_1418] {strides = array<i32>} : memref<512xf32, #tpu.memory_space<vmem>>, vector<16xf32>,
    %select_n3A_1420 = arith.select %ge3A_1417, %gather3A_1404, %get3A_1419 : vector<16xi1>, vector<16xf32>
    %ge3A_1421 = arith.constant 999424 : i32
    %ge3A_1422 = vector.broadcast %ge3A_1421 : i32 to vector<16xi32>
    %ge3A_1423 = arith.cmpi sge, %get3A_1394, %ge3A_1422 : vector<16xi32>
    %get3A_1424 = arith.constant 400 : index
    %get3A_1425 = tpu.vector_load %arg15[%get3A_1424] {strides = array<i32>} : memref<512xf32, #tpu.memory_space<vmem>>, vector<16xf32>,
    %select_n3A_1426 = arith.select %ge3A_1423, %gather3A_1414, %get3A_1425 : vector<16xi1>, vector<16xf32>
    %mul3A_1427 = arith.mulf %select_n3A_1420, %get3A_334 : vector<16xf32>
    %mul3A_1428 = arith.mulf %select_n3A_1426, %get3A_338 : vector<16xf32>
    %add3A_1429 = arith.addf %mul3A_1427, %mul3A_1428 : vector<16xf32>
    %add3A_1430 = arith.addf %add3A_1429, %get3A_342 : vector<16xf32>
    %swap3A_1431 = arith.constant 400 : index
    %swap3A_1432 = tpu.vector_load %arg18[%swap3A_1431] {strides = array<i32>} : memref<512xf32, #tpu.memory_space<vmem>>, vector<16xf32>,
    tpu.vector_store %arg18[%swap3A_1431], %add3A_1430 {strides = array<i32>} : memref<512xf32, #tpu.memory_space<vmem>>, vector<16xf32>,
    %get3A_1433 = arith.constant 416 : index
    %get3A_1434 = tpu.vector_load %arg10[%get3A_1433] {strides = array<i32>} : memref<512xi32, #tpu.memory_space<vmem>>, vector<16xi32>,
    %get3A_1435 = arith.constant 416 : index
    %get3A_1436 = tpu.vector_load %arg11[%get3A_1435] {strides = array<i32>} : memref<512xi32, #tpu.memory_space<vmem>>, vector<16xi32>,
    %sub3A_1437 = arith.constant 999424 : i32
    %sub3A_1438 = vector.broadcast %sub3A_1437 : i32 to vector<16xi32>
    %sub3A_1439 = arith.subi %get3A_1434, %sub3A_1438 : vector<16xi32>
    %jit3A_1440 = arith.constant 0 : i32
    %jit3A_1441 = arith.constant 575 : i32
    %max3A_1442 = vector.broadcast %jit3A_1440 : i32 to vector<16xi32>
    %max3A_1443 = arith.maxsi %max3A_1442, %sub3A_1439 : vector<16xi32>
    %min3A_1444 = vector.broadcast %jit3A_1441 : i32 to vector<16xi32>
    %min3A_1445 = arith.minsi %min3A_1444, %max3A_1443 : vector<16xi32>
    %gather3A_1446 = tpu.vector_load_idx %arg16[%min3A_1445] : memref<576xf32, #tpu.memory_space<vmem>>[vector<16xi32>], vector<16xf32>,
    %sub3A_1447 = arith.constant 999424 : i32
    %sub3A_1448 = vector.broadcast %sub3A_1447 : i32 to vector<16xi32>
    %sub3A_1449 = arith.subi %get3A_1436, %sub3A_1448 : vector<16xi32>
    %jit3A_1450 = arith.constant 0 : i32
    %jit3A_1451 = arith.constant 575 : i32
    %max3A_1452 = vector.broadcast %jit3A_1450 : i32 to vector<16xi32>
    %max3A_1453 = arith.maxsi %max3A_1452, %sub3A_1449 : vector<16xi32>
    %min3A_1454 = vector.broadcast %jit3A_1451 : i32 to vector<16xi32>
    %min3A_1455 = arith.minsi %min3A_1454, %max3A_1453 : vector<16xi32>
    %gather3A_1456 = tpu.vector_load_idx %arg17[%min3A_1455] : memref<576xf32, #tpu.memory_space<vmem>>[vector<16xi32>], vector<16xf32>,
    %ge3A_1457 = arith.constant 999424 : i32
    %ge3A_1458 = vector.broadcast %ge3A_1457 : i32 to vector<16xi32>
    %ge3A_1459 = arith.cmpi sge, %get3A_1434, %ge3A_1458 : vector<16xi32>
    %get3A_1460 = arith.constant 416 : index
    %get3A_1461 = tpu.vector_load %arg14[%get3A_1460] {strides = array<i32>} : memref<512xf32, #tpu.memory_space<vmem>>, vector<16xf32>,
    %select_n3A_1462 = arith.select %ge3A_1459, %gather3A_1446, %get3A_1461 : vector<16xi1>, vector<16xf32>
    %ge3A_1463 = arith.constant 999424 : i32
    %ge3A_1464 = vector.broadcast %ge3A_1463 : i32 to vector<16xi32>
    %ge3A_1465 = arith.cmpi sge, %get3A_1436, %ge3A_1464 : vector<16xi32>
    %get3A_1466 = arith.constant 416 : index
    %get3A_1467 = tpu.vector_load %arg15[%get3A_1466] {strides = array<i32>} : memref<512xf32, #tpu.memory_space<vmem>>, vector<16xf32>,
    %select_n3A_1468 = arith.select %ge3A_1465, %gather3A_1456, %get3A_1467 : vector<16xi1>, vector<16xf32>
    %mul3A_1469 = arith.mulf %select_n3A_1462, %get3A_334 : vector<16xf32>
    %mul3A_1470 = arith.mulf %select_n3A_1468, %get3A_338 : vector<16xf32>
    %add3A_1471 = arith.addf %mul3A_1469, %mul3A_1470 : vector<16xf32>
    %add3A_1472 = arith.addf %add3A_1471, %get3A_342 : vector<16xf32>
    %swap3A_1473 = arith.constant 416 : index
    %swap3A_1474 = tpu.vector_load %arg18[%swap3A_1473] {strides = array<i32>} : memref<512xf32, #tpu.memory_space<vmem>>, vector<16xf32>,
    tpu.vector_store %arg18[%swap3A_1473], %add3A_1472 {strides = array<i32>} : memref<512xf32, #tpu.memory_space<vmem>>, vector<16xf32>,
    %get3A_1475 = arith.constant 432 : index
    %get3A_1476 = tpu.vector_load %arg10[%get3A_1475] {strides = array<i32>} : memref<512xi32, #tpu.memory_space<vmem>>, vector<16xi32>,
    %get3A_1477 = arith.constant 432 : index
    %get3A_1478 = tpu.vector_load %arg11[%get3A_1477] {strides = array<i32>} : memref<512xi32, #tpu.memory_space<vmem>>, vector<16xi32>,
    %sub3A_1479 = arith.constant 999424 : i32
    %sub3A_1480 = vector.broadcast %sub3A_1479 : i32 to vector<16xi32>
    %sub3A_1481 = arith.subi %get3A_1476, %sub3A_1480 : vector<16xi32>
    %jit3A_1482 = arith.constant 0 : i32
    %jit3A_1483 = arith.constant 575 : i32
    %max3A_1484 = vector.broadcast %jit3A_1482 : i32 to vector<16xi32>
    %max3A_1485 = arith.maxsi %max3A_1484, %sub3A_1481 : vector<16xi32>
    %min3A_1486 = vector.broadcast %jit3A_1483 : i32 to vector<16xi32>
    %min3A_1487 = arith.minsi %min3A_1486, %max3A_1485 : vector<16xi32>
    %gather3A_1488 = tpu.vector_load_idx %arg16[%min3A_1487] : memref<576xf32, #tpu.memory_space<vmem>>[vector<16xi32>], vector<16xf32>,
    %sub3A_1489 = arith.constant 999424 : i32
    %sub3A_1490 = vector.broadcast %sub3A_1489 : i32 to vector<16xi32>
    %sub3A_1491 = arith.subi %get3A_1478, %sub3A_1490 : vector<16xi32>
    %jit3A_1492 = arith.constant 0 : i32
    %jit3A_1493 = arith.constant 575 : i32
    %max3A_1494 = vector.broadcast %jit3A_1492 : i32 to vector<16xi32>
    %max3A_1495 = arith.maxsi %max3A_1494, %sub3A_1491 : vector<16xi32>
    %min3A_1496 = vector.broadcast %jit3A_1493 : i32 to vector<16xi32>
    %min3A_1497 = arith.minsi %min3A_1496, %max3A_1495 : vector<16xi32>
    %gather3A_1498 = tpu.vector_load_idx %arg17[%min3A_1497] : memref<576xf32, #tpu.memory_space<vmem>>[vector<16xi32>], vector<16xf32>,
    %ge3A_1499 = arith.constant 999424 : i32
    %ge3A_1500 = vector.broadcast %ge3A_1499 : i32 to vector<16xi32>
    %ge3A_1501 = arith.cmpi sge, %get3A_1476, %ge3A_1500 : vector<16xi32>
    %get3A_1502 = arith.constant 432 : index
    %get3A_1503 = tpu.vector_load %arg14[%get3A_1502] {strides = array<i32>} : memref<512xf32, #tpu.memory_space<vmem>>, vector<16xf32>,
    %select_n3A_1504 = arith.select %ge3A_1501, %gather3A_1488, %get3A_1503 : vector<16xi1>, vector<16xf32>
    %ge3A_1505 = arith.constant 999424 : i32
    %ge3A_1506 = vector.broadcast %ge3A_1505 : i32 to vector<16xi32>
    %ge3A_1507 = arith.cmpi sge, %get3A_1478, %ge3A_1506 : vector<16xi32>
    %get3A_1508 = arith.constant 432 : index
    %get3A_1509 = tpu.vector_load %arg15[%get3A_1508] {strides = array<i32>} : memref<512xf32, #tpu.memory_space<vmem>>, vector<16xf32>,
    %select_n3A_1510 = arith.select %ge3A_1507, %gather3A_1498, %get3A_1509 : vector<16xi1>, vector<16xf32>
    %mul3A_1511 = arith.mulf %select_n3A_1504, %get3A_334 : vector<16xf32>
    %mul3A_1512 = arith.mulf %select_n3A_1510, %get3A_338 : vector<16xf32>
    %add3A_1513 = arith.addf %mul3A_1511, %mul3A_1512 : vector<16xf32>
    %add3A_1514 = arith.addf %add3A_1513, %get3A_342 : vector<16xf32>
    %swap3A_1515 = arith.constant 432 : index
    %swap3A_1516 = tpu.vector_load %arg18[%swap3A_1515] {strides = array<i32>} : memref<512xf32, #tpu.memory_space<vmem>>, vector<16xf32>,
    tpu.vector_store %arg18[%swap3A_1515], %add3A_1514 {strides = array<i32>} : memref<512xf32, #tpu.memory_space<vmem>>, vector<16xf32>,
    %get3A_1517 = arith.constant 448 : index
    %get3A_1518 = tpu.vector_load %arg10[%get3A_1517] {strides = array<i32>} : memref<512xi32, #tpu.memory_space<vmem>>, vector<16xi32>,
    %get3A_1519 = arith.constant 448 : index
    %get3A_1520 = tpu.vector_load %arg11[%get3A_1519] {strides = array<i32>} : memref<512xi32, #tpu.memory_space<vmem>>, vector<16xi32>,
    %sub3A_1521 = arith.constant 999424 : i32
    %sub3A_1522 = vector.broadcast %sub3A_1521 : i32 to vector<16xi32>
    %sub3A_1523 = arith.subi %get3A_1518, %sub3A_1522 : vector<16xi32>
    %jit3A_1524 = arith.constant 0 : i32
    %jit3A_1525 = arith.constant 575 : i32
    %max3A_1526 = vector.broadcast %jit3A_1524 : i32 to vector<16xi32>
    %max3A_1527 = arith.maxsi %max3A_1526, %sub3A_1523 : vector<16xi32>
    %min3A_1528 = vector.broadcast %jit3A_1525 : i32 to vector<16xi32>
    %min3A_1529 = arith.minsi %min3A_1528, %max3A_1527 : vector<16xi32>
    %gather3A_1530 = tpu.vector_load_idx %arg16[%min3A_1529] : memref<576xf32, #tpu.memory_space<vmem>>[vector<16xi32>], vector<16xf32>,
    %sub3A_1531 = arith.constant 999424 : i32
    %sub3A_1532 = vector.broadcast %sub3A_1531 : i32 to vector<16xi32>
    %sub3A_1533 = arith.subi %get3A_1520, %sub3A_1532 : vector<16xi32>
    %jit3A_1534 = arith.constant 0 : i32
    %jit3A_1535 = arith.constant 575 : i32
    %max3A_1536 = vector.broadcast %jit3A_1534 : i32 to vector<16xi32>
    %max3A_1537 = arith.maxsi %max3A_1536, %sub3A_1533 : vector<16xi32>
    %min3A_1538 = vector.broadcast %jit3A_1535 : i32 to vector<16xi32>
    %min3A_1539 = arith.minsi %min3A_1538, %max3A_1537 : vector<16xi32>
    %gather3A_1540 = tpu.vector_load_idx %arg17[%min3A_1539] : memref<576xf32, #tpu.memory_space<vmem>>[vector<16xi32>], vector<16xf32>,
    %ge3A_1541 = arith.constant 999424 : i32
    %ge3A_1542 = vector.broadcast %ge3A_1541 : i32 to vector<16xi32>
    %ge3A_1543 = arith.cmpi sge, %get3A_1518, %ge3A_1542 : vector<16xi32>
    %get3A_1544 = arith.constant 448 : index
    %get3A_1545 = tpu.vector_load %arg14[%get3A_1544] {strides = array<i32>} : memref<512xf32, #tpu.memory_space<vmem>>, vector<16xf32>,
    %select_n3A_1546 = arith.select %ge3A_1543, %gather3A_1530, %get3A_1545 : vector<16xi1>, vector<16xf32>
    %ge3A_1547 = arith.constant 999424 : i32
    %ge3A_1548 = vector.broadcast %ge3A_1547 : i32 to vector<16xi32>
    %ge3A_1549 = arith.cmpi sge, %get3A_1520, %ge3A_1548 : vector<16xi32>
    %get3A_1550 = arith.constant 448 : index
    %get3A_1551 = tpu.vector_load %arg15[%get3A_1550] {strides = array<i32>} : memref<512xf32, #tpu.memory_space<vmem>>, vector<16xf32>,
    %select_n3A_1552 = arith.select %ge3A_1549, %gather3A_1540, %get3A_1551 : vector<16xi1>, vector<16xf32>
    %mul3A_1553 = arith.mulf %select_n3A_1546, %get3A_334 : vector<16xf32>
    %mul3A_1554 = arith.mulf %select_n3A_1552, %get3A_338 : vector<16xf32>
    %add3A_1555 = arith.addf %mul3A_1553, %mul3A_1554 : vector<16xf32>
    %add3A_1556 = arith.addf %add3A_1555, %get3A_342 : vector<16xf32>
    %swap3A_1557 = arith.constant 448 : index
    %swap3A_1558 = tpu.vector_load %arg18[%swap3A_1557] {strides = array<i32>} : memref<512xf32, #tpu.memory_space<vmem>>, vector<16xf32>,
    tpu.vector_store %arg18[%swap3A_1557], %add3A_1556 {strides = array<i32>} : memref<512xf32, #tpu.memory_space<vmem>>, vector<16xf32>,
    %get3A_1559 = arith.constant 464 : index
    %get3A_1560 = tpu.vector_load %arg10[%get3A_1559] {strides = array<i32>} : memref<512xi32, #tpu.memory_space<vmem>>, vector<16xi32>,
    %get3A_1561 = arith.constant 464 : index
    %get3A_1562 = tpu.vector_load %arg11[%get3A_1561] {strides = array<i32>} : memref<512xi32, #tpu.memory_space<vmem>>, vector<16xi32>,
    %sub3A_1563 = arith.constant 999424 : i32
    %sub3A_1564 = vector.broadcast %sub3A_1563 : i32 to vector<16xi32>
    %sub3A_1565 = arith.subi %get3A_1560, %sub3A_1564 : vector<16xi32>
    %jit3A_1566 = arith.constant 0 : i32
    %jit3A_1567 = arith.constant 575 : i32
    %max3A_1568 = vector.broadcast %jit3A_1566 : i32 to vector<16xi32>
    %max3A_1569 = arith.maxsi %max3A_1568, %sub3A_1565 : vector<16xi32>
    %min3A_1570 = vector.broadcast %jit3A_1567 : i32 to vector<16xi32>
    %min3A_1571 = arith.minsi %min3A_1570, %max3A_1569 : vector<16xi32>
    %gather3A_1572 = tpu.vector_load_idx %arg16[%min3A_1571] : memref<576xf32, #tpu.memory_space<vmem>>[vector<16xi32>], vector<16xf32>,
    %sub3A_1573 = arith.constant 999424 : i32
    %sub3A_1574 = vector.broadcast %sub3A_1573 : i32 to vector<16xi32>
    %sub3A_1575 = arith.subi %get3A_1562, %sub3A_1574 : vector<16xi32>
    %jit3A_1576 = arith.constant 0 : i32
    %jit3A_1577 = arith.constant 575 : i32
    %max3A_1578 = vector.broadcast %jit3A_1576 : i32 to vector<16xi32>
    %max3A_1579 = arith.maxsi %max3A_1578, %sub3A_1575 : vector<16xi32>
    %min3A_1580 = vector.broadcast %jit3A_1577 : i32 to vector<16xi32>
    %min3A_1581 = arith.minsi %min3A_1580, %max3A_1579 : vector<16xi32>
    %gather3A_1582 = tpu.vector_load_idx %arg17[%min3A_1581] : memref<576xf32, #tpu.memory_space<vmem>>[vector<16xi32>], vector<16xf32>,
    %ge3A_1583 = arith.constant 999424 : i32
    %ge3A_1584 = vector.broadcast %ge3A_1583 : i32 to vector<16xi32>
    %ge3A_1585 = arith.cmpi sge, %get3A_1560, %ge3A_1584 : vector<16xi32>
    %get3A_1586 = arith.constant 464 : index
    %get3A_1587 = tpu.vector_load %arg14[%get3A_1586] {strides = array<i32>} : memref<512xf32, #tpu.memory_space<vmem>>, vector<16xf32>,
    %select_n3A_1588 = arith.select %ge3A_1585, %gather3A_1572, %get3A_1587 : vector<16xi1>, vector<16xf32>
    %ge3A_1589 = arith.constant 999424 : i32
    %ge3A_1590 = vector.broadcast %ge3A_1589 : i32 to vector<16xi32>
    %ge3A_1591 = arith.cmpi sge, %get3A_1562, %ge3A_1590 : vector<16xi32>
    %get3A_1592 = arith.constant 464 : index
    %get3A_1593 = tpu.vector_load %arg15[%get3A_1592] {strides = array<i32>} : memref<512xf32, #tpu.memory_space<vmem>>, vector<16xf32>,
    %select_n3A_1594 = arith.select %ge3A_1591, %gather3A_1582, %get3A_1593 : vector<16xi1>, vector<16xf32>
    %mul3A_1595 = arith.mulf %select_n3A_1588, %get3A_334 : vector<16xf32>
    %mul3A_1596 = arith.mulf %select_n3A_1594, %get3A_338 : vector<16xf32>
    %add3A_1597 = arith.addf %mul3A_1595, %mul3A_1596 : vector<16xf32>
    %add3A_1598 = arith.addf %add3A_1597, %get3A_342 : vector<16xf32>
    %swap3A_1599 = arith.constant 464 : index
    %swap3A_1600 = tpu.vector_load %arg18[%swap3A_1599] {strides = array<i32>} : memref<512xf32, #tpu.memory_space<vmem>>, vector<16xf32>,
    tpu.vector_store %arg18[%swap3A_1599], %add3A_1598 {strides = array<i32>} : memref<512xf32, #tpu.memory_space<vmem>>, vector<16xf32>,
    %get3A_1601 = arith.constant 480 : index
    %get3A_1602 = tpu.vector_load %arg10[%get3A_1601] {strides = array<i32>} : memref<512xi32, #tpu.memory_space<vmem>>, vector<16xi32>,
    %get3A_1603 = arith.constant 480 : index
    %get3A_1604 = tpu.vector_load %arg11[%get3A_1603] {strides = array<i32>} : memref<512xi32, #tpu.memory_space<vmem>>, vector<16xi32>,
    %sub3A_1605 = arith.constant 999424 : i32
    %sub3A_1606 = vector.broadcast %sub3A_1605 : i32 to vector<16xi32>
    %sub3A_1607 = arith.subi %get3A_1602, %sub3A_1606 : vector<16xi32>
    %jit3A_1608 = arith.constant 0 : i32
    %jit3A_1609 = arith.constant 575 : i32
    %max3A_1610 = vector.broadcast %jit3A_1608 : i32 to vector<16xi32>
    %max3A_1611 = arith.maxsi %max3A_1610, %sub3A_1607 : vector<16xi32>
    %min3A_1612 = vector.broadcast %jit3A_1609 : i32 to vector<16xi32>
    %min3A_1613 = arith.minsi %min3A_1612, %max3A_1611 : vector<16xi32>
    %gather3A_1614 = tpu.vector_load_idx %arg16[%min3A_1613] : memref<576xf32, #tpu.memory_space<vmem>>[vector<16xi32>], vector<16xf32>,
    %sub3A_1615 = arith.constant 999424 : i32
    %sub3A_1616 = vector.broadcast %sub3A_1615 : i32 to vector<16xi32>
    %sub3A_1617 = arith.subi %get3A_1604, %sub3A_1616 : vector<16xi32>
    %jit3A_1618 = arith.constant 0 : i32
    %jit3A_1619 = arith.constant 575 : i32
    %max3A_1620 = vector.broadcast %jit3A_1618 : i32 to vector<16xi32>
    %max3A_1621 = arith.maxsi %max3A_1620, %sub3A_1617 : vector<16xi32>
    %min3A_1622 = vector.broadcast %jit3A_1619 : i32 to vector<16xi32>
    %min3A_1623 = arith.minsi %min3A_1622, %max3A_1621 : vector<16xi32>
    %gather3A_1624 = tpu.vector_load_idx %arg17[%min3A_1623] : memref<576xf32, #tpu.memory_space<vmem>>[vector<16xi32>], vector<16xf32>,
    %ge3A_1625 = arith.constant 999424 : i32
    %ge3A_1626 = vector.broadcast %ge3A_1625 : i32 to vector<16xi32>
    %ge3A_1627 = arith.cmpi sge, %get3A_1602, %ge3A_1626 : vector<16xi32>
    %get3A_1628 = arith.constant 480 : index
    %get3A_1629 = tpu.vector_load %arg14[%get3A_1628] {strides = array<i32>} : memref<512xf32, #tpu.memory_space<vmem>>, vector<16xf32>,
    %select_n3A_1630 = arith.select %ge3A_1627, %gather3A_1614, %get3A_1629 : vector<16xi1>, vector<16xf32>
    %ge3A_1631 = arith.constant 999424 : i32
    %ge3A_1632 = vector.broadcast %ge3A_1631 : i32 to vector<16xi32>
    %ge3A_1633 = arith.cmpi sge, %get3A_1604, %ge3A_1632 : vector<16xi32>
    %get3A_1634 = arith.constant 480 : index
    %get3A_1635 = tpu.vector_load %arg15[%get3A_1634] {strides = array<i32>} : memref<512xf32, #tpu.memory_space<vmem>>, vector<16xf32>,
    %select_n3A_1636 = arith.select %ge3A_1633, %gather3A_1624, %get3A_1635 : vector<16xi1>, vector<16xf32>
    %mul3A_1637 = arith.mulf %select_n3A_1630, %get3A_334 : vector<16xf32>
    %mul3A_1638 = arith.mulf %select_n3A_1636, %get3A_338 : vector<16xf32>
    %add3A_1639 = arith.addf %mul3A_1637, %mul3A_1638 : vector<16xf32>
    %add3A_1640 = arith.addf %add3A_1639, %get3A_342 : vector<16xf32>
    %swap3A_1641 = arith.constant 480 : index
    %swap3A_1642 = tpu.vector_load %arg18[%swap3A_1641] {strides = array<i32>} : memref<512xf32, #tpu.memory_space<vmem>>, vector<16xf32>,
    tpu.vector_store %arg18[%swap3A_1641], %add3A_1640 {strides = array<i32>} : memref<512xf32, #tpu.memory_space<vmem>>, vector<16xf32>,
    %get3A_1643 = arith.constant 496 : index
    %get3A_1644 = tpu.vector_load %arg10[%get3A_1643] {strides = array<i32>} : memref<512xi32, #tpu.memory_space<vmem>>, vector<16xi32>,
    %get3A_1645 = arith.constant 496 : index
    %get3A_1646 = tpu.vector_load %arg11[%get3A_1645] {strides = array<i32>} : memref<512xi32, #tpu.memory_space<vmem>>, vector<16xi32>,
    %sub3A_1647 = arith.constant 999424 : i32
    %sub3A_1648 = vector.broadcast %sub3A_1647 : i32 to vector<16xi32>
    %sub3A_1649 = arith.subi %get3A_1644, %sub3A_1648 : vector<16xi32>
    %jit3A_1650 = arith.constant 0 : i32
    %jit3A_1651 = arith.constant 575 : i32
    %max3A_1652 = vector.broadcast %jit3A_1650 : i32 to vector<16xi32>
    %max3A_1653 = arith.maxsi %max3A_1652, %sub3A_1649 : vector<16xi32>
    %min3A_1654 = vector.broadcast %jit3A_1651 : i32 to vector<16xi32>
    %min3A_1655 = arith.minsi %min3A_1654, %max3A_1653 : vector<16xi32>
    %gather3A_1656 = tpu.vector_load_idx %arg16[%min3A_1655] : memref<576xf32, #tpu.memory_space<vmem>>[vector<16xi32>], vector<16xf32>,
    %sub3A_1657 = arith.constant 999424 : i32
    %sub3A_1658 = vector.broadcast %sub3A_1657 : i32 to vector<16xi32>
    %sub3A_1659 = arith.subi %get3A_1646, %sub3A_1658 : vector<16xi32>
    %jit3A_1660 = arith.constant 0 : i32
    %jit3A_1661 = arith.constant 575 : i32
    %max3A_1662 = vector.broadcast %jit3A_1660 : i32 to vector<16xi32>
    %max3A_1663 = arith.maxsi %max3A_1662, %sub3A_1659 : vector<16xi32>
    %min3A_1664 = vector.broadcast %jit3A_1661 : i32 to vector<16xi32>
    %min3A_1665 = arith.minsi %min3A_1664, %max3A_1663 : vector<16xi32>
    %gather3A_1666 = tpu.vector_load_idx %arg17[%min3A_1665] : memref<576xf32, #tpu.memory_space<vmem>>[vector<16xi32>], vector<16xf32>,
    %ge3A_1667 = arith.constant 999424 : i32
    %ge3A_1668 = vector.broadcast %ge3A_1667 : i32 to vector<16xi32>
    %ge3A_1669 = arith.cmpi sge, %get3A_1644, %ge3A_1668 : vector<16xi32>
    %get3A_1670 = arith.constant 496 : index
    %get3A_1671 = tpu.vector_load %arg14[%get3A_1670] {strides = array<i32>} : memref<512xf32, #tpu.memory_space<vmem>>, vector<16xf32>,
    %select_n3A_1672 = arith.select %ge3A_1669, %gather3A_1656, %get3A_1671 : vector<16xi1>, vector<16xf32>
    %ge3A_1673 = arith.constant 999424 : i32
    %ge3A_1674 = vector.broadcast %ge3A_1673 : i32 to vector<16xi32>
    %ge3A_1675 = arith.cmpi sge, %get3A_1646, %ge3A_1674 : vector<16xi32>
    %get3A_1676 = arith.constant 496 : index
    %get3A_1677 = tpu.vector_load %arg15[%get3A_1676] {strides = array<i32>} : memref<512xf32, #tpu.memory_space<vmem>>, vector<16xf32>,
    %select_n3A_1678 = arith.select %ge3A_1675, %gather3A_1666, %get3A_1677 : vector<16xi1>, vector<16xf32>
    %mul3A_1679 = arith.mulf %select_n3A_1672, %get3A_334 : vector<16xf32>
    %mul3A_1680 = arith.mulf %select_n3A_1678, %get3A_338 : vector<16xf32>
    %add3A_1681 = arith.addf %mul3A_1679, %mul3A_1680 : vector<16xf32>
    %add3A_1682 = arith.addf %add3A_1681, %get3A_342 : vector<16xf32>
    %swap3A_1683 = arith.constant 496 : index
    %swap3A_1684 = tpu.vector_load %arg18[%swap3A_1683] {strides = array<i32>} : memref<512xf32, #tpu.memory_space<vmem>>, vector<16xf32>,
    tpu.vector_store %arg18[%swap3A_1683], %add3A_1682 {strides = array<i32>} : memref<512xf32, #tpu.memory_space<vmem>>, vector<16xf32>,
    "tpu.region"() ({
      %run_scoped3A = tpu.sem_alloc : memref<!tpu.dma_semaphore, #tpu.memory_space<semaphore_mem>>
      %dma_start3A_1685 = tpu.memref_slice %arg9[%mul3A_2] : memref<16384xf32, #tpu.memory_space<hbm>> -> memref<512xf32, #tpu.memory_space<hbm>>
      %dma_start3A_1686 = tpu.memref_slice %arg9[%mul3A_2] : memref<16384xf32, #tpu.memory_space<hbm>> -> memref<512xf32, #tpu.memory_space<hbm>>
      tpu.enqueue_dma source(%arg18 : memref<512xf32, #tpu.memory_space<vmem>>) target(%dma_start3A_1686 : memref<512xf32, #tpu.memory_space<hbm>>) target_semaphore(%run_scoped3A : memref<!tpu.dma_semaphore, #tpu.memory_space<semaphore_mem>>)
      %dma_wait3A_1687 = tpu.memref_slice %arg9[%mul3A_2] : memref<16384xf32, #tpu.memory_space<hbm>> -> memref<512xf32, #tpu.memory_space<hbm>>
      %dma_wait3A_1688 = tpu.memref_slice %arg9[%mul3A_2] : memref<16384xf32, #tpu.memory_space<hbm>> -> memref<512xf32, #tpu.memory_space<hbm>>
      tpu.wait_dma2 semaphore(%run_scoped3A : memref<!tpu.dma_semaphore, #tpu.memory_space<semaphore_mem>>) src(%arg18 : memref<512xf32, #tpu.memory_space<vmem>>) dst(%dma_wait3A_1688 : memref<512xf32, #tpu.memory_space<hbm>>)
      tpu.yield
    }) : () -> ()
    return
  }
}

</mosaic_0001>

<sc_bundles>
// kernel: kernel.3.cloned.1.call-start
scs
__scs_entry_jumppad:
0x0: {  	(pc) =	sbr.rel $0x88, $3  }
0x1: {  	(tag) =	ssettag $0x0;
	lr =	simm.s32 $0x1  }
0x2: {  	[smem:$0x3F9B] =	sst lr;
	_ =	strace $0xD0000000  }
0x3: {  	_ = 	snop  }
0x4: {  	_ = 	snop  }
0x5: {  	_ = 	snop  }
0x6: {  	_ = 	snop  }
0x7: {  	_ = 	snop  }
__scs_overlays_trampoline_lowered:
0x8: {  	[smem:$0x3FAA] =	sst s0  }
0x9: {  	[smem:$0x3FAB] =	sst s1  }
0xa: {  	[smem:$0x3FAC] =	sst s2  }
0xb: {  	[smem:$0x3FAD] =	sst s3  }
0xc: {  	[smem:$0x3FAE] =	sst s4  }
0xd: {  	[smem:$0x3FAF] =	sst s5  }
0xe: {  	[smem:$0x3FB0] =	sst s6  }
0xf: {  	[smem:$0x3FB1] =	sst s7  }
0x10: {  	[smem:$0x3FB2] =	sst s8  }
0x11: {  	[smem:$0x3FB3] =	sst s9;
	s0 =	simm.s32 @!p0 $0x0  }
0x12: {  	s1 =	sld [smem:$0x3F99];
	s0 =	simm.s32 @p0 $0x1  }
0x13: {  	[smem:$0x3FB4] =	sst s0;
	s0 =	simm.s32 @!p1 $0x0  }
0x14: {  	s2 =	sld [smem:$0x3F98];
	s0 =	simm.s32 @p1 $0x1  }
0x15: {  	[smem:$0x3FB5] =	sst s0;
	s0 =	simm.s32 @!p2 $0x0  }
0x16: {  	s3 =	sld [smem:$0x3FDB];
	s0 =	simm.s32 @p2 $0x1  }
0x17: {  	s4 =	simm.s32 $0x1BF5;
	[smem:$0x3FB7] =	sst s0  }
0x18: {  	s0 =	sld [smem:$0x3F9A];
	_ =	swait.ge [sflag:s4], $0x0  }
0x19: {  	s7 =	sld [smem:$0x3F9B]  }
0x1a: {  	s8 =	sadd.s32 $0xFFFFE003, lr  }
0x1b: {  	s9 =	sadd.s32 $0xFFFFFEF7, lr;
	s5 =	simm.s32 $0xFFFFFFFF;
	p2 =	slt.u32 s8, $0xFFFFF086  }
0x1c: {  	p1 =	slt.u32 s9, $0xF7A;
	s5 =	simm.s32 @!p2 $0x0  }
0x1d: {  	s5 =	simm.s32 @p1 $0x1;
	p0 =	seq.s32 s7, s2  }
0x1e: {  	s7 =	smul.u32 @!p0 $0xF7A, s2;
	p2 =	seq.s32 @!p0 s5, $0x0  }
0x1f: {  	s9 =	smul.u32 $0xF7A, s1;
	s8 =	simm.s32 @!p0 $0x1BF5;
	p2 =	por !p2, p0  }
0x20: {  	[sflag:s8] =	ssyncset.s32 @!p0 $0xFFFFF086;
	s6 =	sadd.s32 @!p0 s3, s7;
	s7 =	simm.s32 @!p0 $0x108  }
0x21: {  	s3 =	sadd.s32 s3, s9;
	s6 =	sadd.s32 @!p0 $0x88, s6;
	s7 =	simm.s32 @p2 $0x1082  }
0x22: {  	[simem:s7], [sflag:s8] =	dma.local @!p0 [hbm:s6], $0xF7A  }
0x23: {  	s9 =	sor.u32 $0xD0000000, s2;
	s6 =	simm.s32 $0x108;
	_ =	swait.ge @!p0 [sflag:s8], $0x0  }
0x24: {  	s3 =	sadd.s32 $0x88, s3;
	s6 =	simm.s32 @!p1 $0x1082;
	[sflag:s4] =	ssyncset.s32 $0xFFFFF086  }
0x25: {  	[simem:s6], [sflag:s4] =	dma.local [hbm:s3], $0xF7A  }
0x26: {  	[smem:$0x3F9B] =	sst s1;
	(tag) =	ssettag s2;
	_ =	strace s9  }
0x27: {  	s1 =	sld [smem:$0x3FAB]  }
0x28: {  	s2 =	sld [smem:$0x3FAC]  }
0x29: {  	s4 =	sld [smem:$0x3FAE]  }
0x2a: {  	p0 =	seq.s32 s5, $0x0;
	s5 =	sld [smem:$0x3FAF]  }
0x2b: {  	s6 =	sld [smem:$0x3FB0]  }
0x2c: {  	s7 =	sld [smem:$0x3FB1]  }
0x2d: {  	s3 =	simm.s32 $0x108;
	s8 =	sld [smem:$0x3FB2]  }
0x2e: {  	s3 =	simm.s32 @!p0 $0x1082;
	s9 =	sld [smem:$0x3FB3]  }
0x2f: {  	lr =	sadd.s32 s0, s3;
	s0 =	sld [smem:$0x3FAA]  }
0x30: {  	s3 =	sld [smem:$0x3FAD]  }
0x31: {  	[smem:$0x3FB6] =	sst s10  }
0x32: {  	s10 =	sld [smem:$0x3FB4];
	_ =	sdelay $0x3  }
0x33: {  	p0 =	seq.s32 s10, $0x1;
	s10 =	sld [smem:$0x3FB6];
	_ =	sdelay $0x3  }
0x34: {  	[smem:$0x3FB6] =	sst s10  }
0x35: {  	s10 =	sld [smem:$0x3FB5];
	_ =	sdelay $0x3  }
0x36: {  	p1 =	seq.s32 s10, $0x1;
	s10 =	sld [smem:$0x3FB6];
	_ =	sdelay $0x3  }
0x37: {  	[smem:$0x3FB6] =	sst s10  }
0x38: {  	s10 =	sld [smem:$0x3FB7]  }
0x39: {  	_ = 	snop;
	(pc) =	sbr.ind lr, $3  }
0x3a: {  	_ = 	snop  }
0x3b: {  	_ = 	snop  }
0x3c: {  	p2 =	seq.s32 s10, $0x1;
	s10 =	sld [smem:$0x3FB6]  }
0x3d: {  	_ =	shalt  }
0x3e: {  	_ =	shalt  }
0x3f: {  	_ =	shalt  }
0x40: {  	_ =	shalt  }
0x41: {  	_ =	shalt  }
0x42: {  	_ =	shalt  }
0x43: {  	_ =	shalt  }
0x44: {  	_ =	shalt  }
0x45: {  	_ =	shalt  }
0x46: {  	_ =	shalt  }
0x47: {  	_ =	shalt  }
0x48: {  	_ =	shalt  }
0x49: {  	_ =	shalt  }
0x4a: {  	_ =	shalt  }
0x4b: {  	_ =	shalt  }
0x4c: {  	_ =	shalt  }
0x4d: {  	_ =	shalt  }
0x4e: {  	_ =	shalt  }
0x4f: {  	_ =	shalt  }
0x50: {  	_ =	shalt  }
0x51: {  	_ =	shalt  }
0x52: {  	_ =	shalt  }
0x53: {  	_ =	shalt  }
0x54: {  	_ =	shalt  }
0x55: {  	_ =	shalt  }
0x56: {  	_ =	shalt  }
0x57: {  	_ =	shalt  }
0x58: {  	_ =	shalt  }
0x59: {  	_ =	shalt  }
0x5a: {  	_ =	shalt  }
0x5b: {  	_ =	shalt  }
0x5c: {  	_ =	shalt  }
0x5d: {  	_ =	shalt  }
0x5e: {  	_ =	shalt  }
0x5f: {  	_ =	shalt  }
0x60: {  	_ =	shalt  }
0x61: {  	_ =	shalt  }
0x62: {  	_ =	shalt  }
0x63: {  	_ =	shalt  }
0x64: {  	_ =	shalt  }
0x65: {  	_ =	shalt  }
0x66: {  	_ =	shalt  }
0x67: {  	_ =	shalt  }
0x68: {  	_ =	shalt  }
0x69: {  	_ =	shalt  }
0x6a: {  	_ =	shalt  }
0x6b: {  	_ =	shalt  }
0x6c: {  	_ =	shalt  }
0x6d: {  	_ =	shalt  }
0x6e: {  	_ =	shalt  }
0x6f: {  	_ =	shalt  }
0x70: {  	_ =	shalt  }
0x71: {  	_ =	shalt  }
0x72: {  	_ =	shalt  }
0x73: {  	_ =	shalt  }
0x74: {  	_ =	shalt  }
0x75: {  	_ =	shalt  }
0x76: {  	_ =	shalt  }
0x77: {  	_ =	shalt  }
0x78: {  	_ =	shalt  }
0x79: {  	_ =	shalt  }
0x7a: {  	_ =	shalt  }
0x7b: {  	_ =	shalt  }
0x7c: {  	_ =	shalt  }
0x7d: {  	_ =	shalt  }
0x7e: {  	_ =	shalt  }
0x7f: {  	_ =	shalt  }
0x80: {  	_ =	shalt  }
0x81: {  	_ =	shalt  }
0x82: {  	_ =	shalt  }
0x83: {  	_ =	shalt  }
0x84: {  	_ =	shalt  }
0x85: {  	_ =	shalt  }
0x86: {  	_ =	shalt  }
0x87: {  	_ =	shalt  }
.Lfunc_end0:
.L_simem_size_0:
called_computation_lowered:
.L_overlay_start_0:
0x88: {  	s2 =	sld [smem:$0x3FD9]  }
0x89: {  	s3 =	sld [smem:$0x3FFE];
	_ =	sdelay $0x1  }
0x8a: {  	s1 =	srdreg.scid  }
0x8b: {  	s0 =	sand.u32 $0x1, s1  }
0x8c: {  	s17 =	sshll.u32 s0, $0xA;
	s2 =	sadd.s32 s3, s2  }
0x8d: {  	s2 =	sadd.s32 s2, s17  }
0x8e: {  	[smem:$0x3FC2] =	sst s2  }
0x8f: {  	_ = 	snop  }
0x90: {  	s2 =	sld [smem:$0x3FC7]  }
0x91: {  	s18 =	sld [smem:$0x3FC6]  }
0x92: {  	s4 =	sld [smem:$0x3FD0];
	(tm) =	ssettm $0x1  }
0x93: {  	s5 =	sld [smem:$0x3FFB];
	_ =	sdelay $0x3  }
0x94: {  	_ =	strace s5  }
0x95: {  	s5 =	sld [smem:$0x3FFC];
	_ =	sdelay $0x3  }
0x96: {  	_ =	strace s5  }
0x97: {  	s5 =	sld [smem:$0x3FFD];
	_ =	sdelay $0x3  }
0x98: {  	_ =	strace s5  }
0x99: {  	_ =	strace $0x8FFFFFFF  }
0x9a: {  	s19 =	sld [smem:$0x3FDB];
	_ =	sdelay $0x1  }
0x9b: {  	s6 =	simm.s32 $_scs_section_size  }
0x9c: {  	s7 =	simm.s32 $_size__tile_overlayer_lowered;
	s8 =	simm.s32 $_tile_overlayer_lowered  }
0x9d: {  	s22 =	simm.s32 $0x1BFF;
	s21 =	sshll.u32 s8, $0x1;
	s5 =	sadd.s32 s6, s19  }
0x9e: {  	s9 =	simm.s32 $0x0;
	s20 =	sshll.u32 s7, $0x1;
	s7 =	sadd.s32 s21, s5  }
0x9f: {  	[timem:s9], [sflag:s22] =	dma.local [hbm:s7], s20  }
0xa0: {  	_ =	swait.ge [sflag:s22], s20  }
0xa1: {  	s6 =	ssub.s32 $0x0, s20;
	[sflag:s22] =	ssyncset.done $0x0  }
0xa2: {  	[sflag:s22] =	ssyncadd.s32 s6;
	_ =	sdelay $0x1  }
0xa3: {  	s23 =	simm.s32 $0x1B8B  }
0xa4: {  	_ =	swait.ge [sflag:s23], $0x1  }
0xa5: {  	[sflag:s23] =	ssyncset.done $0x0  }
0xa6: {  	s25 =	simm.s32 $0x1B8E;
	s24 =	sld [smem:$0x3FFE];
	[sflag:s23] =	ssyncadd.s32 $0xFFFFFFFF  }
0xa7: {  	s26 =	simm.s32 $execute0_lowered;
	[smem:$0x3FD2] =	sst s25  }
0xa8: {  	s7 =	sshll.u32 s26, $0x1;
	_ =	strace $0x80000046;
	[dreg:$0x1] =	wrdreg $0xFFFFFFFF  }
0xa9: {  	s28 =	simm.s32 $_size_execute0_lowered;
	s5 =	sadd.s32 s5, s7;
	[dreg:$0x0] =	wrdreg $0x0  }
0xaa: {  	s7 =	sshll.u32 s28, $0x1;
	[dreg:$0x2] =	wrdreg s5  }
0xab: {  	[dreg:$0x3] =	wrdreg s7  }
0xac: {  	[dreg:$0x4] =	wrdreg $0xC0  }
0xad: {  	_ =	task [dreg:s9], $0x5FFFF  }
0xae: {  	[dreg:$0x1] =	wrdreg $0xFFFFFFFF  }
0xaf: {  	[dreg:$0x0] =	wrdreg $0x60  }
0xb0: {  	[dreg:$0x2] =	wrdreg s24  }
0xb1: {  	[dreg:$0x3] =	wrdreg s2  }
0xb2: {  	[dreg:$0x4] =	wrdreg s18  }
0xb3: {  	[dreg:$0x5] =	wrdreg s4  }
0xb4: {  	[dreg:$0x6] =	wrdreg $0x9  }
0xb5: {  	_ =	task.clear_ibuf [dreg:s9], $0x7FFFF;
	_ =	strace $0x90000046  }
0xb6: {  	s29 =	simm.s32 $0x9;
	_ =	strace $0x80000048  }
0xb7: {  	_ =	swait.ge [sflag:s29], $0x1  }
0xb8: {  	[sflag:s29] =	ssyncadd.s32 $0xFFFFFFFF  }
0xb9: {  	_ =	strace $0x90000048  }
0xba: {  	_ =	sfence  }
0xbb: {  	s30 =	sld [smem:$0x0];
	_ =	sdelay $0x2  }
0xbc: {  	s31 =	sshll.u32 s1, $0xD;
	s1 =	sshrl.u32 s1, $0x2  }
0xbd: {  	s3 =	sand.u32 $0x4000, s31;
	s1 =	sadd.s32 s1, s30  }
0xbe: {  	s0 =	sor.u32 s3, s0;
	s1 =	sshll.u32 s1, $0x11  }
0xbf: {  	s0 =	sor.u32 s1, s0  }
0xc0: {  	s0 =	sadd.s32 $0x8F2B, s0  }
0xc1: {  	[sflag:s0] =	ssyncadd.remote.s32 $0x1  }
0xc2: {  	_ =	sfence.sel $0xFFFF  }
0xc3: {  	[dreg:$0x0] =	wrdreg $0xFFFFFFFF;
	(pc) =	sbr.abs _section_cstart, $3  }
0xc4: {  	[dreg:$0x1] =	wrdreg $0xFFFFFFFF  }
0xc5: {  	_ =	task.clear_ibuf [dreg:s9], $0x2FFFF;
	_ =	strace $0x9FFFFFFF  }
0xc6: {  	(tm) =	ssettm $0x7FFFFFFF  }
0xc7: {  	_ =	shalt  }
tec
execute0_lowered:
.L_overlay_start_1:
0x0: {  	(tag) =	ssettag $0x1  }
0x1: {  	s1 =	rddreg [dreg:$0x0]  }
0x2: {  	s8 =	rddreg [dreg:$0x1]  }
0x3: {  	s9 =	rddreg [dreg:$0x2]  }
0x4: {  	s10 =	rddreg [dreg:$0x3]  }
0x5: {  	s0 =	rddreg [dreg:$0x4]  }
0x6: {  	s2 =	simm.s32 $0x0;
	s7 =	srdreg.scid;
	s3 =	stileid.u32  }
0x7: {  	s15 =	simm.s32 $0xE80;
	s16 =	simm.s32 $0x1;
	s17 =	simm.s32 $0x400  }
0x8: {  	s18 =	simm.s32 $0x800;
	s19 =	simm.s32 $0x2;
	s20 =	simm.s32 $0x600  }
0x9: {  	s21 =	simm.s32 $0xA00;
	s22 =	simm.s32 $0x3;
	s23 =	simm.s32 $0x1100  }
0xa: {  	s24 =	simm.s32 $0x4;
	[smem:$0x7FF] =	sst s2;
	s4 =	sadd.s32 $0x1EA00, s1  }
0xb: {  	s5 =	sadd.s32 $0x1EC00, s1;
	s6 =	sadd.s32 $0x1E800, s1;
	s7 =	sand.u32 $0x1, s7  }
0xc: {  	s12 =	sshll.u32 s3, $0x7;
	_ =	strace $0x80000047;
	s11 =	ssub.s32 $0x2, s7  }
0xd: {  	s13 =	sshll.u32 s7, $0x6;
	s7 =	sadd.s32 $0x3D400, s1;
	s14 =	sshrl.u32 s11, $0x1  }
0xe: {  	s12 =	sor.u32 s13, s12;
	s13 =	simm.s32 $0x1300;
	s11 =	ssub.s32 s11, s14  }
0xf: {  	s8 =	sadd.s32 s8, s12;
	s9 =	sadd.s32 s9, s12;
	s10 =	sadd.s32 s10, s12  }
0x10: {  	s12 =	simm.s32 $0x200;
	s14 =	simm.s32 $0xC00;
	s11 =	smax.u32 s11, $0x1  }
.LBB2_1:
0x11: {  	[tilespmem:s2], [sflag:$0x1] =	stream.linear.gather [hbm4b:s8+s2], $0x200, $0x38;
	[tilespmem:$0x1500] =	vst v63  }
0x12: {  	_ = 	snop  }
0x13: {  	[tilespmem:s12], [sflag:$0x2] =	stream.linear.gather [hbm4b:s9+s2], $0x200, $0x38;
	[tilespmem:$0x1500] =	vst v63  }
0x14: {  	_ = 	snop  }
0x15: {  	[tilespmem:s13], [sflag:$0x3] =	stream.linear.gather [hbm4b:s7+s2], $0x180, $0x38;
	[tilespmem:$0x1500] =	vst v63  }
0x16: {  	_ = 	snop  }
0x17: {  	[tilespmem:s14], [sflag:$0x3] =	stream.linear.gather [hbm4b:s4+s2], $0x280, $0x38;
	[tilespmem:$0x1500] =	vst v63  }
0x18: {  	_ = 	snop  }
0x19: {  	[tilespmem:s15], [sflag:$0x3] =	stream.linear.gather [hbm4b:s6+s2], $0x280, $0x38;
	[tilespmem:$0x1500] =	vst v63  }
0x1a: {  	_ =	swait.ge [sflag:s16], $0x200  }
0x1b: {  	[sflag:s16] =	ssyncset.done $0x0  }
0x1c: {  	[sflag:s16] =	ssyncadd.s32 $0xFFFFFE00  }
0x1d: {  	v0 =	vld [tilespmem:$0x0]  }
0x1e: {  	v1 =	vld [tilespmem:$0x10]  }
0x1f: {  	v2 =	vld [tilespmem:$0x20]  }
0x20: {  	v3 =	vld [tilespmem:$0x30]  }
0x21: {  	v4 =	vld [tilespmem:$0x40]  }
0x22: {  	v5 =	vld [tilespmem:$0x50];
	vm0 =	vlt.s32 v0, $0xF3FFF  }
0x23: {  	v6 =	vld [tilespmem:$0x60];
	vm6 =	vlt.s32 v1, $0xF3FFF;
	v0 =	vnsel vm0, $0xF3FFF, v0  }
0x24: {  	v43 =	vld [tilespmem:$0x70];
	vm7 =	vlt.s32 v2, $0xF3FFF;
	v42 =	vnsel vm6, $0xF3FFF, v1;
	[tilespmem:$0x400] =	vst v0  }
0x25: {  	v45 =	vld [tilespmem:$0x80];
	vm8 =	vlt.s32 v3, $0xF3FFF;
	v44 =	vnsel vm7, $0xF3FFF, v2;
	[tilespmem:$0x410] =	vst v42  }
0x26: {  	v47 =	vld [tilespmem:$0x90];
	vm9 =	vlt.s32 v4, $0xF3FFF;
	v46 =	vnsel vm8, $0xF3FFF, v3;
	[tilespmem:$0x420] =	vst v44  }
0x27: {  	v49 =	vld [tilespmem:$0xA0];
	vm10 =	vlt.s32 v5, $0xF3FFF;
	v48 =	vnsel vm9, $0xF3FFF, v4;
	[tilespmem:$0x430] =	vst v46  }
0x28: {  	v51 =	vld [tilespmem:$0xB0];
	vm11 =	vlt.s32 v6, $0xF3FFF;
	v50 =	vnsel vm10, $0xF3FFF, v5;
	[tilespmem:$0x440] =	vst v48  }
0x29: {  	v53 =	vld [tilespmem:$0xC0];
	vm12 =	vlt.s32 v43, $0xF3FFF;
	v52 =	vnsel vm11, $0xF3FFF, v6;
	[tilespmem:$0x450] =	vst v50  }
0x2a: {  	v55 =	vld [tilespmem:$0xD0];
	vm13 =	vlt.s32 v45, $0xF3FFF;
	v54 =	vnsel vm12, $0xF3FFF, v43;
	[tilespmem:$0x460] =	vst v52  }
0x2b: {  	v57 =	vld [tilespmem:$0xE0];
	vm14 =	vlt.s32 v47, $0xF3FFF;
	v56 =	vnsel vm13, $0xF3FFF, v45;
	[tilespmem:$0x470] =	vst v54  }
0x2c: {  	v59 =	vld [tilespmem:$0xF0];
	vm15 =	vlt.s32 v49, $0xF3FFF;
	v58 =	vnsel vm14, $0xF3FFF, v47;
	[tilespmem:$0x480] =	vst v56  }
0x2d: {  	v61 =	vld [tilespmem:$0x100];
	vm4 =	vlt.s32 v51, $0xF3FFF;
	v60 =	vnsel vm15, $0xF3FFF, v49;
	[tilespmem:$0x490] =	vst v58  }
0x2e: {  	v63 =	vld [tilespmem:$0x110];
	vm5 =	vlt.s32 v53, $0xF3FFF;
	v62 =	vnsel vm4, $0xF3FFF, v51;
	[tilespmem:$0x4A0] =	vst v60  }
0x2f: {  	v10 =	vld [tilespmem:$0x120];
	v9 =	vnsel vm5, $0xF3FFF, v53;
	vm6 =	vlt.s32 v55, $0xF3FFF;
	[tilespmem:$0x4B0] =	vst v62  }
0x30: {  	v12 =	vld [tilespmem:$0x130];
	vm7 =	vlt.s32 v57, $0xF3FFF;
	[tilespmem:$0x4C0] =	vst v9;
	v11 =	vnsel vm6, $0xF3FFF, v55  }
0x31: {  	v14 =	vld [tilespmem:$0x140];
	vm8 =	vlt.s32 v59, $0xF3FFF;
	v13 =	vnsel vm7, $0xF3FFF, v57;
	[tilespmem:$0x4D0] =	vst v11  }
0x32: {  	v16 =	vld [tilespmem:$0x150];
	vm9 =	vlt.s32 v61, $0xF3FFF;
	v15 =	vnsel vm8, $0xF3FFF, v59;
	[tilespmem:$0x4E0] =	vst v13  }
0x33: {  	v18 =	vld [tilespmem:$0x160];
	vm10 =	vlt.s32 v63, $0xF3FFF;
	v17 =	vnsel vm9, $0xF3FFF, v61;
	[tilespmem:$0x4F0] =	vst v15  }
0x34: {  	v20 =	vld [tilespmem:$0x170];
	vm11 =	vlt.s32 v10, $0xF3FFF;
	v19 =	vnsel vm10, $0xF3FFF, v63;
	[tilespmem:$0x500] =	vst v17  }
0x35: {  	v22 =	vld [tilespmem:$0x180];
	vm12 =	vlt.s32 v12, $0xF3FFF;
	v21 =	vnsel vm11, $0xF3FFF, v10;
	[tilespmem:$0x510] =	vst v19  }
0x36: {  	v24 =	vld [tilespmem:$0x190];
	vm13 =	vlt.s32 v14, $0xF3FFF;
	v23 =	vnsel vm12, $0xF3FFF, v12;
	[tilespmem:$0x520] =	vst v21  }
0x37: {  	v26 =	vld [tilespmem:$0x1A0];
	vm14 =	vlt.s32 v16, $0xF3FFF;
	v25 =	vnsel vm13, $0xF3FFF, v14;
	[tilespmem:$0x530] =	vst v23  }
0x38: {  	v28 =	vld [tilespmem:$0x1B0];
	vm15 =	vlt.s32 v18, $0xF3FFF;
	v27 =	vnsel vm14, $0xF3FFF, v16;
	[tilespmem:$0x540] =	vst v25  }
0x39: {  	v30 =	vld [tilespmem:$0x1C0];
	vm4 =	vlt.s32 v20, $0xF3FFF;
	v29 =	vnsel vm15, $0xF3FFF, v18;
	[tilespmem:$0x550] =	vst v27  }
0x3a: {  	v32 =	vld [tilespmem:$0x1D0];
	vm5 =	vlt.s32 v22, $0xF3FFF;
	v31 =	vnsel vm4, $0xF3FFF, v20;
	[tilespmem:$0x560] =	vst v29  }
0x3b: {  	v34 =	vld [tilespmem:$0x1E0];
	v33 =	vnsel vm5, $0xF3FFF, v22;
	vm6 =	vlt.s32 v24, $0xF3FFF;
	[tilespmem:$0x570] =	vst v31  }
0x3c: {  	v36 =	vld [tilespmem:$0x1F0];
	vm7 =	vlt.s32 v26, $0xF3FFF;
	[tilespmem:$0x580] =	vst v33;
	v35 =	vnsel vm6, $0xF3FFF, v24  }
0x3d: {  	vm8 =	vlt.s32 v28, $0xF3FFF;
	v37 =	vnsel vm7, $0xF3FFF, v26;
	[tilespmem:$0x590] =	vst v35  }
0x3e: {  	vm9 =	vlt.s32 v30, $0xF3FFF;
	v38 =	vnsel vm8, $0xF3FFF, v28;
	[tilespmem:$0x5A0] =	vst v37  }
0x3f: {  	vm10 =	vlt.s32 v32, $0xF3FFF;
	v39 =	vnsel vm9, $0xF3FFF, v30;
	[tilespmem:$0x5B0] =	vst v38  }
0x40: {  	vm11 =	vlt.s32 v34, $0xF3FFF;
	v40 =	vnsel vm10, $0xF3FFF, v32;
	[tilespmem:$0x5C0] =	vst v39  }
0x41: {  	vm12 =	vlt.s32 v36, $0xF3FFF;
	v41 =	vnsel vm11, $0xF3FFF, v34;
	[tilespmem:$0x5D0] =	vst v40  }
0x42: {  	v42 =	vnsel vm12, $0xF3FFF, v36;
	[tilespmem:$0x5E0] =	vst v41  }
0x43: {  	[tilespmem:$0x5F0] =	vst v42  }
0x44: {  	[tilespmem:s18], [sflag:$0x1] =	stream.indirect.gather [hbm4b:s1+s12], $0x1, s17, s12, $0xb8;
	[tilespmem:$0x1500] =	vst v63  }
0x45: {  	_ =	swait.ge [sflag:s19], $0x200  }
0x46: {  	[sflag:s19] =	ssyncset.done $0x0  }
0x47: {  	[sflag:s19] =	ssyncadd.s32 $0xFFFFFE00  }
0x48: {  	v43 =	vld [tilespmem:$0x200]  }
0x49: {  	v44 =	vld [tilespmem:$0x210]  }
0x4a: {  	v45 =	vld [tilespmem:$0x220]  }
0x4b: {  	v46 =	vld [tilespmem:$0x230]  }
0x4c: {  	v47 =	vld [tilespmem:$0x240]  }
0x4d: {  	v48 =	vld [tilespmem:$0x250];
	vm13 =	vlt.s32 v43, $0xF3FFF  }
0x4e: {  	v49 =	vld [tilespmem:$0x260];
	vm14 =	vlt.s32 v44, $0xF3FFF;
	v0 =	vnsel vm13, $0xF3FFF, v43  }
0x4f: {  	v51 =	vld [tilespmem:$0x270];
	vm15 =	vlt.s32 v45, $0xF3FFF;
	v50 =	vnsel vm14, $0xF3FFF, v44;
	[tilespmem:$0x600] =	vst v0  }
0x50: {  	v53 =	vld [tilespmem:$0x280];
	vm4 =	vlt.s32 v46, $0xF3FFF;
	v52 =	vnsel vm15, $0xF3FFF, v45;
	[tilespmem:$0x610] =	vst v50  }
0x51: {  	v55 =	vld [tilespmem:$0x290];
	vm5 =	vlt.s32 v47, $0xF3FFF;
	v54 =	vnsel vm4, $0xF3FFF, v46;
	[tilespmem:$0x620] =	vst v52  }
0x52: {  	v57 =	vld [tilespmem:$0x2A0];
	vm6 =	vlt.s32 v48, $0xF3FFF;
	v56 =	vnsel vm5, $0xF3FFF, v47;
	[tilespmem:$0x630] =	vst v54  }
0x53: {  	v59 =	vld [tilespmem:$0x2B0];
	vm7 =	vlt.s32 v49, $0xF3FFF;
	v58 =	vnsel vm6, $0xF3FFF, v48;
	[tilespmem:$0x640] =	vst v56  }
0x54: {  	v61 =	vld [tilespmem:$0x2C0];
	vm8 =	vlt.s32 v51, $0xF3FFF;
	v60 =	vnsel vm7, $0xF3FFF, v49;
	[tilespmem:$0x650] =	vst v58  }
0x55: {  	v63 =	vld [tilespmem:$0x2D0];
	vm9 =	vlt.s32 v53, $0xF3FFF;
	v62 =	vnsel vm8, $0xF3FFF, v51;
	[tilespmem:$0x660] =	vst v60  }
0x56: {  	v10 =	vld [tilespmem:$0x2E0];
	vm10 =	vlt.s32 v55, $0xF3FFF;
	v9 =	vnsel vm9, $0xF3FFF, v53;
	[tilespmem:$0x670] =	vst v62  }
0x57: {  	v12 =	vld [tilespmem:$0x2F0];
	vm11 =	vlt.s32 v57, $0xF3FFF;
	v11 =	vnsel vm10, $0xF3FFF, v55;
	[tilespmem:$0x680] =	vst v9  }
0x58: {  	v14 =	vld [tilespmem:$0x300];
	vm12 =	vlt.s32 v59, $0xF3FFF;
	v13 =	vnsel vm11, $0xF3FFF, v57;
	[tilespmem:$0x690] =	vst v11  }
0x59: {  	v16 =	vld [tilespmem:$0x310];
	v15 =	vnsel vm12, $0xF3FFF, v59;
	vm13 =	vlt.s32 v61, $0xF3FFF;
	[tilespmem:$0x6A0] =	vst v13  }
0x5a: {  	v18 =	vld [tilespmem:$0x320];
	vm14 =	vlt.s32 v63, $0xF3FFF;
	[tilespmem:$0x6B0] =	vst v15;
	v17 =	vnsel vm13, $0xF3FFF, v61  }
0x5b: {  	v20 =	vld [tilespmem:$0x330];
	vm15 =	vlt.s32 v10, $0xF3FFF;
	v19 =	vnsel vm14, $0xF3FFF, v63;
	[tilespmem:$0x6C0] =	vst v17  }
0x5c: {  	v22 =	vld [tilespmem:$0x340];
	vm4 =	vlt.s32 v12, $0xF3FFF;
	v21 =	vnsel vm15, $0xF3FFF, v10;
	[tilespmem:$0x6D0] =	vst v19  }
0x5d: {  	v24 =	vld [tilespmem:$0x350];
	vm5 =	vlt.s32 v14, $0xF3FFF;
	v23 =	vnsel vm4, $0xF3FFF, v12;
	[tilespmem:$0x6E0] =	vst v21  }
0x5e: {  	v26 =	vld [tilespmem:$0x360];
	vm6 =	vlt.s32 v16, $0xF3FFF;
	v25 =	vnsel vm5, $0xF3FFF, v14;
	[tilespmem:$0x6F0] =	vst v23  }
0x5f: {  	v28 =	vld [tilespmem:$0x370];
	vm7 =	vlt.s32 v18, $0xF3FFF;
	v27 =	vnsel vm6, $0xF3FFF, v16;
	[tilespmem:$0x700] =	vst v25  }
0x60: {  	v30 =	vld [tilespmem:$0x380];
	vm8 =	vlt.s32 v20, $0xF3FFF;
	v29 =	vnsel vm7, $0xF3FFF, v18;
	[tilespmem:$0x710] =	vst v27  }
0x61: {  	v32 =	vld [tilespmem:$0x390];
	vm9 =	vlt.s32 v22, $0xF3FFF;
	v31 =	vnsel vm8, $0xF3FFF, v20;
	[tilespmem:$0x720] =	vst v29  }
0x62: {  	v34 =	vld [tilespmem:$0x3A0];
	vm10 =	vlt.s32 v24, $0xF3FFF;
	v33 =	vnsel vm9, $0xF3FFF, v22;
	[tilespmem:$0x730] =	vst v31  }
0x63: {  	v36 =	vld [tilespmem:$0x3B0];
	vm11 =	vlt.s32 v26, $0xF3FFF;
	v35 =	vnsel vm10, $0xF3FFF, v24;
	[tilespmem:$0x740] =	vst v33  }
0x64: {  	v38 =	vld [tilespmem:$0x3C0];
	vm12 =	vlt.s32 v28, $0xF3FFF;
	v37 =	vnsel vm11, $0xF3FFF, v26;
	[tilespmem:$0x750] =	vst v35  }
0x65: {  	v40 =	vld [tilespmem:$0x3D0];
	v39 =	vnsel vm12, $0xF3FFF, v28;
	vm13 =	vlt.s32 v30, $0xF3FFF;
	[tilespmem:$0x760] =	vst v37  }
0x66: {  	v42 =	vld [tilespmem:$0x3E0];
	vm14 =	vlt.s32 v32, $0xF3FFF;
	[tilespmem:$0x770] =	vst v39;
	v41 =	vnsel vm13, $0xF3FFF, v30  }
0x67: {  	v44 =	vld [tilespmem:$0x3F0];
	vm15 =	vlt.s32 v34, $0xF3FFF;
	v43 =	vnsel vm14, $0xF3FFF, v32;
	[tilespmem:$0x780] =	vst v41  }
0x68: {  	vm4 =	vlt.s32 v36, $0xF3FFF;
	v45 =	vnsel vm15, $0xF3FFF, v34;
	[tilespmem:$0x790] =	vst v43  }
0x69: {  	vm5 =	vlt.s32 v38, $0xF3FFF;
	v46 =	vnsel vm4, $0xF3FFF, v36;
	[tilespmem:$0x7A0] =	vst v45  }
0x6a: {  	vm6 =	vlt.s32 v40, $0xF3FFF;
	v47 =	vnsel vm5, $0xF3FFF, v38;
	[tilespmem:$0x7B0] =	vst v46  }
0x6b: {  	vm7 =	vlt.s32 v42, $0xF3FFF;
	v48 =	vnsel vm6, $0xF3FFF, v40;
	[tilespmem:$0x7C0] =	vst v47  }
0x6c: {  	v49 =	vnsel vm7, $0xF3FFF, v42;
	[tilespmem:$0x7D0] =	vst v48;
	vm8 =	vlt.s32 v44, $0xF3FFF  }
0x6d: {  	[tilespmem:$0x7E0] =	vst v49;
	v50 =	vnsel vm8, $0xF3FFF, v44  }
0x6e: {  	[tilespmem:$0x7F0] =	vst v50  }
0x6f: {  	[tilespmem:s21], [sflag:$0x2] =	stream.indirect.gather [hbm4b:s5+s12], $0x1, s20, s12, $0xb8;
	[tilespmem:$0x1500] =	vst v63  }
0x70: {  	_ =	swait.ge [sflag:s22], $0x180  }
0x71: {  	[sflag:s22] =	ssyncset.done $0x0  }
0x72: {  	[sflag:s22] =	ssyncadd.s32 $0xFFFFFE80  }
0x73: {  	_ =	swait.ge [sflag:s22], $0x280  }
0x74: {  	[sflag:s22] =	ssyncset.done $0x0  }
0x75: {  	[sflag:s22] =	ssyncadd.s32 $0xFFFFFD80  }
0x76: {  	_ =	swait.ge [sflag:s22], $0x280  }
0x77: {  	[sflag:s22] =	ssyncset.done $0x0  }
0x78: {  	[sflag:s22] =	ssyncadd.s32 $0xFFFFFD80  }
0x79: {  	v1 =	vld [tilespmem:$0x1300]  }
0x7a: {  	v2 =	vld [tilespmem:$0x1380]  }
0x7b: {  	v0 =	vld [tilespmem:$0x1400];
	_ =	swait.ge [sflag:s16], $0x200  }
0x7c: {  	[sflag:s16] =	ssyncset.done $0x0  }
0x7d: {  	[sflag:s16] =	ssyncadd.s32 $0xFFFFFE00  }
0x7e: {  	_ =	swait.ge [sflag:s19], $0x200  }
0x7f: {  	[sflag:s19] =	ssyncset.done $0x0  }
0x80: {  	[sflag:s19] =	ssyncadd.s32 $0xFFFFFE00  }
0x81: {  	v51 =	vld [tilespmem:$0x0]  }
0x82: {  	v52 =	vld [tilespmem:$0x200];
	_ =	sdelay $0x3  }
0x83: {  	v53 =	vadd.s32 $0xFFF0C000, v51  }
0x84: {  	v54 =	vadd.s32 $0xFFF0C000, v52;
	vm9 =	vgt.s32 v53, $0x0  }
0x85: {  	vm10 =	vgt.s32 v54, $0x0;
	v5 =	vnsel vm9, $0x0, v53  }
0x86: {  	v6 =	vnsel vm10, $0x0, v54;
	v5 =	vmin.u32 v5, $0x23F  }
0x87: {  	v7 =	vld [tilespmem:$0x800];
	v6 =	vmin.u32 v6, $0x23F  }
0x88: {  	v8 =	vld [tilespmem:$0xA00]  }
0x89: {  	v9 =	vld [tilespmem:$0x10]  }
0x8a: {  	v10 =	vld [tilespmem:$0x210]  }
0x8b: {  	v5 =	vld.idx.msk [tilespmem:v5+s14+$0x0], $0xffff  }
0x8c: {  	v6 =	vld.idx.msk [tilespmem:v6+s15+$0x0], $0xffff;
	_ =	sdelay $0x3  }
0x8d: {  	vm11 =	vgt.s32 v51, $0xF3FFF;
	vm12 =	vgt.s32 v52, $0xF3FFF;
	v55 =	vadd.s32 $0xFFF0C000, v9  }
0x8e: {  	v56 =	vadd.s32 $0xFFF0C000, v10;
	v3 =	vsel vm11, v5, v7;
	v4 =	vsel vm12, v6, v8  }
0x8f: {  	vm13 =	vgt.s32 v55, $0x0;
	v3 =	vmul.f32 v3, v1;
	v4 =	vmul.f32 v4, v2  }
0x90: {  	vm14 =	vgt.s32 v56, $0x0;
	v5 =	vnsel vm13, $0x0, v55  }
0x91: {  	v58 =	vnsel vm14, $0x0, v56;
	v57 =	vmin.u32 v5, $0x23F;
	v3 =	vadd.f32 v4, v3  }
0x92: {  	v60 =	vld [tilespmem:$0x810];
	v5 =	vmin.u32 v58, $0x23F  }
0x93: {  	v61 =	vld [tilespmem:$0xA10];
	v3 =	vadd.f32 v3, v0  }
0x94: {  	v62 =	vld [tilespmem:$0x20]  }
0x95: {  	v63 =	vld [tilespmem:$0x220];
	[tilespmem:$0x1100] =	vst v3  }
0x96: {  	v3 =	vld.idx.msk [tilespmem:v57+s14+$0x0], $0xffff  }
0x97: {  	v59 =	vld.idx.msk [tilespmem:v5+s15+$0x0], $0xffff;
	_ =	sdelay $0x3  }
0x98: {  	vm15 =	vgt.s32 v9, $0xF3FFF;
	vm4 =	vgt.s32 v10, $0xF3FFF;
	v10 =	vadd.s32 $0xFFF0C000, v62  }
0x99: {  	v11 =	vadd.s32 $0xFFF0C000, v63;
	v3 =	vsel vm15, v3, v60;
	v4 =	vsel vm4, v59, v61  }
0x9a: {  	vm5 =	vgt.s32 v10, $0x0;
	v3 =	vmul.f32 v3, v1;
	v4 =	vmul.f32 v4, v2  }
0x9b: {  	vm6 =	vgt.s32 v11, $0x0;
	v5 =	vnsel vm5, $0x0, v10  }
0x9c: {  	v13 =	vnsel vm6, $0x0, v11;
	v12 =	vmin.u32 v5, $0x23F;
	v3 =	vadd.f32 v4, v3  }
0x9d: {  	v15 =	vld [tilespmem:$0x820];
	v5 =	vmin.u32 v13, $0x23F  }
0x9e: {  	v16 =	vld [tilespmem:$0xA20];
	v3 =	vadd.f32 v3, v0  }
0x9f: {  	v17 =	vld [tilespmem:$0x30]  }
0xa0: {  	v18 =	vld [tilespmem:$0x230];
	[tilespmem:$0x1110] =	vst v3  }
0xa1: {  	v3 =	vld.idx.msk [tilespmem:v12+s14+$0x0], $0xffff  }
0xa2: {  	v14 =	vld.idx.msk [tilespmem:v5+s15+$0x0], $0xffff;
	_ =	sdelay $0x3  }
0xa3: {  	vm7 =	vgt.s32 v62, $0xF3FFF;
	vm8 =	vgt.s32 v63, $0xF3FFF;
	v19 =	vadd.s32 $0xFFF0C000, v17  }
0xa4: {  	v20 =	vadd.s32 $0xFFF0C000, v18;
	v3 =	vsel vm7, v3, v15;
	v4 =	vsel vm8, v14, v16  }
0xa5: {  	vm9 =	vgt.s32 v19, $0x0;
	v3 =	vmul.f32 v3, v1;
	v4 =	vmul.f32 v4, v2  }
0xa6: {  	vm10 =	vgt.s32 v20, $0x0;
	v5 =	vnsel vm9, $0x0, v19  }
0xa7: {  	v22 =	vnsel vm10, $0x0, v20;
	v21 =	vmin.u32 v5, $0x23F;
	v3 =	vadd.f32 v4, v3  }
0xa8: {  	v24 =	vld [tilespmem:$0x830];
	v5 =	vmin.u32 v22, $0x23F  }
0xa9: {  	v25 =	vld [tilespmem:$0xA30];
	v3 =	vadd.f32 v3, v0  }
0xaa: {  	v26 =	vld [tilespmem:$0x40]  }
0xab: {  	v27 =	vld [tilespmem:$0x240];
	[tilespmem:$0x1120] =	vst v3  }
0xac: {  	v3 =	vld.idx.msk [tilespmem:v21+s14+$0x0], $0xffff  }
0xad: {  	v23 =	vld.idx.msk [tilespmem:v5+s15+$0x0], $0xffff;
	_ =	sdelay $0x3  }
0xae: {  	v28 =	vadd.s32 $0xFFF0C000, v26;
	vm11 =	vgt.s32 v17, $0xF3FFF;
	vm12 =	vgt.s32 v18, $0xF3FFF  }
0xaf: {  	v29 =	vadd.s32 $0xFFF0C000, v27;
	v3 =	vsel vm11, v3, v24;
	v4 =	vsel vm12, v23, v25  }
0xb0: {  	vm13 =	vgt.s32 v28, $0x0;
	v3 =	vmul.f32 v3, v1;
	v4 =	vmul.f32 v4, v2  }
0xb1: {  	vm14 =	vgt.s32 v29, $0x0;
	v5 =	vnsel vm13, $0x0, v28  }
0xb2: {  	v31 =	vnsel vm14, $0x0, v29;
	v30 =	vmin.u32 v5, $0x23F;
	v3 =	vadd.f32 v4, v3  }
0xb3: {  	v33 =	vld [tilespmem:$0x840];
	v5 =	vmin.u32 v31, $0x23F  }
0xb4: {  	v34 =	vld [tilespmem:$0xA40];
	v3 =	vadd.f32 v3, v0  }
0xb5: {  	v35 =	vld [tilespmem:$0x50]  }
0xb6: {  	v36 =	vld [tilespmem:$0x250];
	[tilespmem:$0x1130] =	vst v3  }
0xb7: {  	v3 =	vld.idx.msk [tilespmem:v30+s14+$0x0], $0xffff  }
0xb8: {  	v32 =	vld.idx.msk [tilespmem:v5+s15+$0x0], $0xffff;
	_ =	sdelay $0x3  }
0xb9: {  	v37 =	vadd.s32 $0xFFF0C000, v35;
	vm15 =	vgt.s32 v26, $0xF3FFF;
	vm4 =	vgt.s32 v27, $0xF3FFF  }
0xba: {  	v38 =	vadd.s32 $0xFFF0C000, v36;
	v3 =	vsel vm15, v3, v33;
	v4 =	vsel vm4, v32, v34  }
0xbb: {  	vm5 =	vgt.s32 v37, $0x0;
	v3 =	vmul.f32 v3, v1;
	v4 =	vmul.f32 v4, v2  }
0xbc: {  	vm6 =	vgt.s32 v38, $0x0;
	v5 =	vnsel vm5, $0x0, v37  }
0xbd: {  	v40 =	vnsel vm6, $0x0, v38;
	v39 =	vmin.u32 v5, $0x23F;
	v3 =	vadd.f32 v4, v3  }
0xbe: {  	v42 =	vld [tilespmem:$0x850];
	v5 =	vmin.u32 v40, $0x23F  }
0xbf: {  	v43 =	vld [tilespmem:$0xA50];
	v3 =	vadd.f32 v3, v0  }
0xc0: {  	v44 =	vld [tilespmem:$0x60]  }
0xc1: {  	v45 =	vld [tilespmem:$0x260];
	[tilespmem:$0x1140] =	vst v3  }
0xc2: {  	v3 =	vld.idx.msk [tilespmem:v39+s14+$0x0], $0xffff  }
0xc3: {  	v41 =	vld.idx.msk [tilespmem:v5+s15+$0x0], $0xffff;
	_ =	sdelay $0x3  }
0xc4: {  	v46 =	vadd.s32 $0xFFF0C000, v44;
	vm7 =	vgt.s32 v35, $0xF3FFF;
	vm8 =	vgt.s32 v36, $0xF3FFF  }
0xc5: {  	v47 =	vadd.s32 $0xFFF0C000, v45;
	v3 =	vsel vm7, v3, v42;
	v4 =	vsel vm8, v41, v43  }
0xc6: {  	vm9 =	vgt.s32 v46, $0x0;
	v3 =	vmul.f32 v3, v1;
	v4 =	vmul.f32 v4, v2  }
0xc7: {  	vm10 =	vgt.s32 v47, $0x0;
	v5 =	vnsel vm9, $0x0, v46  }
0xc8: {  	v49 =	vnsel vm10, $0x0, v47;
	v48 =	vmin.u32 v5, $0x23F;
	v3 =	vadd.f32 v4, v3  }
0xc9: {  	v51 =	vld [tilespmem:$0x860];
	v5 =	vmin.u32 v49, $0x23F  }
0xca: {  	v52 =	vld [tilespmem:$0xA60];
	v3 =	vadd.f32 v3, v0  }
0xcb: {  	v53 =	vld [tilespmem:$0x70]  }
0xcc: {  	v54 =	vld [tilespmem:$0x270];
	[tilespmem:$0x1150] =	vst v3  }
0xcd: {  	v3 =	vld.idx.msk [tilespmem:v48+s14+$0x0], $0xffff  }
0xce: {  	v50 =	vld.idx.msk [tilespmem:v5+s15+$0x0], $0xffff;
	_ =	sdelay $0x3  }
0xcf: {  	v56 =	vadd.s32 $0xFFF0C000, v54;
	vm11 =	vgt.s32 v44, $0xF3FFF;
	vm12 =	vgt.s32 v45, $0xF3FFF  }
0xd0: {  	v55 =	vadd.s32 $0xFFF0C000, v53;
	v3 =	vsel vm11, v3, v51;
	v4 =	vsel vm12, v50, v52  }
0xd1: {  	vm13 =	vgt.s32 v55, $0x0;
	v3 =	vmul.f32 v3, v1;
	v4 =	vmul.f32 v4, v2  }
0xd2: {  	vm14 =	vgt.s32 v56, $0x0;
	v5 =	vnsel vm13, $0x0, v55  }
0xd3: {  	v58 =	vnsel vm14, $0x0, v56;
	v57 =	vmin.u32 v5, $0x23F;
	v3 =	vadd.f32 v4, v3  }
0xd4: {  	v62 =	vld [tilespmem:$0x80];
	v5 =	vmin.u32 v58, $0x23F  }
0xd5: {  	v63 =	vld [tilespmem:$0x280];
	v3 =	vadd.f32 v3, v0  }
0xd6: {  	v60 =	vld [tilespmem:$0x870]  }
0xd7: {  	v61 =	vld [tilespmem:$0xA70];
	[tilespmem:$0x1160] =	vst v3  }
0xd8: {  	v3 =	vld.idx.msk [tilespmem:v57+s14+$0x0], $0xffff  }
0xd9: {  	v59 =	vld.idx.msk [tilespmem:v5+s15+$0x0], $0xffff;
	_ =	sdelay $0x3  }
0xda: {  	v11 =	vadd.s32 $0xFFF0C000, v63;
	vm15 =	vgt.s32 v53, $0xF3FFF;
	vm4 =	vgt.s32 v54, $0xF3FFF  }
0xdb: {  	v10 =	vadd.s32 $0xFFF0C000, v62;
	v3 =	vsel vm15, v3, v60;
	v4 =	vsel vm4, v59, v61  }
0xdc: {  	vm5 =	vgt.s32 v10, $0x0;
	v3 =	vmul.f32 v3, v1;
	v4 =	vmul.f32 v4, v2  }
0xdd: {  	vm6 =	vgt.s32 v11, $0x0;
	v5 =	vnsel vm5, $0x0, v10  }
0xde: {  	v13 =	vnsel vm6, $0x0, v11;
	v12 =	vmin.u32 v5, $0x23F;
	v3 =	vadd.f32 v4, v3  }
0xdf: {  	v17 =	vld [tilespmem:$0x90];
	v5 =	vmin.u32 v13, $0x23F  }
0xe0: {  	v18 =	vld [tilespmem:$0x290];
	v3 =	vadd.f32 v3, v0  }
0xe1: {  	v15 =	vld [tilespmem:$0x880]  }
0xe2: {  	v16 =	vld [tilespmem:$0xA80];
	[tilespmem:$0x1170] =	vst v3  }
0xe3: {  	v3 =	vld.idx.msk [tilespmem:v12+s14+$0x0], $0xffff  }
0xe4: {  	v14 =	vld.idx.msk [tilespmem:v5+s15+$0x0], $0xffff;
	_ =	sdelay $0x3  }
0xe5: {  	v20 =	vadd.s32 $0xFFF0C000, v18;
	vm7 =	vgt.s32 v62, $0xF3FFF;
	vm8 =	vgt.s32 v63, $0xF3FFF  }
0xe6: {  	v19 =	vadd.s32 $0xFFF0C000, v17;
	v3 =	vsel vm7, v3, v15;
	v4 =	vsel vm8, v14, v16  }
0xe7: {  	vm9 =	vgt.s32 v19, $0x0;
	v3 =	vmul.f32 v3, v1;
	v4 =	vmul.f32 v4, v2  }
0xe8: {  	vm10 =	vgt.s32 v20, $0x0;
	v5 =	vnsel vm9, $0x0, v19  }
0xe9: {  	v22 =	vnsel vm10, $0x0, v20;
	v21 =	vmin.u32 v5, $0x23F;
	v3 =	vadd.f32 v4, v3  }
0xea: {  	v26 =	vld [tilespmem:$0xA0];
	v5 =	vmin.u32 v22, $0x23F  }
0xeb: {  	v27 =	vld [tilespmem:$0x2A0];
	v3 =	vadd.f32 v3, v0  }
0xec: {  	v24 =	vld [tilespmem:$0x890]  }
0xed: {  	v25 =	vld [tilespmem:$0xA90];
	[tilespmem:$0x1180] =	vst v3  }
0xee: {  	v3 =	vld.idx.msk [tilespmem:v21+s14+$0x0], $0xffff  }
0xef: {  	v23 =	vld.idx.msk [tilespmem:v5+s15+$0x0], $0xffff;
	_ =	sdelay $0x3  }
0xf0: {  	v29 =	vadd.s32 $0xFFF0C000, v27;
	vm11 =	vgt.s32 v17, $0xF3FFF;
	vm12 =	vgt.s32 v18, $0xF3FFF  }
0xf1: {  	v28 =	vadd.s32 $0xFFF0C000, v26;
	v3 =	vsel vm11, v3, v24;
	v4 =	vsel vm12, v23, v25  }
0xf2: {  	vm13 =	vgt.s32 v28, $0x0;
	v3 =	vmul.f32 v3, v1;
	v4 =	vmul.f32 v4, v2  }
0xf3: {  	vm14 =	vgt.s32 v29, $0x0;
	v5 =	vnsel vm13, $0x0, v28  }
0xf4: {  	v31 =	vnsel vm14, $0x0, v29;
	v30 =	vmin.u32 v5, $0x23F;
	v3 =	vadd.f32 v4, v3  }
0xf5: {  	v35 =	vld [tilespmem:$0xB0];
	v5 =	vmin.u32 v31, $0x23F  }
0xf6: {  	v36 =	vld [tilespmem:$0x2B0];
	v3 =	vadd.f32 v3, v0  }
0xf7: {  	v33 =	vld [tilespmem:$0x8A0]  }
0xf8: {  	v34 =	vld [tilespmem:$0xAA0];
	[tilespmem:$0x1190] =	vst v3  }
0xf9: {  	v3 =	vld.idx.msk [tilespmem:v30+s14+$0x0], $0xffff  }
0xfa: {  	v32 =	vld.idx.msk [tilespmem:v5+s15+$0x0], $0xffff;
	_ =	sdelay $0x3  }
0xfb: {  	v38 =	vadd.s32 $0xFFF0C000, v36;
	vm15 =	vgt.s32 v26, $0xF3FFF;
	vm4 =	vgt.s32 v27, $0xF3FFF  }
0xfc: {  	v37 =	vadd.s32 $0xFFF0C000, v35;
	v3 =	vsel vm15, v3, v33;
	v4 =	vsel vm4, v32, v34  }
0xfd: {  	vm5 =	vgt.s32 v37, $0x0;
	v3 =	vmul.f32 v3, v1;
	v4 =	vmul.f32 v4, v2  }
0xfe: {  	vm6 =	vgt.s32 v38, $0x0;
	v5 =	vnsel vm5, $0x0, v37  }
0xff: {  	v40 =	vnsel vm6, $0x0, v38;
	v39 =	vmin.u32 v5, $0x23F;
	v3 =	vadd.f32 v4, v3  }
0x100: {  	v44 =	vld [tilespmem:$0xC0];
	v5 =	vmin.u32 v40, $0x23F  }
0x101: {  	v45 =	vld [tilespmem:$0x2C0];
	v3 =	vadd.f32 v3, v0  }
0x102: {  	v42 =	vld [tilespmem:$0x8B0]  }
0x103: {  	v43 =	vld [tilespmem:$0xAB0];
	[tilespmem:$0x11A0] =	vst v3  }
0x104: {  	v3 =	vld.idx.msk [tilespmem:v39+s14+$0x0], $0xffff  }
0x105: {  	v41 =	vld.idx.msk [tilespmem:v5+s15+$0x0], $0xffff;
	_ =	sdelay $0x3  }
0x106: {  	v47 =	vadd.s32 $0xFFF0C000, v45;
	vm7 =	vgt.s32 v35, $0xF3FFF;
	vm8 =	vgt.s32 v36, $0xF3FFF  }
0x107: {  	v46 =	vadd.s32 $0xFFF0C000, v44;
	v3 =	vsel vm7, v3, v42;
	v4 =	vsel vm8, v41, v43  }
0x108: {  	vm9 =	vgt.s32 v46, $0x0;
	v3 =	vmul.f32 v3, v1;
	v4 =	vmul.f32 v4, v2  }
0x109: {  	vm10 =	vgt.s32 v47, $0x0;
	v5 =	vnsel vm9, $0x0, v46  }
0x10a: {  	v49 =	vnsel vm10, $0x0, v47;
	v48 =	vmin.u32 v5, $0x23F;
	v3 =	vadd.f32 v4, v3  }
0x10b: {  	v53 =	vld [tilespmem:$0xD0];
	v5 =	vmin.u32 v49, $0x23F  }
0x10c: {  	v54 =	vld [tilespmem:$0x2D0];
	v3 =	vadd.f32 v3, v0  }
0x10d: {  	v51 =	vld [tilespmem:$0x8C0]  }
0x10e: {  	v52 =	vld [tilespmem:$0xAC0];
	[tilespmem:$0x11B0] =	vst v3  }
0x10f: {  	v3 =	vld.idx.msk [tilespmem:v48+s14+$0x0], $0xffff  }
0x110: {  	v50 =	vld.idx.msk [tilespmem:v5+s15+$0x0], $0xffff;
	_ =	sdelay $0x3  }
0x111: {  	v56 =	vadd.s32 $0xFFF0C000, v54;
	vm11 =	vgt.s32 v44, $0xF3FFF;
	vm12 =	vgt.s32 v45, $0xF3FFF  }
0x112: {  	v55 =	vadd.s32 $0xFFF0C000, v53;
	v3 =	vsel vm11, v3, v51;
	v4 =	vsel vm12, v50, v52  }
0x113: {  	vm13 =	vgt.s32 v55, $0x0;
	v3 =	vmul.f32 v3, v1;
	v4 =	vmul.f32 v4, v2  }
0x114: {  	vm14 =	vgt.s32 v56, $0x0;
	v5 =	vnsel vm13, $0x0, v55  }
0x115: {  	v58 =	vnsel vm14, $0x0, v56;
	v57 =	vmin.u32 v5, $0x23F;
	v3 =	vadd.f32 v4, v3  }
0x116: {  	v62 =	vld [tilespmem:$0xE0];
	v5 =	vmin.u32 v58, $0x23F  }
0x117: {  	v63 =	vld [tilespmem:$0x2E0];
	v3 =	vadd.f32 v3, v0  }
0x118: {  	v60 =	vld [tilespmem:$0x8D0]  }
0x119: {  	v61 =	vld [tilespmem:$0xAD0];
	[tilespmem:$0x11C0] =	vst v3  }
0x11a: {  	v3 =	vld.idx.msk [tilespmem:v57+s14+$0x0], $0xffff  }
0x11b: {  	v59 =	vld.idx.msk [tilespmem:v5+s15+$0x0], $0xffff;
	_ =	sdelay $0x3  }
0x11c: {  	v11 =	vadd.s32 $0xFFF0C000, v63;
	vm15 =	vgt.s32 v53, $0xF3FFF;
	vm4 =	vgt.s32 v54, $0xF3FFF  }
0x11d: {  	v10 =	vadd.s32 $0xFFF0C000, v62;
	v3 =	vsel vm15, v3, v60;
	v4 =	vsel vm4, v59, v61  }
0x11e: {  	vm5 =	vgt.s32 v10, $0x0;
	v3 =	vmul.f32 v3, v1;
	v4 =	vmul.f32 v4, v2  }
0x11f: {  	vm6 =	vgt.s32 v11, $0x0;
	v5 =	vnsel vm5, $0x0, v10  }
0x120: {  	v13 =	vnsel vm6, $0x0, v11;
	v12 =	vmin.u32 v5, $0x23F;
	v3 =	vadd.f32 v4, v3  }
0x121: {  	v17 =	vld [tilespmem:$0xF0];
	v5 =	vmin.u32 v13, $0x23F  }
0x122: {  	v18 =	vld [tilespmem:$0x2F0];
	v3 =	vadd.f32 v3, v0  }
0x123: {  	v15 =	vld [tilespmem:$0x8E0]  }
0x124: {  	v16 =	vld [tilespmem:$0xAE0];
	[tilespmem:$0x11D0] =	vst v3  }
0x125: {  	v3 =	vld.idx.msk [tilespmem:v12+s14+$0x0], $0xffff  }
0x126: {  	v14 =	vld.idx.msk [tilespmem:v5+s15+$0x0], $0xffff;
	_ =	sdelay $0x3  }
0x127: {  	v20 =	vadd.s32 $0xFFF0C000, v18;
	vm7 =	vgt.s32 v62, $0xF3FFF;
	vm8 =	vgt.s32 v63, $0xF3FFF  }
0x128: {  	v19 =	vadd.s32 $0xFFF0C000, v17;
	v3 =	vsel vm7, v3, v15;
	v4 =	vsel vm8, v14, v16  }
0x129: {  	vm9 =	vgt.s32 v19, $0x0;
	v3 =	vmul.f32 v3, v1;
	v4 =	vmul.f32 v4, v2  }
0x12a: {  	vm10 =	vgt.s32 v20, $0x0;
	v5 =	vnsel vm9, $0x0, v19  }
0x12b: {  	v22 =	vnsel vm10, $0x0, v20;
	v21 =	vmin.u32 v5, $0x23F;
	v3 =	vadd.f32 v4, v3  }
0x12c: {  	v26 =	vld [tilespmem:$0x100];
	v5 =	vmin.u32 v22, $0x23F  }
0x12d: {  	v27 =	vld [tilespmem:$0x300];
	v3 =	vadd.f32 v3, v0  }
0x12e: {  	v24 =	vld [tilespmem:$0x8F0]  }
0x12f: {  	v25 =	vld [tilespmem:$0xAF0];
	[tilespmem:$0x11E0] =	vst v3  }
0x130: {  	v3 =	vld.idx.msk [tilespmem:v21+s14+$0x0], $0xffff  }
0x131: {  	v23 =	vld.idx.msk [tilespmem:v5+s15+$0x0], $0xffff;
	_ =	sdelay $0x3  }
0x132: {  	v29 =	vadd.s32 $0xFFF0C000, v27;
	vm11 =	vgt.s32 v17, $0xF3FFF;
	vm12 =	vgt.s32 v18, $0xF3FFF  }
0x133: {  	v28 =	vadd.s32 $0xFFF0C000, v26;
	v3 =	vsel vm11, v3, v24;
	v4 =	vsel vm12, v23, v25  }
0x134: {  	vm13 =	vgt.s32 v28, $0x0;
	v3 =	vmul.f32 v3, v1;
	v4 =	vmul.f32 v4, v2  }
0x135: {  	vm14 =	vgt.s32 v29, $0x0;
	v5 =	vnsel vm13, $0x0, v28  }
0x136: {  	v31 =	vnsel vm14, $0x0, v29;
	v30 =	vmin.u32 v5, $0x23F;
	v3 =	vadd.f32 v4, v3  }
0x137: {  	v35 =	vld [tilespmem:$0x110];
	v5 =	vmin.u32 v31, $0x23F  }
0x138: {  	v36 =	vld [tilespmem:$0x310];
	v3 =	vadd.f32 v3, v0  }
0x139: {  	v33 =	vld [tilespmem:$0x900]  }
0x13a: {  	v34 =	vld [tilespmem:$0xB00];
	[tilespmem:$0x11F0] =	vst v3  }
0x13b: {  	v3 =	vld.idx.msk [tilespmem:v30+s14+$0x0], $0xffff  }
0x13c: {  	v32 =	vld.idx.msk [tilespmem:v5+s15+$0x0], $0xffff;
	_ =	sdelay $0x3  }
0x13d: {  	v38 =	vadd.s32 $0xFFF0C000, v36;
	vm15 =	vgt.s32 v26, $0xF3FFF;
	vm4 =	vgt.s32 v27, $0xF3FFF  }
0x13e: {  	v37 =	vadd.s32 $0xFFF0C000, v35;
	v3 =	vsel vm15, v3, v33;
	v4 =	vsel vm4, v32, v34  }
0x13f: {  	vm5 =	vgt.s32 v37, $0x0;
	v3 =	vmul.f32 v3, v1;
	v4 =	vmul.f32 v4, v2  }
0x140: {  	vm6 =	vgt.s32 v38, $0x0;
	v5 =	vnsel vm5, $0x0, v37  }
0x141: {  	v40 =	vnsel vm6, $0x0, v38;
	v39 =	vmin.u32 v5, $0x23F;
	v3 =	vadd.f32 v4, v3  }
0x142: {  	v44 =	vld [tilespmem:$0x120];
	v5 =	vmin.u32 v40, $0x23F  }
0x143: {  	v45 =	vld [tilespmem:$0x320];
	v3 =	vadd.f32 v3, v0  }
0x144: {  	v42 =	vld [tilespmem:$0x910]  }
0x145: {  	v43 =	vld [tilespmem:$0xB10];
	[tilespmem:$0x1200] =	vst v3  }
0x146: {  	v3 =	vld.idx.msk [tilespmem:v39+s14+$0x0], $0xffff  }
0x147: {  	v41 =	vld.idx.msk [tilespmem:v5+s15+$0x0], $0xffff;
	_ =	sdelay $0x3  }
0x148: {  	v47 =	vadd.s32 $0xFFF0C000, v45;
	vm7 =	vgt.s32 v35, $0xF3FFF;
	vm8 =	vgt.s32 v36, $0xF3FFF  }
0x149: {  	v46 =	vadd.s32 $0xFFF0C000, v44;
	v3 =	vsel vm7, v3, v42;
	v4 =	vsel vm8, v41, v43  }
0x14a: {  	vm9 =	vgt.s32 v46, $0x0;
	v3 =	vmul.f32 v3, v1;
	v4 =	vmul.f32 v4, v2  }
0x14b: {  	vm10 =	vgt.s32 v47, $0x0;
	v5 =	vnsel vm9, $0x0, v46  }
0x14c: {  	v49 =	vnsel vm10, $0x0, v47;
	v48 =	vmin.u32 v5, $0x23F;
	v3 =	vadd.f32 v4, v3  }
0x14d: {  	v53 =	vld [tilespmem:$0x130];
	v5 =	vmin.u32 v49, $0x23F  }
0x14e: {  	v54 =	vld [tilespmem:$0x330];
	v3 =	vadd.f32 v3, v0  }
0x14f: {  	v51 =	vld [tilespmem:$0x920]  }
0x150: {  	v52 =	vld [tilespmem:$0xB20];
	[tilespmem:$0x1210] =	vst v3  }
0x151: {  	v3 =	vld.idx.msk [tilespmem:v48+s14+$0x0], $0xffff  }
0x152: {  	v50 =	vld.idx.msk [tilespmem:v5+s15+$0x0], $0xffff;
	_ =	sdelay $0x3  }
0x153: {  	v56 =	vadd.s32 $0xFFF0C000, v54;
	vm11 =	vgt.s32 v44, $0xF3FFF;
	vm12 =	vgt.s32 v45, $0xF3FFF  }
0x154: {  	v55 =	vadd.s32 $0xFFF0C000, v53;
	v3 =	vsel vm11, v3, v51;
	v4 =	vsel vm12, v50, v52  }
0x155: {  	vm13 =	vgt.s32 v55, $0x0;
	v3 =	vmul.f32 v3, v1;
	v4 =	vmul.f32 v4, v2  }
0x156: {  	vm14 =	vgt.s32 v56, $0x0;
	v5 =	vnsel vm13, $0x0, v55  }
0x157: {  	v58 =	vnsel vm14, $0x0, v56;
	v57 =	vmin.u32 v5, $0x23F;
	v3 =	vadd.f32 v4, v3  }
0x158: {  	v62 =	vld [tilespmem:$0x140];
	v5 =	vmin.u32 v58, $0x23F  }
0x159: {  	v63 =	vld [tilespmem:$0x340];
	v3 =	vadd.f32 v3, v0  }
0x15a: {  	v60 =	vld [tilespmem:$0x930]  }
0x15b: {  	v61 =	vld [tilespmem:$0xB30];
	[tilespmem:$0x1220] =	vst v3  }
0x15c: {  	v3 =	vld.idx.msk [tilespmem:v57+s14+$0x0], $0xffff  }
0x15d: {  	v59 =	vld.idx.msk [tilespmem:v5+s15+$0x0], $0xffff;
	_ =	sdelay $0x3  }
0x15e: {  	v11 =	vadd.s32 $0xFFF0C000, v63;
	vm15 =	vgt.s32 v53, $0xF3FFF;
	vm4 =	vgt.s32 v54, $0xF3FFF  }
0x15f: {  	v10 =	vadd.s32 $0xFFF0C000, v62;
	v3 =	vsel vm15, v3, v60;
	v4 =	vsel vm4, v59, v61  }
0x160: {  	vm5 =	vgt.s32 v10, $0x0;
	v3 =	vmul.f32 v3, v1;
	v4 =	vmul.f32 v4, v2  }
0x161: {  	vm6 =	vgt.s32 v11, $0x0;
	v5 =	vnsel vm5, $0x0, v10  }
0x162: {  	v13 =	vnsel vm6, $0x0, v11;
	v12 =	vmin.u32 v5, $0x23F;
	v3 =	vadd.f32 v4, v3  }
0x163: {  	v17 =	vld [tilespmem:$0x150];
	v5 =	vmin.u32 v13, $0x23F  }
0x164: {  	v18 =	vld [tilespmem:$0x350];
	v3 =	vadd.f32 v3, v0  }
0x165: {  	v15 =	vld [tilespmem:$0x940]  }
0x166: {  	v16 =	vld [tilespmem:$0xB40];
	[tilespmem:$0x1230] =	vst v3  }
0x167: {  	v3 =	vld.idx.msk [tilespmem:v12+s14+$0x0], $0xffff  }
0x168: {  	v14 =	vld.idx.msk [tilespmem:v5+s15+$0x0], $0xffff;
	_ =	sdelay $0x3  }
0x169: {  	v20 =	vadd.s32 $0xFFF0C000, v18;
	vm7 =	vgt.s32 v62, $0xF3FFF;
	vm8 =	vgt.s32 v63, $0xF3FFF  }
0x16a: {  	v19 =	vadd.s32 $0xFFF0C000, v17;
	v3 =	vsel vm7, v3, v15;
	v4 =	vsel vm8, v14, v16  }
0x16b: {  	vm9 =	vgt.s32 v19, $0x0;
	v3 =	vmul.f32 v3, v1;
	v4 =	vmul.f32 v4, v2  }
0x16c: {  	vm10 =	vgt.s32 v20, $0x0;
	v5 =	vnsel vm9, $0x0, v19  }
0x16d: {  	v22 =	vnsel vm10, $0x0, v20;
	v21 =	vmin.u32 v5, $0x23F;
	v3 =	vadd.f32 v4, v3  }
0x16e: {  	v26 =	vld [tilespmem:$0x160];
	v5 =	vmin.u32 v22, $0x23F  }
0x16f: {  	v27 =	vld [tilespmem:$0x360];
	v3 =	vadd.f32 v3, v0  }
0x170: {  	v24 =	vld [tilespmem:$0x950]  }
0x171: {  	v25 =	vld [tilespmem:$0xB50];
	[tilespmem:$0x1240] =	vst v3  }
0x172: {  	v3 =	vld.idx.msk [tilespmem:v21+s14+$0x0], $0xffff  }
0x173: {  	v23 =	vld.idx.msk [tilespmem:v5+s15+$0x0], $0xffff;
	_ =	sdelay $0x3  }
0x174: {  	v29 =	vadd.s32 $0xFFF0C000, v27;
	vm11 =	vgt.s32 v17, $0xF3FFF;
	vm12 =	vgt.s32 v18, $0xF3FFF  }
0x175: {  	v28 =	vadd.s32 $0xFFF0C000, v26;
	v3 =	vsel vm11, v3, v24;
	v4 =	vsel vm12, v23, v25  }
0x176: {  	vm13 =	vgt.s32 v28, $0x0;
	v3 =	vmul.f32 v3, v1;
	v4 =	vmul.f32 v4, v2  }
0x177: {  	vm14 =	vgt.s32 v29, $0x0;
	v5 =	vnsel vm13, $0x0, v28  }
0x178: {  	v31 =	vnsel vm14, $0x0, v29;
	v30 =	vmin.u32 v5, $0x23F;
	v3 =	vadd.f32 v4, v3  }
0x179: {  	v35 =	vld [tilespmem:$0x170];
	v5 =	vmin.u32 v31, $0x23F  }
0x17a: {  	v36 =	vld [tilespmem:$0x370];
	v3 =	vadd.f32 v3, v0  }
0x17b: {  	v33 =	vld [tilespmem:$0x960]  }
0x17c: {  	v34 =	vld [tilespmem:$0xB60];
	[tilespmem:$0x1250] =	vst v3  }
0x17d: {  	v3 =	vld.idx.msk [tilespmem:v30+s14+$0x0], $0xffff  }
0x17e: {  	v32 =	vld.idx.msk [tilespmem:v5+s15+$0x0], $0xffff;
	_ =	sdelay $0x3  }
0x17f: {  	v38 =	vadd.s32 $0xFFF0C000, v36;
	vm15 =	vgt.s32 v26, $0xF3FFF;
	vm4 =	vgt.s32 v27, $0xF3FFF  }
0x180: {  	v37 =	vadd.s32 $0xFFF0C000, v35;
	v3 =	vsel vm15, v3, v33;
	v4 =	vsel vm4, v32, v34  }
0x181: {  	vm5 =	vgt.s32 v37, $0x0;
	v3 =	vmul.f32 v3, v1;
	v4 =	vmul.f32 v4, v2  }
0x182: {  	vm6 =	vgt.s32 v38, $0x0;
	v5 =	vnsel vm5, $0x0, v37  }
0x183: {  	v40 =	vnsel vm6, $0x0, v38;
	v39 =	vmin.u32 v5, $0x23F;
	v3 =	vadd.f32 v4, v3  }
0x184: {  	v44 =	vld [tilespmem:$0x180];
	v5 =	vmin.u32 v40, $0x23F  }
0x185: {  	v45 =	vld [tilespmem:$0x380];
	v3 =	vadd.f32 v3, v0  }
0x186: {  	v42 =	vld [tilespmem:$0x970]  }
0x187: {  	v43 =	vld [tilespmem:$0xB70];
	[tilespmem:$0x1260] =	vst v3  }
0x188: {  	v3 =	vld.idx.msk [tilespmem:v39+s14+$0x0], $0xffff  }
0x189: {  	v41 =	vld.idx.msk [tilespmem:v5+s15+$0x0], $0xffff;
	_ =	sdelay $0x3  }
0x18a: {  	v47 =	vadd.s32 $0xFFF0C000, v45;
	vm7 =	vgt.s32 v35, $0xF3FFF;
	vm8 =	vgt.s32 v36, $0xF3FFF  }
0x18b: {  	v46 =	vadd.s32 $0xFFF0C000, v44;
	v3 =	vsel vm7, v3, v42;
	v4 =	vsel vm8, v41, v43  }
0x18c: {  	vm9 =	vgt.s32 v46, $0x0;
	v3 =	vmul.f32 v3, v1;
	v4 =	vmul.f32 v4, v2  }
0x18d: {  	vm10 =	vgt.s32 v47, $0x0;
	v5 =	vnsel vm9, $0x0, v46  }
0x18e: {  	v49 =	vnsel vm10, $0x0, v47;
	v48 =	vmin.u32 v5, $0x23F;
	v3 =	vadd.f32 v4, v3  }
0x18f: {  	v53 =	vld [tilespmem:$0x190];
	v5 =	vmin.u32 v49, $0x23F  }
0x190: {  	v54 =	vld [tilespmem:$0x390];
	v3 =	vadd.f32 v3, v0  }
0x191: {  	v51 =	vld [tilespmem:$0x980]  }
0x192: {  	v52 =	vld [tilespmem:$0xB80];
	[tilespmem:$0x1270] =	vst v3  }
0x193: {  	v3 =	vld.idx.msk [tilespmem:v48+s14+$0x0], $0xffff  }
0x194: {  	v50 =	vld.idx.msk [tilespmem:v5+s15+$0x0], $0xffff;
	_ =	sdelay $0x3  }
0x195: {  	v56 =	vadd.s32 $0xFFF0C000, v54;
	vm11 =	vgt.s32 v44, $0xF3FFF;
	vm12 =	vgt.s32 v45, $0xF3FFF  }
0x196: {  	v55 =	vadd.s32 $0xFFF0C000, v53;
	v3 =	vsel vm11, v3, v51;
	v4 =	vsel vm12, v50, v52  }
0x197: {  	vm13 =	vgt.s32 v55, $0x0;
	v3 =	vmul.f32 v3, v1;
	v4 =	vmul.f32 v4, v2  }
0x198: {  	vm14 =	vgt.s32 v56, $0x0;
	v5 =	vnsel vm13, $0x0, v55  }
0x199: {  	v58 =	vnsel vm14, $0x0, v56;
	v57 =	vmin.u32 v5, $0x23F;
	v3 =	vadd.f32 v4, v3  }
0x19a: {  	v62 =	vld [tilespmem:$0x1A0];
	v5 =	vmin.u32 v58, $0x23F  }
0x19b: {  	v63 =	vld [tilespmem:$0x3A0];
	v3 =	vadd.f32 v3, v0  }
0x19c: {  	v60 =	vld [tilespmem:$0x990]  }
0x19d: {  	v61 =	vld [tilespmem:$0xB90];
	[tilespmem:$0x1280] =	vst v3  }
0x19e: {  	v3 =	vld.idx.msk [tilespmem:v57+s14+$0x0], $0xffff  }
0x19f: {  	v59 =	vld.idx.msk [tilespmem:v5+s15+$0x0], $0xffff;
	_ =	sdelay $0x3  }
0x1a0: {  	v13 =	vadd.s32 $0xFFF0C000, v63;
	vm15 =	vgt.s32 v53, $0xF3FFF;
	vm4 =	vgt.s32 v54, $0xF3FFF  }
0x1a1: {  	v12 =	vadd.s32 $0xFFF0C000, v62;
	v3 =	vsel vm15, v3, v60;
	v4 =	vsel vm4, v59, v61  }
0x1a2: {  	vm5 =	vgt.s32 v12, $0x0;
	v3 =	vmul.f32 v3, v1;
	v4 =	vmul.f32 v4, v2  }
0x1a3: {  	vm6 =	vgt.s32 v13, $0x0;
	v5 =	vnsel vm5, $0x0, v12  }
0x1a4: {  	v15 =	vnsel vm6, $0x0, v13;
	v14 =	vmin.u32 v5, $0x23F;
	v3 =	vadd.f32 v4, v3  }
0x1a5: {  	v20 =	vld [tilespmem:$0x3B0];
	v5 =	vmin.u32 v15, $0x23F  }
0x1a6: {  	v17 =	vld [tilespmem:$0x9A0];
	v3 =	vadd.f32 v3, v0  }
0x1a7: {  	v18 =	vld [tilespmem:$0xBA0]  }
0x1a8: {  	v19 =	vld [tilespmem:$0x1B0];
	[tilespmem:$0x1290] =	vst v3  }
0x1a9: {  	v3 =	vld.idx.msk [tilespmem:v14+s14+$0x0], $0xffff  }
0x1aa: {  	v16 =	vld.idx.msk [tilespmem:v5+s15+$0x0], $0xffff;
	_ =	sdelay $0x3  }
0x1ab: {  	v22 =	vadd.s32 $0xFFF0C000, v20;
	vm7 =	vgt.s32 v62, $0xF3FFF;
	vm8 =	vgt.s32 v63, $0xF3FFF  }
0x1ac: {  	v21 =	vadd.s32 $0xFFF0C000, v19;
	v3 =	vsel vm7, v3, v17;
	v4 =	vsel vm8, v16, v18  }
0x1ad: {  	vm9 =	vgt.s32 v21, $0x0;
	v3 =	vmul.f32 v3, v1;
	v4 =	vmul.f32 v4, v2  }
0x1ae: {  	vm10 =	vgt.s32 v22, $0x0;
	v5 =	vnsel vm9, $0x0, v21  }
0x1af: {  	v24 =	vnsel vm10, $0x0, v22;
	v23 =	vmin.u32 v5, $0x23F;
	v3 =	vadd.f32 v4, v3  }
0x1b0: {  	v29 =	vld [tilespmem:$0x3C0];
	v5 =	vmin.u32 v24, $0x23F  }
0x1b1: {  	v26 =	vld [tilespmem:$0x9B0];
	v3 =	vadd.f32 v3, v0  }
0x1b2: {  	v27 =	vld [tilespmem:$0xBB0]  }
0x1b3: {  	v28 =	vld [tilespmem:$0x1C0];
	[tilespmem:$0x12A0] =	vst v3  }
0x1b4: {  	v3 =	vld.idx.msk [tilespmem:v23+s14+$0x0], $0xffff  }
0x1b5: {  	v25 =	vld.idx.msk [tilespmem:v5+s15+$0x0], $0xffff;
	_ =	sdelay $0x3  }
0x1b6: {  	v31 =	vadd.s32 $0xFFF0C000, v29;
	vm11 =	vgt.s32 v19, $0xF3FFF;
	vm12 =	vgt.s32 v20, $0xF3FFF  }
0x1b7: {  	v30 =	vadd.s32 $0xFFF0C000, v28;
	v3 =	vsel vm11, v3, v26;
	v4 =	vsel vm12, v25, v27  }
0x1b8: {  	vm13 =	vgt.s32 v30, $0x0;
	v3 =	vmul.f32 v3, v1;
	v4 =	vmul.f32 v4, v2  }
0x1b9: {  	vm14 =	vgt.s32 v31, $0x0;
	v5 =	vnsel vm13, $0x0, v30  }
0x1ba: {  	v33 =	vnsel vm14, $0x0, v31;
	v32 =	vmin.u32 v5, $0x23F;
	v3 =	vadd.f32 v4, v3  }
0x1bb: {  	v38 =	vld [tilespmem:$0x3D0];
	v5 =	vmin.u32 v33, $0x23F  }
0x1bc: {  	v35 =	vld [tilespmem:$0x9C0];
	v3 =	vadd.f32 v3, v0  }
0x1bd: {  	v36 =	vld [tilespmem:$0xBC0]  }
0x1be: {  	v37 =	vld [tilespmem:$0x1D0];
	[tilespmem:$0x12B0] =	vst v3  }
0x1bf: {  	v3 =	vld.idx.msk [tilespmem:v32+s14+$0x0], $0xffff  }
0x1c0: {  	v34 =	vld.idx.msk [tilespmem:v5+s15+$0x0], $0xffff;
	_ =	sdelay $0x3  }
0x1c1: {  	v40 =	vadd.s32 $0xFFF0C000, v38;
	vm15 =	vgt.s32 v28, $0xF3FFF;
	vm4 =	vgt.s32 v29, $0xF3FFF  }
0x1c2: {  	v39 =	vadd.s32 $0xFFF0C000, v37;
	v3 =	vsel vm15, v3, v35;
	v4 =	vsel vm4, v34, v36  }
0x1c3: {  	vm5 =	vgt.s32 v39, $0x0;
	v3 =	vmul.f32 v3, v1;
	v4 =	vmul.f32 v4, v2  }
0x1c4: {  	vm6 =	vgt.s32 v40, $0x0;
	v5 =	vnsel vm5, $0x0, v39  }
0x1c5: {  	v42 =	vnsel vm6, $0x0, v40;
	v41 =	vmin.u32 v5, $0x23F;
	v3 =	vadd.f32 v4, v3  }
0x1c6: {  	v47 =	vld [tilespmem:$0x3E0];
	v5 =	vmin.u32 v42, $0x23F  }
0x1c7: {  	v44 =	vld [tilespmem:$0x9D0];
	v3 =	vadd.f32 v3, v0  }
0x1c8: {  	v45 =	vld [tilespmem:$0xBD0]  }
0x1c9: {  	v46 =	vld [tilespmem:$0x1E0];
	[tilespmem:$0x12C0] =	vst v3  }
0x1ca: {  	v3 =	vld.idx.msk [tilespmem:v41+s14+$0x0], $0xffff  }
0x1cb: {  	v43 =	vld.idx.msk [tilespmem:v5+s15+$0x0], $0xffff;
	_ =	sdelay $0x3  }
0x1cc: {  	v49 =	vadd.s32 $0xFFF0C000, v47;
	vm7 =	vgt.s32 v37, $0xF3FFF;
	vm8 =	vgt.s32 v38, $0xF3FFF  }
0x1cd: {  	v48 =	vadd.s32 $0xFFF0C000, v46;
	v3 =	vsel vm7, v3, v44;
	v4 =	vsel vm8, v43, v45  }
0x1ce: {  	vm9 =	vgt.s32 v48, $0x0;
	v3 =	vmul.f32 v3, v1;
	v4 =	vmul.f32 v4, v2  }
0x1cf: {  	vm10 =	vgt.s32 v49, $0x0;
	v5 =	vnsel vm9, $0x0, v48  }
0x1d0: {  	v51 =	vnsel vm10, $0x0, v49;
	v50 =	vmin.u32 v5, $0x23F;
	v3 =	vadd.f32 v4, v3  }
0x1d1: {  	v56 =	vld [tilespmem:$0x3F0];
	v5 =	vmin.u32 v51, $0x23F  }
0x1d2: {  	v53 =	vld [tilespmem:$0x9E0];
	v3 =	vadd.f32 v3, v0  }
0x1d3: {  	v54 =	vld [tilespmem:$0xBE0]  }
0x1d4: {  	v55 =	vld [tilespmem:$0x1F0];
	[tilespmem:$0x12D0] =	vst v3  }
0x1d5: {  	v3 =	vld.idx.msk [tilespmem:v50+s14+$0x0], $0xffff  }
0x1d6: {  	v52 =	vld.idx.msk [tilespmem:v5+s15+$0x0], $0xffff;
	_ =	sdelay $0x3  }
0x1d7: {  	v58 =	vadd.s32 $0xFFF0C000, v56;
	vm11 =	vgt.s32 v46, $0xF3FFF;
	vm12 =	vgt.s32 v47, $0xF3FFF  }
0x1d8: {  	v57 =	vadd.s32 $0xFFF0C000, v55;
	v3 =	vsel vm11, v3, v53;
	v4 =	vsel vm12, v52, v54  }
0x1d9: {  	vm13 =	vgt.s32 v57, $0x0;
	v3 =	vmul.f32 v3, v1;
	v4 =	vmul.f32 v4, v2  }
0x1da: {  	vm14 =	vgt.s32 v58, $0x0;
	v5 =	vnsel vm13, $0x0, v57  }
0x1db: {  	v60 =	vnsel vm14, $0x0, v58;
	v59 =	vmin.u32 v5, $0x23F;
	v3 =	vadd.f32 v4, v3  }
0x1dc: {  	v5 =	vmin.u32 v60, $0x23F  }
0x1dd: {  	v3 =	vadd.f32 v3, v0  }
0x1de: {  	v62 =	vld [tilespmem:$0x9F0]  }
0x1df: {  	v63 =	vld [tilespmem:$0xBF0];
	[tilespmem:$0x12E0] =	vst v3  }
0x1e0: {  	v3 =	vld.idx.msk [tilespmem:v59+s14+$0x0], $0xffff  }
0x1e1: {  	v61 =	vld.idx.msk [tilespmem:v5+s15+$0x0], $0xffff;
	_ =	sdelay $0x3  }
0x1e2: {  	vm1 =	vgt.s32 v56, $0xF3FFF;
	vm15 =	vgt.s32 v55, $0xF3FFF  }
0x1e3: {  	v3 =	vsel vm15, v3, v62;
	v4 =	vsel vm1, v61, v63  }
0x1e4: {  	v1 =	vmul.f32 v3, v1;
	v2 =	vmul.f32 v4, v2;
	_ =	sdelay $0x1  }
0x1e5: {  	v1 =	vadd.f32 v2, v1;
	_ =	sdelay $0x1  }
0x1e6: {  	v0 =	vadd.f32 v1, v0  }
0x1e7: {  	p0 =	sne.s32 s11, $0x1  }
.Ltmp0:
0x1e8: {  	[tilespmem:$0x12F0] =	vst v0;
	(pc) =	sbr.rel @p0 .LBB2_1-.Ltmp0, $4  }
0x1e9: {  	[hbm4b:s10+s2] =	stream.linear.scatter [tilespmem:s23], [sflag:$0x4], $0x200, $0x38;
	[tilespmem:$0x1500] =	vst v63  }
0x1ea: {  	_ =	swait.ge [sflag:s24], $0x200  }
0x1eb: {  	[sflag:s24] =	ssyncset.done $0x0  }
0x1ec: {  	s11 =	sadd.s32 $0xFFFFFFFF, s11;
	[sflag:s24] =	ssyncadd.s32 $0xFFFFFE00  }
0x1ed: {  	_ =	sfence.sel $0x180000  }
0x1ee: {  	[bflag:$0x0] =	sbarrier.arrive $0xFFFF  }
0x1ef: {  	p0 =	sne.s32 s3, $0x0;
	_ =	strace $0x90000047  }
0x1f0: {  	s0 =	sadd.s32 @!p0 $0x100000, s0;
	[bflag:$0x2] =	sbarrier.arrive $0xFFFF  }
0x1f1: {  	[sflag:s0] =	ssyncadd.tile.s32 @!p0 $0x1;
	_ =	shalt  }
.Lfunc_end2:
_tile_overlayer_lowered:
.L_overlay_start_2:
0x1f2: {  	(tag) =	ssettag $0x2  }
0x1f3: {  	s0 =	rddreg [dreg:$0x0];
	s2 =	stileid.u32  }
0x1f4: {  	s1 =	rddreg [dreg:$0x1];
	p0 =	sne.s32 s2, $0x0  }
0x1f5: {  	s3 =	rddreg [dreg:$0x2];
	[bflag:$0x3] =	sbarrier.arrive $0xFFFF;
	s2 =	simm.s32 @!p0 $0x1C04  }
0x1f6: {  	[timem:s3], [sflag:s2] =	dma.local @!p0 [hbm:s0], s1  }
0x1f7: {  	s0 =	simm.s32 @!p0 $0x4  }
0x1f8: {  	_ =	swait.ge @!p0 [sflag:s0], s1  }
0x1f9: {  	s1 =	ssub.s32 @!p0 $0x0, s1;
	[sflag:s0] =	ssyncset.done @!p0 $0x0  }
0x1fa: {  	[sflag:s0] =	ssyncadd.s32 @!p0 s1  }
0x1fb: {  	[bflag:$0x3] =	sbarrier.arrive $0xFFFF  }
0x1fc: {  	_ =	shalt  }

</sc_bundles>
